<compile_context>
chip_gen: v7x
topology: tpu7x:2x2x1
jax: 0.10.2.dev20260603
libtpu: 0.0.44.dev20260713+nightly
codegen_flags: <defaults>
</compile_context>

<pallas_src>
import jax
import jax.numpy as jnp
from jax import lax
from jax.experimental import pallas as pl
from jax.experimental.pallas import tpu as pltpu
from jax.experimental.pallas import tpu_sc as plsc

_N = 10000
_E = 320000
_D = 128
_H = 128

_NC = 2
_NS = 16
_RA = 624
_RL = _N - 15 * _RA
_EPC = _E // _NC
_EPT = _EPC // _NS

_KA = 2000
_KB = 200
_NCHB = _E // _NS // _KB
_EPTB = _E // _NS
_KC = 1000
_NCHC = _EPT // _KC

_BLK = 1000
_GRID = _N // _BLK


def _sc_mesh():
    return plsc.VectorSubcoreMesh(core_axis_name="c", subcore_axis_name="s",
                                  num_cores=_NC, num_subcores=_NS)



def _tile_slab_copy(sid, copy_fn):
    @pl.when(sid < _NS - 1)
    def _body():
        copy_fn(sid * _RA, _RA)

    @pl.when(sid == _NS - 1)
    def _last():
        copy_fn((_NS - 1) * _RA, _RL)


def _deg_body(ei_h, ones_h, zero_h, out_h, acc, idx_d, ones_v):
    cid = lax.axis_index("c")
    sid = lax.axis_index("s")
    _tile_slab_copy(sid, lambda rb, nr: pltpu.sync_copy(
        zero_h.at[pl.ds(rb, nr), :], acc.at[pl.ds(rb, nr), :]))
    pltpu.sync_copy(ones_h, ones_v)
    plsc.subcore_barrier()
    ebase = cid * _EPC + sid * _EPT

    def chunk(i, carry):
        off = ebase + i * _KA
        pltpu.sync_copy(ei_h.at[1, pl.ds(off, _KA)], idx_d)
        pltpu.sync_copy(ones_v, acc.at[idx_d], add=True)
        return carry

    lax.fori_loop(0, _EPT // _KA, chunk, 0)
    plsc.subcore_barrier()
    _tile_slab_copy(sid, lambda rb, nr: pltpu.sync_copy(
        acc.at[pl.ds(rb, nr), :],
        out_h.at[pl.ds(rb, nr), pl.ds(cid * 8, 8)]))


_SC_PARAMS = pltpu.CompilerParams(use_tc_tiling_on_sc=False)

_deg_kernel = pl.kernel(
    _deg_body,
    out_type=jax.ShapeDtypeStruct((_N, _H), jnp.float32),
    mesh=_sc_mesh(),
    compiler_params=_SC_PARAMS,
    scratch_types=[
        pltpu.VMEM_SHARED((_N, 8), jnp.float32),
        pltpu.VMEM((_KA,), jnp.int32),
        pltpu.VMEM((_KA, 8), jnp.float32),
    ],
)


def _pipelined_edge_loop(ei_h, k, nch, ebase, gather_view_fn, acc,
                         idx_s, idx_d, rows, isem, gsem, ssem):
    for j in range(2):
        pltpu.async_copy(ei_h.at[0, pl.ds(ebase + j * k, k)], idx_s.at[j],
                         isem)
        pltpu.async_copy(ei_h.at[1, pl.ds(ebase + j * k, k)], idx_d.at[j],
                         isem)

    def chunk(i, carry):
        b3 = lax.rem(i, 3)
        b4 = lax.rem(i, 4)
        off = ebase + i * k
        pltpu.make_async_copy(ei_h.at[0, pl.ds(off, k)], idx_s.at[b4],
                              isem).wait()
        pltpu.make_async_copy(ei_h.at[1, pl.ds(off, k)], idx_d.at[b4],
                              isem).wait()
        gd = pltpu.async_copy(gather_view_fn(idx_s.at[b4]), rows.at[b3],
                              gsem)

        @pl.when(i >= 2)
        def _wait_scatter_i_minus_2():
            pltpu.make_async_copy(rows.at[lax.rem(i - 2, 3)],
                                  acc.at[idx_d.at[lax.rem(i - 2, 4)]],
                                  ssem).wait()

        @pl.when(i + 2 < nch)
        def _prefetch_idx():
            nb4 = lax.rem(i + 2, 4)
            pltpu.async_copy(ei_h.at[0, pl.ds(off + 2 * k, k)],
                             idx_s.at[nb4], isem)
            pltpu.async_copy(ei_h.at[1, pl.ds(off + 2 * k, k)],
                             idx_d.at[nb4], isem)

        gd.wait()
        pltpu.async_copy(rows.at[b3], acc.at[idx_d.at[b4]], ssem, add=True)
        return carry

    lax.fori_loop(0, nch, chunk, 0)
    for j in (nch - 2, nch - 1):
        pltpu.make_async_copy(rows.at[j % 3], acc.at[idx_d.at[j % 4]],
                              ssem).wait()


def _agg64_body(ei_h, tab_h, out_h, acc, tab_sp, idx_s, idx_d,
                rows, isem, gsem, ssem):
    cid = lax.axis_index("c")
    sid = lax.axis_index("s")

    def _init(rb, nr):
        pltpu.sync_copy(tab_h.at[pl.ds(rb, nr), pl.ds(cid * 64, 64)],
                        tab_sp.at[pl.ds(rb, nr), :])
        pltpu.sync_copy(tab_h.at[pl.ds(rb, nr), pl.ds(cid * 64, 64)],
                        acc.at[pl.ds(rb, nr), :])

    _tile_slab_copy(sid, _init)
    plsc.subcore_barrier()
    _pipelined_edge_loop(ei_h, _KB, _NCHB, sid * _EPTB,
                         lambda idx: tab_sp.at[idx], acc,
                         idx_s, idx_d, rows, isem, gsem, ssem)
    plsc.subcore_barrier()
    _tile_slab_copy(sid, lambda rb, nr: pltpu.sync_copy(
        acc.at[pl.ds(rb, nr), :],
        out_h.at[pl.ds(rb, nr), pl.ds(cid * 64, 64)]))


_agg64 = pl.kernel(
    _agg64_body,
    out_type=jax.ShapeDtypeStruct((_N, _H), jnp.float32),
    mesh=_sc_mesh(),
    compiler_params=_SC_PARAMS,
    scratch_types=[
        pltpu.VMEM_SHARED((_N, 64), jnp.float32),
        pltpu.VMEM_SHARED((_N, 64), jnp.float32),
        pltpu.VMEM((4, _KB), jnp.int32),
        pltpu.VMEM((4, _KB), jnp.int32),
        pltpu.VMEM((3, _KB, 64), jnp.float32),
        pltpu.SemaphoreType.DMA,
        pltpu.SemaphoreType.DMA,
        pltpu.SemaphoreType.DMA,
    ],
)


def _agg8_body(ei_h, tab_h, zero_h, out_h, acc, tab_sp, idx_s, idx_d,
               rows, isem, gsem, ssem):
    cid = lax.axis_index("c")
    sid = lax.axis_index("s")

    def _init(rb, nr):
        pltpu.sync_copy(tab_h.at[pl.ds(rb, nr), pl.ds(0, 8)],
                        tab_sp.at[pl.ds(rb, nr), :])

        @pl.when(cid == 0)
        def _self_loop():
            pltpu.sync_copy(tab_h.at[pl.ds(rb, nr), pl.ds(0, 8)],
                            acc.at[pl.ds(rb, nr), :])

        @pl.when(cid != 0)
        def _zero():
            pltpu.sync_copy(zero_h.at[pl.ds(rb, nr), :],
                            acc.at[pl.ds(rb, nr), :])

    _tile_slab_copy(sid, _init)
    plsc.subcore_barrier()
    _pipelined_edge_loop(ei_h, _KC, _NCHC, cid * _EPC + sid * _EPT,
                         lambda idx: tab_sp.at[idx], acc,
                         idx_s, idx_d, rows, isem, gsem, ssem)
    plsc.subcore_barrier()
    _tile_slab_copy(sid, lambda rb, nr: pltpu.sync_copy(
        acc.at[pl.ds(rb, nr), :],
        out_h.at[pl.ds(rb, nr), pl.ds(cid * 8, 8)]))


_agg8 = pl.kernel(
    _agg8_body,
    out_type=jax.ShapeDtypeStruct((_N, _H), jnp.float32),
    mesh=_sc_mesh(),
    compiler_params=_SC_PARAMS,
    scratch_types=[
        pltpu.VMEM_SHARED((_N, 8), jnp.float32),
        pltpu.VMEM_SHARED((_N, 8), jnp.float32),
        pltpu.VMEM((4, _KC), jnp.int32),
        pltpu.VMEM((4, _KC), jnp.int32),
        pltpu.VMEM((3, _KC, 8), jnp.float32),
        pltpu.SemaphoreType.DMA,
        pltpu.SemaphoreType.DMA,
        pltpu.SemaphoreType.DMA,
    ],
)



def _mm_scale_body(x_ref, w_ref, degp_ref, g_ref, dinv_ref):
    h = jnp.dot(x_ref[...], w_ref[...], preferred_element_type=jnp.float32)
    degp = degp_ref[...]
    deg = degp[:, 0:1] + degp[:, 8:9] + 1.0
    dinv = lax.rsqrt(deg)
    g_ref[...] = h * dinv
    dinv_ref[...] = jnp.broadcast_to(dinv, (_BLK, 8))


_mm_scale = pl.pallas_call(
    _mm_scale_body,
    grid=(_GRID,),
    in_specs=[
        pl.BlockSpec((_BLK, _D), lambda i: (i, 0)),
        pl.BlockSpec((_D, _H), lambda i: (0, 0)),
        pl.BlockSpec((_BLK, _H), lambda i: (i, 0)),
    ],
    out_specs=[
        pl.BlockSpec((_BLK, _H), lambda i: (i, 0)),
        pl.BlockSpec((_BLK, 8), lambda i: (i, 0)),
    ],
    out_shape=[
        jax.ShapeDtypeStruct((_N, _H), jnp.float32),
        jax.ShapeDtypeStruct((_N, 8), jnp.float32),
    ],
)


def _bn_fused_body(z1p_ref, dinv_ref, gamma_ref, beta_ref, w2_ref,
                   g2_ref, y1_vmem, s1_ref, s2_ref):
    p = pl.program_id(0)
    i = pl.program_id(1)

    @pl.when(p == 0)
    def _stats_phase():
        dinv = dinv_ref[...][:, 0:1]
        y1 = dinv * z1p_ref[...]
        y1_vmem[pl.ds(i * _BLK, _BLK), :] = y1
        s1 = jnp.sum(y1, axis=0, keepdims=True)
        s2 = jnp.sum(y1 * y1, axis=0, keepdims=True)

        @pl.when(i == 0)
        def _init():
            s1_ref[...] = s1
            s2_ref[...] = s2

        @pl.when(i != 0)
        def _acc():
            s1_ref[...] += s1
            s2_ref[...] += s2

    @pl.when(p == 1)
    def _apply_phase():
        mean = s1_ref[...] / _N
        var = s2_ref[...] / _N - mean * mean
        scale = lax.rsqrt(var + 1e-5) * gamma_ref[...]
        shift = beta_ref[...] - mean * scale
        y1 = y1_vmem[pl.ds(i * _BLK, _BLK), :]
        x2 = jnp.maximum(y1 * scale + shift, 0.0)
        y = jnp.dot(x2, w2_ref[...], preferred_element_type=jnp.float32)
        g2_ref[...] = jnp.broadcast_to(dinv_ref[...][:, 0:1] * y,
                                       (_BLK, _H))


_bn_fused = pl.pallas_call(
    _bn_fused_body,
    grid=(2, _GRID),
    in_specs=[
        pl.BlockSpec((_BLK, _H), lambda p, i: (i * (1 - p), 0)),
        pl.BlockSpec((_BLK, 8), lambda p, i: (i, 0)),
        pl.BlockSpec((1, _H), lambda p, i: (0, 0)),
        pl.BlockSpec((1, _H), lambda p, i: (0, 0)),
        pl.BlockSpec((_H, 1), lambda p, i: (0, 0)),
    ],
    out_specs=pl.BlockSpec((_BLK, _H), lambda p, i: (i, 0)),
    out_shape=jax.ShapeDtypeStruct((_N, _H), jnp.float32),
    scratch_shapes=[
        pltpu.VMEM((_N, _H), jnp.float32),
        pltpu.VMEM((1, _H), jnp.float32),
        pltpu.VMEM((1, _H), jnp.float32),
    ],
)


def _out_body(z2p_ref, dinv_ref, b2_ref, o_ref):
    dinv = dinv_ref[...][:, 0:1]
    z2p = z2p_ref[...]
    z2 = z2p[:, 0:1] + z2p[:, 8:9]
    o_ref[...] = dinv * z2 + b2_ref[0, 0]


_out_k = pl.pallas_call(
    _out_body,
    grid=(_GRID,),
    in_specs=[
        pl.BlockSpec((_BLK, _H), lambda i: (i, 0)),
        pl.BlockSpec((_BLK, 8), lambda i: (i, 0)),
        pl.BlockSpec((1, 1), lambda i: (0, 0)),
    ],
    out_specs=pl.BlockSpec((_BLK, 1), lambda i: (i, 0)),
    out_shape=jax.ShapeDtypeStruct((_N, 1), jnp.float32),
)


def kernel(features, edge_index, W1, b1, gamma, beta, W2, b2):
    del b1
    zeros8 = jnp.zeros((_N, 8), jnp.float32)
    ones8 = jnp.ones((_KA, 8), jnp.float32)

    degp = _deg_kernel(edge_index, ones8, zeros8)
    g, dinv8 = _mm_scale(features, W1, degp)
    z1 = _agg64(edge_index, g)
    g2 = _bn_fused(z1, dinv8, gamma.reshape(1, _H),
                   beta.reshape(1, _H), W2)
    z2p = _agg8(edge_index, g2, zeros8)
    return _out_k(z2p, dinv8, b2.reshape(1, 1))

# --- scband reference (transcript-rebuilt; emitter-appended) ---
"""Pipeline reference for scband-segment-gnn-61907658604946 (READ-ONLY COPY).

The authoritative reference and input builder live on the scoring server;
editing this copy changes nothing except your own understanding.
"""

import jax, jax.numpy as jnp
import numpy as np

N = 10000
E = 320000
D = 128
H = 128


def setup_inputs(seed: int = 0) -> dict:
    key = jax.random.key(seed)
    ks = jax.random.split(key, 8)
    features = jax.random.normal(ks[0], (N, D), dtype=jnp.float32)
    edge_index = jax.random.randint(ks[1], (2, E), 0, N, dtype=jnp.int32)
    W1 = jax.random.normal(ks[2], (D, H), dtype=jnp.float32) * (1.0 / np.sqrt(D))
    b1 = jnp.zeros((H,), dtype=jnp.float32)
    gamma = jnp.ones((H,), dtype=jnp.float32)
    beta = jnp.zeros((H,), dtype=jnp.float32)
    W2 = jax.random.normal(ks[3], (H, 1), dtype=jnp.float32) * (1.0 / np.sqrt(H))
    b2 = jnp.zeros((1,), dtype=jnp.float32)
    return {"features": features, "edge_index": edge_index, "W1": W1, "b1": b1,
            "gamma": gamma, "beta": beta, "W2": W2, "b2": b2}


def _gcn_conv(x, edge_index, W, b):
    # GCNConv (torch_geometric semantics): out = D^{-1/2}(A+I)D^{-1/2} X W + b
    src = edge_index[0]
    dst = edge_index[1]
    loop = jnp.arange(N, dtype=src.dtype)
    src = jnp.concatenate([src, loop])
    dst = jnp.concatenate([dst, loop])
    deg = jnp.zeros((N,), dtype=x.dtype).at[dst].add(1.0)
    dinv = jax.lax.rsqrt(jnp.maximum(deg, 1.0))
    norm = dinv[src] * dinv[dst]
    h = x @ W
    msg = jnp.take(h, src, axis=0) * norm[:, None]
    out = jax.ops.segment_sum(msg, dst, num_segments=N)
    return out + b


def reference(features, edge_index, W1, b1, gamma, beta, W2, b2):
    x = features.astype(jnp.float32)
    x = _gcn_conv(x, edge_index, W1, b1)
    # BatchNorm1d in training mode (batch statistics over nodes)
    mean = jnp.mean(x, axis=0)
    var = jnp.var(x, axis=0)
    x = (x - mean) * jax.lax.rsqrt(var + 1e-5) * gamma + beta
    x = jax.nn.relu(x)
    # Dropout acts as identity in eval / deterministic reference
    x = _gcn_conv(x, edge_index, W2, b2)
    return x

if __name__ == "__main__":
    import jax
    _d = setup_inputs()
    print(jax.jit(kernel)(*tuple(_d.values())))

</pallas_src>

<mosaic_0001>
#map = affine_map<(d0, d1) -> (0, 0)>
module attributes {stable_mosaic.version = 14 : i64} {
  func.func @_agg64_body(%arg0: i32, %arg1: i32, %arg2: memref<2x320000xi32, #tpu.memory_space<hbm>>, %arg3: memref<10000x128xf32, #tpu.memory_space<hbm>>, %arg4: memref<10000x128xf32, #tpu.memory_space<hbm>>, %arg5: memref<10000x64xf32, #tpu.memory_space<vmem_shared>>, %arg6: memref<10000x64xf32, #tpu.memory_space<vmem_shared>>, %arg7: memref<4x200xi32, #tpu.memory_space<vmem>>, %arg8: memref<4x200xi32, #tpu.memory_space<vmem>>, %arg9: memref<3x200x64xf32, #tpu.memory_space<vmem>>, %arg10: memref<!tpu.dma_semaphore, #tpu.memory_space<semaphore_mem>>, %arg11: memref<!tpu.dma_semaphore, #tpu.memory_space<semaphore_mem>>, %arg12: memref<!tpu.dma_semaphore, #tpu.memory_space<semaphore_mem>>) attributes {dimension_semantics = [#tpu.dimension_semantics<core_parallel>, #tpu.dimension_semantics<subcore_parallel>], iteration_bounds = array<i64: 2, 16>, scalar_prefetch = 0 : i64, scratch_operands = 8 : i64, tpu.core_type = #tpu.core_type<sc_vector_subcore>, window_params = [{transform_indices = #map}, {transform_indices = #map}, {transform_indices = #map}]} {
    %lt3A = arith.constant 15 : i32
    %lt3A_0 = arith.cmpi slt, %arg1, %lt3A : i32
    %convert_element_type3A = arith.extui %lt3A_0 : i1 to i32
    %cond3A = arith.constant 0 : i32
    %cond3A_1 = arith.cmpi ne, %convert_element_type3A, %cond3A : i32
    scf.if %cond3A_1 {
      %mul3A_100 = arith.constant 624 : i32
      %mul3A_101 = arith.muli %arg1, %mul3A_100 : i32
      %mul3A_102 = arith.constant 64 : i32
      %mul3A_103 = arith.muli %arg0, %mul3A_102 : i32
      "tpu.region"() ({
        %run_scoped3A = tpu.sem_alloc : memref<!tpu.dma_semaphore, #tpu.memory_space<semaphore_mem>>
        %dma_start3A_106 = arith.constant 0 : i32
        %dma_start3A_107 = tpu.memref_slice %arg6[%mul3A_101, %dma_start3A_106] : memref<10000x64xf32, #tpu.memory_space<vmem_shared>> -> memref<624x64xf32, #tpu.memory_space<vmem_shared>>
        %dma_start3A_108 = tpu.memref_slice %arg3[%mul3A_101, %mul3A_103] : memref<10000x128xf32, #tpu.memory_space<hbm>> -> memref<624x64xf32, #tpu.memory_space<hbm>>
        tpu.enqueue_dma source(%dma_start3A_108 : memref<624x64xf32, #tpu.memory_space<hbm>>) target(%dma_start3A_107 : memref<624x64xf32, #tpu.memory_space<vmem_shared>>) target_semaphore(%run_scoped3A : memref<!tpu.dma_semaphore, #tpu.memory_space<semaphore_mem>>)
        %dma_wait3A_109 = arith.constant 0 : i32
        %dma_wait3A_110 = tpu.memref_slice %arg6[%mul3A_101, %dma_wait3A_109] : memref<10000x64xf32, #tpu.memory_space<vmem_shared>> -> memref<624x64xf32, #tpu.memory_space<vmem_shared>>
        %dma_wait3A_111 = tpu.memref_slice %arg3[%mul3A_101, %mul3A_103] : memref<10000x128xf32, #tpu.memory_space<hbm>> -> memref<624x64xf32, #tpu.memory_space<hbm>>
        tpu.wait_dma2 semaphore(%run_scoped3A : memref<!tpu.dma_semaphore, #tpu.memory_space<semaphore_mem>>) src(%dma_wait3A_111 : memref<624x64xf32, #tpu.memory_space<hbm>>) dst(%dma_wait3A_110 : memref<624x64xf32, #tpu.memory_space<vmem_shared>>)
        tpu.yield
      }) : () -> ()
      %mul3A_104 = arith.constant 64 : i32
      %mul3A_105 = arith.muli %arg0, %mul3A_104 : i32
      "tpu.region"() ({
        %run_scoped3A = tpu.sem_alloc : memref<!tpu.dma_semaphore, #tpu.memory_space<semaphore_mem>>
        %dma_start3A_106 = arith.constant 0 : i32
        %dma_start3A_107 = tpu.memref_slice %arg5[%mul3A_101, %dma_start3A_106] : memref<10000x64xf32, #tpu.memory_space<vmem_shared>> -> memref<624x64xf32, #tpu.memory_space<vmem_shared>>
        %dma_start3A_108 = tpu.memref_slice %arg3[%mul3A_101, %mul3A_105] : memref<10000x128xf32, #tpu.memory_space<hbm>> -> memref<624x64xf32, #tpu.memory_space<hbm>>
        tpu.enqueue_dma source(%dma_start3A_108 : memref<624x64xf32, #tpu.memory_space<hbm>>) target(%dma_start3A_107 : memref<624x64xf32, #tpu.memory_space<vmem_shared>>) target_semaphore(%run_scoped3A : memref<!tpu.dma_semaphore, #tpu.memory_space<semaphore_mem>>)
        %dma_wait3A_109 = arith.constant 0 : i32
        %dma_wait3A_110 = tpu.memref_slice %arg5[%mul3A_101, %dma_wait3A_109] : memref<10000x64xf32, #tpu.memory_space<vmem_shared>> -> memref<624x64xf32, #tpu.memory_space<vmem_shared>>
        %dma_wait3A_111 = tpu.memref_slice %arg3[%mul3A_101, %mul3A_105] : memref<10000x128xf32, #tpu.memory_space<hbm>> -> memref<624x64xf32, #tpu.memory_space<hbm>>
        tpu.wait_dma2 semaphore(%run_scoped3A : memref<!tpu.dma_semaphore, #tpu.memory_space<semaphore_mem>>) src(%dma_wait3A_111 : memref<624x64xf32, #tpu.memory_space<hbm>>) dst(%dma_wait3A_110 : memref<624x64xf32, #tpu.memory_space<vmem_shared>>)
        tpu.yield
      }) : () -> ()
    } else {
    }
    %eq3A = arith.constant 15 : i32
    %eq3A_2 = arith.cmpi eq, %arg1, %eq3A : i32
    %convert_element_type3A_3 = arith.extui %eq3A_2 : i1 to i32
    %cond3A_4 = arith.constant 0 : i32
    %cond3A_5 = arith.cmpi ne, %convert_element_type3A_3, %cond3A_4 : i32
    scf.if %cond3A_5 {
      %mul3A_100 = arith.constant 64 : i32
      %mul3A_101 = arith.muli %arg0, %mul3A_100 : i32
      "tpu.region"() ({
        %run_scoped3A = tpu.sem_alloc : memref<!tpu.dma_semaphore, #tpu.memory_space<semaphore_mem>>
        %dma_start3A_104 = arith.constant 9360 : i32
        %dma_start3A_105 = arith.constant 0 : i32
        %dma_start3A_106 = tpu.memref_slice %arg6[%dma_start3A_104, %dma_start3A_105] : memref<10000x64xf32, #tpu.memory_space<vmem_shared>> -> memref<640x64xf32, #tpu.memory_space<vmem_shared>>
        %dma_start3A_107 = arith.constant 9360 : i32
        %dma_start3A_108 = tpu.memref_slice %arg3[%dma_start3A_107, %mul3A_101] : memref<10000x128xf32, #tpu.memory_space<hbm>> -> memref<640x64xf32, #tpu.memory_space<hbm>>
        tpu.enqueue_dma source(%dma_start3A_108 : memref<640x64xf32, #tpu.memory_space<hbm>>) target(%dma_start3A_106 : memref<640x64xf32, #tpu.memory_space<vmem_shared>>) target_semaphore(%run_scoped3A : memref<!tpu.dma_semaphore, #tpu.memory_space<semaphore_mem>>)
        %dma_wait3A_109 = arith.constant 9360 : i32
        %dma_wait3A_110 = arith.constant 0 : i32
        %dma_wait3A_111 = tpu.memref_slice %arg6[%dma_wait3A_109, %dma_wait3A_110] : memref<10000x64xf32, #tpu.memory_space<vmem_shared>> -> memref<640x64xf32, #tpu.memory_space<vmem_shared>>
        %dma_wait3A_112 = arith.constant 9360 : i32
        %dma_wait3A_113 = tpu.memref_slice %arg3[%dma_wait3A_112, %mul3A_101] : memref<10000x128xf32, #tpu.memory_space<hbm>> -> memref<640x64xf32, #tpu.memory_space<hbm>>
        tpu.wait_dma2 semaphore(%run_scoped3A : memref<!tpu.dma_semaphore, #tpu.memory_space<semaphore_mem>>) src(%dma_wait3A_113 : memref<640x64xf32, #tpu.memory_space<hbm>>) dst(%dma_wait3A_111 : memref<640x64xf32, #tpu.memory_space<vmem_shared>>)
        tpu.yield
      }) : () -> ()
      %mul3A_102 = arith.constant 64 : i32
      %mul3A_103 = arith.muli %arg0, %mul3A_102 : i32
      "tpu.region"() ({
        %run_scoped3A = tpu.sem_alloc : memref<!tpu.dma_semaphore, #tpu.memory_space<semaphore_mem>>
        %dma_start3A_104 = arith.constant 9360 : i32
        %dma_start3A_105 = arith.constant 0 : i32
        %dma_start3A_106 = tpu.memref_slice %arg5[%dma_start3A_104, %dma_start3A_105] : memref<10000x64xf32, #tpu.memory_space<vmem_shared>> -> memref<640x64xf32, #tpu.memory_space<vmem_shared>>
        %dma_start3A_107 = arith.constant 9360 : i32
        %dma_start3A_108 = tpu.memref_slice %arg3[%dma_start3A_107, %mul3A_103] : memref<10000x128xf32, #tpu.memory_space<hbm>> -> memref<640x64xf32, #tpu.memory_space<hbm>>
        tpu.enqueue_dma source(%dma_start3A_108 : memref<640x64xf32, #tpu.memory_space<hbm>>) target(%dma_start3A_106 : memref<640x64xf32, #tpu.memory_space<vmem_shared>>) target_semaphore(%run_scoped3A : memref<!tpu.dma_semaphore, #tpu.memory_space<semaphore_mem>>)
        %dma_wait3A_109 = arith.constant 9360 : i32
        %dma_wait3A_110 = arith.constant 0 : i32
        %dma_wait3A_111 = tpu.memref_slice %arg5[%dma_wait3A_109, %dma_wait3A_110] : memref<10000x64xf32, #tpu.memory_space<vmem_shared>> -> memref<640x64xf32, #tpu.memory_space<vmem_shared>>
        %dma_wait3A_112 = arith.constant 9360 : i32
        %dma_wait3A_113 = tpu.memref_slice %arg3[%dma_wait3A_112, %mul3A_103] : memref<10000x128xf32, #tpu.memory_space<hbm>> -> memref<640x64xf32, #tpu.memory_space<hbm>>
        tpu.wait_dma2 semaphore(%run_scoped3A : memref<!tpu.dma_semaphore, #tpu.memory_space<semaphore_mem>>) src(%dma_wait3A_113 : memref<640x64xf32, #tpu.memory_space<hbm>>) dst(%dma_wait3A_111 : memref<640x64xf32, #tpu.memory_space<vmem_shared>>)
        tpu.yield
      }) : () -> ()
    } else {
    }
    %barrier3A = arith.constant 0 : index
    tpu.barrier barrier_id(%barrier3A)
    %mul3A = arith.constant 20000 : i32
    %mul3A_6 = arith.muli %arg1, %mul3A : i32
    %add3A = arith.constant 0 : i32
    %add3A_7 = arith.addi %mul3A_6, %add3A : i32
    %dma_start3A = arith.constant 0 : i32
    %dma_start3A_8 = arith.constant 0 : i32
    %dma_start3A_9 = arith.constant 0 : i32
    %dma_start3A_10 = tpu.memref_slice %arg7[%dma_start3A_8, %dma_start3A_9] : memref<4x200xi32, #tpu.memory_space<vmem>> -> memref<1x200xi32, #tpu.memory_space<vmem>>
    %dma_start3A_11 = tpu.memref_squeeze %dma_start3A_10 : memref<1x200xi32, #tpu.memory_space<vmem>> -> memref<200xi32, #tpu.memory_space<vmem>>
    %dma_start3A_12 = tpu.memref_slice %arg2[%dma_start3A, %add3A_7] : memref<2x320000xi32, #tpu.memory_space<hbm>> -> memref<1x200xi32, #tpu.memory_space<hbm>>
    %dma_start3A_13 = tpu.memref_squeeze %dma_start3A_12 : memref<1x200xi32, #tpu.memory_space<hbm>> -> memref<200xi32, #tpu.memory_space<hbm>>
    %dma_start3A_14 = arith.constant 0 : i32
    %dma_start3A_15 = tpu.memref_slice %arg7[%dma_start3A_8, %dma_start3A_14] : memref<4x200xi32, #tpu.memory_space<vmem>> -> memref<1x200xi32, #tpu.memory_space<vmem>>
    %dma_start3A_16 = tpu.memref_squeeze %dma_start3A_15 : memref<1x200xi32, #tpu.memory_space<vmem>> -> memref<200xi32, #tpu.memory_space<vmem>>
    %dma_start3A_17 = tpu.memref_slice %arg2[%dma_start3A, %add3A_7] : memref<2x320000xi32, #tpu.memory_space<hbm>> -> memref<1x200xi32, #tpu.memory_space<hbm>>
    %dma_start3A_18 = tpu.memref_squeeze %dma_start3A_17 : memref<1x200xi32, #tpu.memory_space<hbm>> -> memref<200xi32, #tpu.memory_space<hbm>>
    tpu.enqueue_dma source(%dma_start3A_18 : memref<200xi32, #tpu.memory_space<hbm>>) target(%dma_start3A_16 : memref<200xi32, #tpu.memory_space<vmem>>) target_semaphore(%arg10 : memref<!tpu.dma_semaphore, #tpu.memory_space<semaphore_mem>>)
    %add3A_19 = arith.constant 0 : i32
    %add3A_20 = arith.addi %mul3A_6, %add3A_19 : i32
    %dma_start3A_21 = arith.constant 1 : i32
    %dma_start3A_22 = arith.constant 0 : i32
    %dma_start3A_23 = arith.constant 0 : i32
    %dma_start3A_24 = tpu.memref_slice %arg8[%dma_start3A_22, %dma_start3A_23] : memref<4x200xi32, #tpu.memory_space<vmem>> -> memref<1x200xi32, #tpu.memory_space<vmem>>
    %dma_start3A_25 = tpu.memref_squeeze %dma_start3A_24 : memref<1x200xi32, #tpu.memory_space<vmem>> -> memref<200xi32, #tpu.memory_space<vmem>>
    %dma_start3A_26 = tpu.memref_slice %arg2[%dma_start3A_21, %add3A_20] : memref<2x320000xi32, #tpu.memory_space<hbm>> -> memref<1x200xi32, #tpu.memory_space<hbm>>
    %dma_start3A_27 = tpu.memref_squeeze %dma_start3A_26 : memref<1x200xi32, #tpu.memory_space<hbm>> -> memref<200xi32, #tpu.memory_space<hbm>>
    %dma_start3A_28 = arith.constant 0 : i32
    %dma_start3A_29 = tpu.memref_slice %arg8[%dma_start3A_22, %dma_start3A_28] : memref<4x200xi32, #tpu.memory_space<vmem>> -> memref<1x200xi32, #tpu.memory_space<vmem>>
    %dma_start3A_30 = tpu.memref_squeeze %dma_start3A_29 : memref<1x200xi32, #tpu.memory_space<vmem>> -> memref<200xi32, #tpu.memory_space<vmem>>
    %dma_start3A_31 = tpu.memref_slice %arg2[%dma_start3A_21, %add3A_20] : memref<2x320000xi32, #tpu.memory_space<hbm>> -> memref<1x200xi32, #tpu.memory_space<hbm>>
    %dma_start3A_32 = tpu.memref_squeeze %dma_start3A_31 : memref<1x200xi32, #tpu.memory_space<hbm>> -> memref<200xi32, #tpu.memory_space<hbm>>
    tpu.enqueue_dma source(%dma_start3A_32 : memref<200xi32, #tpu.memory_space<hbm>>) target(%dma_start3A_30 : memref<200xi32, #tpu.memory_space<vmem>>) target_semaphore(%arg10 : memref<!tpu.dma_semaphore, #tpu.memory_space<semaphore_mem>>)
    %add3A_33 = arith.constant 200 : i32
    %add3A_34 = arith.addi %mul3A_6, %add3A_33 : i32
    %dma_start3A_35 = arith.constant 0 : i32
    %dma_start3A_36 = arith.constant 1 : i32
    %dma_start3A_37 = arith.constant 0 : i32
    %dma_start3A_38 = tpu.memref_slice %arg7[%dma_start3A_36, %dma_start3A_37] : memref<4x200xi32, #tpu.memory_space<vmem>> -> memref<1x200xi32, #tpu.memory_space<vmem>>
    %dma_start3A_39 = tpu.memref_squeeze %dma_start3A_38 : memref<1x200xi32, #tpu.memory_space<vmem>> -> memref<200xi32, #tpu.memory_space<vmem>>
    %dma_start3A_40 = tpu.memref_slice %arg2[%dma_start3A_35, %add3A_34] : memref<2x320000xi32, #tpu.memory_space<hbm>> -> memref<1x200xi32, #tpu.memory_space<hbm>>
    %dma_start3A_41 = tpu.memref_squeeze %dma_start3A_40 : memref<1x200xi32, #tpu.memory_space<hbm>> -> memref<200xi32, #tpu.memory_space<hbm>>
    %dma_start3A_42 = arith.constant 0 : i32
    %dma_start3A_43 = tpu.memref_slice %arg7[%dma_start3A_36, %dma_start3A_42] : memref<4x200xi32, #tpu.memory_space<vmem>> -> memref<1x200xi32, #tpu.memory_space<vmem>>
    %dma_start3A_44 = tpu.memref_squeeze %dma_start3A_43 : memref<1x200xi32, #tpu.memory_space<vmem>> -> memref<200xi32, #tpu.memory_space<vmem>>
    %dma_start3A_45 = tpu.memref_slice %arg2[%dma_start3A_35, %add3A_34] : memref<2x320000xi32, #tpu.memory_space<hbm>> -> memref<1x200xi32, #tpu.memory_space<hbm>>
    %dma_start3A_46 = tpu.memref_squeeze %dma_start3A_45 : memref<1x200xi32, #tpu.memory_space<hbm>> -> memref<200xi32, #tpu.memory_space<hbm>>
    tpu.enqueue_dma source(%dma_start3A_46 : memref<200xi32, #tpu.memory_space<hbm>>) target(%dma_start3A_44 : memref<200xi32, #tpu.memory_space<vmem>>) target_semaphore(%arg10 : memref<!tpu.dma_semaphore, #tpu.memory_space<semaphore_mem>>)
    %add3A_47 = arith.constant 200 : i32
    %add3A_48 = arith.addi %mul3A_6, %add3A_47 : i32
    %dma_start3A_49 = arith.constant 1 : i32
    %dma_start3A_50 = arith.constant 1 : i32
    %dma_start3A_51 = arith.constant 0 : i32
    %dma_start3A_52 = tpu.memref_slice %arg8[%dma_start3A_50, %dma_start3A_51] : memref<4x200xi32, #tpu.memory_space<vmem>> -> memref<1x200xi32, #tpu.memory_space<vmem>>
    %dma_start3A_53 = tpu.memref_squeeze %dma_start3A_52 : memref<1x200xi32, #tpu.memory_space<vmem>> -> memref<200xi32, #tpu.memory_space<vmem>>
    %dma_start3A_54 = tpu.memref_slice %arg2[%dma_start3A_49, %add3A_48] : memref<2x320000xi32, #tpu.memory_space<hbm>> -> memref<1x200xi32, #tpu.memory_space<hbm>>
    %dma_start3A_55 = tpu.memref_squeeze %dma_start3A_54 : memref<1x200xi32, #tpu.memory_space<hbm>> -> memref<200xi32, #tpu.memory_space<hbm>>
    %dma_start3A_56 = arith.constant 0 : i32
    %dma_start3A_57 = tpu.memref_slice %arg8[%dma_start3A_50, %dma_start3A_56] : memref<4x200xi32, #tpu.memory_space<vmem>> -> memref<1x200xi32, #tpu.memory_space<vmem>>
    %dma_start3A_58 = tpu.memref_squeeze %dma_start3A_57 : memref<1x200xi32, #tpu.memory_space<vmem>> -> memref<200xi32, #tpu.memory_space<vmem>>
    %dma_start3A_59 = tpu.memref_slice %arg2[%dma_start3A_49, %add3A_48] : memref<2x320000xi32, #tpu.memory_space<hbm>> -> memref<1x200xi32, #tpu.memory_space<hbm>>
    %dma_start3A_60 = tpu.memref_squeeze %dma_start3A_59 : memref<1x200xi32, #tpu.memory_space<hbm>> -> memref<200xi32, #tpu.memory_space<hbm>>
    tpu.enqueue_dma source(%dma_start3A_60 : memref<200xi32, #tpu.memory_space<hbm>>) target(%dma_start3A_58 : memref<200xi32, #tpu.memory_space<vmem>>) target_semaphore(%arg10 : memref<!tpu.dma_semaphore, #tpu.memory_space<semaphore_mem>>)
    %scan3A = arith.constant 0 : i32
    %scan3A_61 = arith.constant 0 : i32
    %scan3A_62 = arith.constant 100 : i32
    %scan3A_63 = arith.addi %scan3A_61, %scan3A_62 : i32
    %scan3A_64 = arith.constant 1 : i32
    scf.for %scan3A_100 = %scan3A_61 to %scan3A_63 step %scan3A_64  : i32 {
      %rem3A = arith.constant 3 : i32
      %rem3A_101 = arith.remsi %scan3A_100, %rem3A : i32
      %rem3A_102 = arith.constant 4 : i32
      %rem3A_103 = arith.remsi %scan3A_100, %rem3A_102 : i32
      %mul3A_104 = arith.constant 200 : i32
      %mul3A_105 = arith.muli %scan3A_100, %mul3A_104 : i32
      %add3A_106 = arith.addi %mul3A_6, %mul3A_105 : i32
      %dma_wait3A_107 = arith.constant 0 : i32
      %dma_wait3A_108 = arith.constant 0 : i32
      %dma_wait3A_109 = tpu.memref_slice %arg7[%rem3A_103, %dma_wait3A_108] : memref<4x200xi32, #tpu.memory_space<vmem>> -> memref<1x200xi32, #tpu.memory_space<vmem>>
      %dma_wait3A_110 = tpu.memref_squeeze %dma_wait3A_109 : memref<1x200xi32, #tpu.memory_space<vmem>> -> memref<200xi32, #tpu.memory_space<vmem>>
      %dma_wait3A_111 = tpu.memref_slice %arg2[%dma_wait3A_107, %add3A_106] : memref<2x320000xi32, #tpu.memory_space<hbm>> -> memref<1x200xi32, #tpu.memory_space<hbm>>
      %dma_wait3A_112 = tpu.memref_squeeze %dma_wait3A_111 : memref<1x200xi32, #tpu.memory_space<hbm>> -> memref<200xi32, #tpu.memory_space<hbm>>
      %dma_wait3A_113 = arith.constant 0 : i32
      %dma_wait3A_114 = tpu.memref_slice %arg7[%rem3A_103, %dma_wait3A_113] : memref<4x200xi32, #tpu.memory_space<vmem>> -> memref<1x200xi32, #tpu.memory_space<vmem>>
      %dma_wait3A_115 = tpu.memref_squeeze %dma_wait3A_114 : memref<1x200xi32, #tpu.memory_space<vmem>> -> memref<200xi32, #tpu.memory_space<vmem>>
      %dma_wait3A_116 = tpu.memref_slice %arg2[%dma_wait3A_107, %add3A_106] : memref<2x320000xi32, #tpu.memory_space<hbm>> -> memref<1x200xi32, #tpu.memory_space<hbm>>
      %dma_wait3A_117 = tpu.memref_squeeze %dma_wait3A_116 : memref<1x200xi32, #tpu.memory_space<hbm>> -> memref<200xi32, #tpu.memory_space<hbm>>
      tpu.wait_dma2 semaphore(%arg10 : memref<!tpu.dma_semaphore, #tpu.memory_space<semaphore_mem>>) src(%dma_wait3A_117 : memref<200xi32, #tpu.memory_space<hbm>>) dst(%dma_wait3A_115 : memref<200xi32, #tpu.memory_space<vmem>>)
      %dma_wait3A_118 = arith.constant 1 : i32
      %dma_wait3A_119 = arith.constant 0 : i32
      %dma_wait3A_120 = tpu.memref_slice %arg8[%rem3A_103, %dma_wait3A_119] : memref<4x200xi32, #tpu.memory_space<vmem>> -> memref<1x200xi32, #tpu.memory_space<vmem>>
      %dma_wait3A_121 = tpu.memref_squeeze %dma_wait3A_120 : memref<1x200xi32, #tpu.memory_space<vmem>> -> memref<200xi32, #tpu.memory_space<vmem>>
      %dma_wait3A_122 = tpu.memref_slice %arg2[%dma_wait3A_118, %add3A_106] : memref<2x320000xi32, #tpu.memory_space<hbm>> -> memref<1x200xi32, #tpu.memory_space<hbm>>
      %dma_wait3A_123 = tpu.memref_squeeze %dma_wait3A_122 : memref<1x200xi32, #tpu.memory_space<hbm>> -> memref<200xi32, #tpu.memory_space<hbm>>
      %dma_wait3A_124 = arith.constant 0 : i32
      %dma_wait3A_125 = tpu.memref_slice %arg8[%rem3A_103, %dma_wait3A_124] : memref<4x200xi32, #tpu.memory_space<vmem>> -> memref<1x200xi32, #tpu.memory_space<vmem>>
      %dma_wait3A_126 = tpu.memref_squeeze %dma_wait3A_125 : memref<1x200xi32, #tpu.memory_space<vmem>> -> memref<200xi32, #tpu.memory_space<vmem>>
      %dma_wait3A_127 = tpu.memref_slice %arg2[%dma_wait3A_118, %add3A_106] : memref<2x320000xi32, #tpu.memory_space<hbm>> -> memref<1x200xi32, #tpu.memory_space<hbm>>
      %dma_wait3A_128 = tpu.memref_squeeze %dma_wait3A_127 : memref<1x200xi32, #tpu.memory_space<hbm>> -> memref<200xi32, #tpu.memory_space<hbm>>
      tpu.wait_dma2 semaphore(%arg10 : memref<!tpu.dma_semaphore, #tpu.memory_space<semaphore_mem>>) src(%dma_wait3A_128 : memref<200xi32, #tpu.memory_space<hbm>>) dst(%dma_wait3A_126 : memref<200xi32, #tpu.memory_space<vmem>>)
      %dma_start3A_129 = arith.constant 0 : i32
      %dma_start3A_130 = arith.constant 0 : i32
      %dma_start3A_131 = tpu.memref_slice %arg9[%rem3A_101, %dma_start3A_129, %dma_start3A_130] : memref<3x200x64xf32, #tpu.memory_space<vmem>> -> memref<1x200x64xf32, #tpu.memory_space<vmem>>
      %dma_start3A_132 = tpu.memref_squeeze %dma_start3A_131 : memref<1x200x64xf32, #tpu.memory_space<vmem>> -> memref<200x64xf32, #tpu.memory_space<vmem>>
      %dma_start3A_133 = arith.constant 0 : i32
      %dma_start3A_134 = tpu.memref_slice %arg7[%rem3A_103, %dma_start3A_133] : memref<4x200xi32, #tpu.memory_space<vmem>> -> memref<1x200xi32, #tpu.memory_space<vmem>>
      %dma_start3A_135 = tpu.memref_squeeze %dma_start3A_134 : memref<1x200xi32, #tpu.memory_space<vmem>> -> memref<200xi32, #tpu.memory_space<vmem>>
      %dma_start3A_136 = arith.constant 0 : i32
      %dma_start3A_137 = arith.constant 0 : i32
      %dma_start3A_138 = tpu.memref_slice %arg6[%dma_start3A_136, %dma_start3A_137] : memref<10000x64xf32, #tpu.memory_space<vmem_shared>> -> memref<10000x64xf32, #tpu.memory_space<vmem_shared>>
      tpu.enqueue_indirect_dma source(%dma_start3A_138 : memref<10000x64xf32, #tpu.memory_space<vmem_shared>>) target(%dma_start3A_132 : memref<200x64xf32, #tpu.memory_space<vmem>>) offsets(%dma_start3A_135 : memref<200xi32, #tpu.memory_space<vmem>>) semaphore(%arg11 : memref<!tpu.dma_semaphore, #tpu.memory_space<semaphore_mem>>)
      %ge3A = arith.constant 2 : i32
      %ge3A_139 = arith.cmpi sge, %scan3A_100, %ge3A : i32
      %convert_element_type3A_140 = arith.extui %ge3A_139 : i1 to i32
      %cond3A_141 = arith.constant 0 : i32
      %cond3A_142 = arith.cmpi ne, %convert_element_type3A_140, %cond3A_141 : i32
      scf.if %cond3A_142 {
        %sub3A = arith.constant 2 : i32
        %sub3A_170 = arith.subi %scan3A_100, %sub3A : i32
        %rem3A_171 = arith.constant 3 : i32
        %rem3A_172 = arith.remsi %sub3A_170, %rem3A_171 : i32
        %sub3A_173 = arith.constant 2 : i32
        %sub3A_174 = arith.subi %scan3A_100, %sub3A_173 : i32
        %rem3A_175 = arith.constant 4 : i32
        %rem3A_176 = arith.remsi %sub3A_174, %rem3A_175 : i32
        %dma_wait3A_177 = arith.constant 0 : i32
        %dma_wait3A_178 = arith.constant 0 : i32
        %dma_wait3A_179 = tpu.memref_slice %arg9[%rem3A_172, %dma_wait3A_177, %dma_wait3A_178] : memref<3x200x64xf32, #tpu.memory_space<vmem>> -> memref<1x200x64xf32, #tpu.memory_space<vmem>>
        %dma_wait3A_180 = tpu.memref_squeeze %dma_wait3A_179 : memref<1x200x64xf32, #tpu.memory_space<vmem>> -> memref<200x64xf32, #tpu.memory_space<vmem>>
        %dma_wait3A_181 = arith.constant 0 : i32
        %dma_wait3A_182 = tpu.memref_slice %arg8[%rem3A_176, %dma_wait3A_181] : memref<4x200xi32, #tpu.memory_space<vmem>> -> memref<1x200xi32, #tpu.memory_space<vmem>>
        %dma_wait3A_183 = tpu.memref_squeeze %dma_wait3A_182 : memref<1x200xi32, #tpu.memory_space<vmem>> -> memref<200xi32, #tpu.memory_space<vmem>>
        %dma_wait3A_184 = arith.constant 0 : i32
        %dma_wait3A_185 = arith.constant 0 : i32
        %dma_wait3A_186 = tpu.memref_slice %arg5[%dma_wait3A_184, %dma_wait3A_185] : memref<10000x64xf32, #tpu.memory_space<vmem_shared>> -> memref<10000x64xf32, #tpu.memory_space<vmem_shared>>
        tpu.wait_indirect_dma semaphore(%arg12 : memref<!tpu.dma_semaphore, #tpu.memory_space<semaphore_mem>>) src(%dma_wait3A_180 : memref<200x64xf32, #tpu.memory_space<vmem>>) dst(%dma_wait3A_186 : memref<10000x64xf32, #tpu.memory_space<vmem_shared>>)
      } else {
      }
      %add3A_143 = arith.constant 2 : i32
      %add3A_144 = arith.addi %scan3A_100, %add3A_143 : i32
      %lt3A_145 = arith.constant 100 : i32
      %lt3A_146 = arith.cmpi slt, %add3A_144, %lt3A_145 : i32
      %convert_element_type3A_147 = arith.extui %lt3A_146 : i1 to i32
      %cond3A_148 = arith.constant 0 : i32
      %cond3A_149 = arith.cmpi ne, %convert_element_type3A_147, %cond3A_148 : i32
      scf.if %cond3A_149 {
        %add3A_170 = arith.constant 2 : i32
        %add3A_171 = arith.addi %scan3A_100, %add3A_170 : i32
        %rem3A_172 = arith.constant 4 : i32
        %rem3A_173 = arith.remsi %add3A_171, %rem3A_172 : i32
        %add3A_174 = arith.constant 400 : i32
        %add3A_175 = arith.addi %add3A_106, %add3A_174 : i32
        %dma_start3A_176 = arith.constant 0 : i32
        %dma_start3A_177 = arith.constant 0 : i32
        %dma_start3A_178 = tpu.memref_slice %arg7[%rem3A_173, %dma_start3A_177] : memref<4x200xi32, #tpu.memory_space<vmem>> -> memref<1x200xi32, #tpu.memory_space<vmem>>
        %dma_start3A_179 = tpu.memref_squeeze %dma_start3A_178 : memref<1x200xi32, #tpu.memory_space<vmem>> -> memref<200xi32, #tpu.memory_space<vmem>>
        %dma_start3A_180 = tpu.memref_slice %arg2[%dma_start3A_176, %add3A_175] : memref<2x320000xi32, #tpu.memory_space<hbm>> -> memref<1x200xi32, #tpu.memory_space<hbm>>
        %dma_start3A_181 = tpu.memref_squeeze %dma_start3A_180 : memref<1x200xi32, #tpu.memory_space<hbm>> -> memref<200xi32, #tpu.memory_space<hbm>>
        %dma_start3A_182 = arith.constant 0 : i32
        %dma_start3A_183 = tpu.memref_slice %arg7[%rem3A_173, %dma_start3A_182] : memref<4x200xi32, #tpu.memory_space<vmem>> -> memref<1x200xi32, #tpu.memory_space<vmem>>
        %dma_start3A_184 = tpu.memref_squeeze %dma_start3A_183 : memref<1x200xi32, #tpu.memory_space<vmem>> -> memref<200xi32, #tpu.memory_space<vmem>>
        %dma_start3A_185 = tpu.memref_slice %arg2[%dma_start3A_176, %add3A_175] : memref<2x320000xi32, #tpu.memory_space<hbm>> -> memref<1x200xi32, #tpu.memory_space<hbm>>
        %dma_start3A_186 = tpu.memref_squeeze %dma_start3A_185 : memref<1x200xi32, #tpu.memory_space<hbm>> -> memref<200xi32, #tpu.memory_space<hbm>>
        tpu.enqueue_dma source(%dma_start3A_186 : memref<200xi32, #tpu.memory_space<hbm>>) target(%dma_start3A_184 : memref<200xi32, #tpu.memory_space<vmem>>) target_semaphore(%arg10 : memref<!tpu.dma_semaphore, #tpu.memory_space<semaphore_mem>>)
        %add3A_187 = arith.constant 400 : i32
        %add3A_188 = arith.addi %add3A_106, %add3A_187 : i32
        %dma_start3A_189 = arith.constant 1 : i32
        %dma_start3A_190 = arith.constant 0 : i32
        %dma_start3A_191 = tpu.memref_slice %arg8[%rem3A_173, %dma_start3A_190] : memref<4x200xi32, #tpu.memory_space<vmem>> -> memref<1x200xi32, #tpu.memory_space<vmem>>
        %dma_start3A_192 = tpu.memref_squeeze %dma_start3A_191 : memref<1x200xi32, #tpu.memory_space<vmem>> -> memref<200xi32, #tpu.memory_space<vmem>>
        %dma_start3A_193 = tpu.memref_slice %arg2[%dma_start3A_189, %add3A_188] : memref<2x320000xi32, #tpu.memory_space<hbm>> -> memref<1x200xi32, #tpu.memory_space<hbm>>
        %dma_start3A_194 = tpu.memref_squeeze %dma_start3A_193 : memref<1x200xi32, #tpu.memory_space<hbm>> -> memref<200xi32, #tpu.memory_space<hbm>>
        %dma_start3A_195 = arith.constant 0 : i32
        %dma_start3A_196 = tpu.memref_slice %arg8[%rem3A_173, %dma_start3A_195] : memref<4x200xi32, #tpu.memory_space<vmem>> -> memref<1x200xi32, #tpu.memory_space<vmem>>
        %dma_start3A_197 = tpu.memref_squeeze %dma_start3A_196 : memref<1x200xi32, #tpu.memory_space<vmem>> -> memref<200xi32, #tpu.memory_space<vmem>>
        %dma_start3A_198 = tpu.memref_slice %arg2[%dma_start3A_189, %add3A_188] : memref<2x320000xi32, #tpu.memory_space<hbm>> -> memref<1x200xi32, #tpu.memory_space<hbm>>
        %dma_start3A_199 = tpu.memref_squeeze %dma_start3A_198 : memref<1x200xi32, #tpu.memory_space<hbm>> -> memref<200xi32, #tpu.memory_space<hbm>>
        tpu.enqueue_dma source(%dma_start3A_199 : memref<200xi32, #tpu.memory_space<hbm>>) target(%dma_start3A_197 : memref<200xi32, #tpu.memory_space<vmem>>) target_semaphore(%arg10 : memref<!tpu.dma_semaphore, #tpu.memory_space<semaphore_mem>>)
      } else {
      }
      %dma_wait3A_150 = arith.constant 0 : i32
      %dma_wait3A_151 = arith.constant 0 : i32
      %dma_wait3A_152 = tpu.memref_slice %arg9[%rem3A_101, %dma_wait3A_150, %dma_wait3A_151] : memref<3x200x64xf32, #tpu.memory_space<vmem>> -> memref<1x200x64xf32, #tpu.memory_space<vmem>>
      %dma_wait3A_153 = tpu.memref_squeeze %dma_wait3A_152 : memref<1x200x64xf32, #tpu.memory_space<vmem>> -> memref<200x64xf32, #tpu.memory_space<vmem>>
      %dma_wait3A_154 = arith.constant 0 : i32
      %dma_wait3A_155 = tpu.memref_slice %arg7[%rem3A_103, %dma_wait3A_154] : memref<4x200xi32, #tpu.memory_space<vmem>> -> memref<1x200xi32, #tpu.memory_space<vmem>>
      %dma_wait3A_156 = tpu.memref_squeeze %dma_wait3A_155 : memref<1x200xi32, #tpu.memory_space<vmem>> -> memref<200xi32, #tpu.memory_space<vmem>>
      %dma_wait3A_157 = arith.constant 0 : i32
      %dma_wait3A_158 = arith.constant 0 : i32
      %dma_wait3A_159 = tpu.memref_slice %arg6[%dma_wait3A_157, %dma_wait3A_158] : memref<10000x64xf32, #tpu.memory_space<vmem_shared>> -> memref<10000x64xf32, #tpu.memory_space<vmem_shared>>
      tpu.wait_indirect_dma semaphore(%arg11 : memref<!tpu.dma_semaphore, #tpu.memory_space<semaphore_mem>>) src(%dma_wait3A_159 : memref<10000x64xf32, #tpu.memory_space<vmem_shared>>) dst(%dma_wait3A_153 : memref<200x64xf32, #tpu.memory_space<vmem>>)
      %dma_start3A_160 = arith.constant 0 : i32
      %dma_start3A_161 = arith.constant 0 : i32
      %dma_start3A_162 = tpu.memref_slice %arg9[%rem3A_101, %dma_start3A_160, %dma_start3A_161] : memref<3x200x64xf32, #tpu.memory_space<vmem>> -> memref<1x200x64xf32, #tpu.memory_space<vmem>>
      %dma_start3A_163 = tpu.memref_squeeze %dma_start3A_162 : memref<1x200x64xf32, #tpu.memory_space<vmem>> -> memref<200x64xf32, #tpu.memory_space<vmem>>
      %dma_start3A_164 = arith.constant 0 : i32
      %dma_start3A_165 = tpu.memref_slice %arg8[%rem3A_103, %dma_start3A_164] : memref<4x200xi32, #tpu.memory_space<vmem>> -> memref<1x200xi32, #tpu.memory_space<vmem>>
      %dma_start3A_166 = tpu.memref_squeeze %dma_start3A_165 : memref<1x200xi32, #tpu.memory_space<vmem>> -> memref<200xi32, #tpu.memory_space<vmem>>
      %dma_start3A_167 = arith.constant 0 : i32
      %dma_start3A_168 = arith.constant 0 : i32
      %dma_start3A_169 = tpu.memref_slice %arg5[%dma_start3A_167, %dma_start3A_168] : memref<10000x64xf32, #tpu.memory_space<vmem_shared>> -> memref<10000x64xf32, #tpu.memory_space<vmem_shared>>
      tpu.enqueue_indirect_dma source(%dma_start3A_163 : memref<200x64xf32, #tpu.memory_space<vmem>>) target(%dma_start3A_169 : memref<10000x64xf32, #tpu.memory_space<vmem_shared>>) offsets(%dma_start3A_166 : memref<200xi32, #tpu.memory_space<vmem>>) semaphore(%arg12 : memref<!tpu.dma_semaphore, #tpu.memory_space<semaphore_mem>>) {add = true}
    }
    %scan3A_65 = arith.constant 100 : i32
    %dma_wait3A = arith.constant 2 : i32
    %dma_wait3A_66 = arith.constant 2 : i32
    %dma_wait3A_67 = arith.constant 0 : i32
    %dma_wait3A_68 = arith.constant 0 : i32
    %dma_wait3A_69 = tpu.memref_slice %arg9[%dma_wait3A, %dma_wait3A_67, %dma_wait3A_68] : memref<3x200x64xf32, #tpu.memory_space<vmem>> -> memref<1x200x64xf32, #tpu.memory_space<vmem>>
    %dma_wait3A_70 = tpu.memref_squeeze %dma_wait3A_69 : memref<1x200x64xf32, #tpu.memory_space<vmem>> -> memref<200x64xf32, #tpu.memory_space<vmem>>
    %dma_wait3A_71 = arith.constant 0 : i32
    %dma_wait3A_72 = tpu.memref_slice %arg8[%dma_wait3A_66, %dma_wait3A_71] : memref<4x200xi32, #tpu.memory_space<vmem>> -> memref<1x200xi32, #tpu.memory_space<vmem>>
    %dma_wait3A_73 = tpu.memref_squeeze %dma_wait3A_72 : memref<1x200xi32, #tpu.memory_space<vmem>> -> memref<200xi32, #tpu.memory_space<vmem>>
    %dma_wait3A_74 = arith.constant 0 : i32
    %dma_wait3A_75 = arith.constant 0 : i32
    %dma_wait3A_76 = tpu.memref_slice %arg5[%dma_wait3A_74, %dma_wait3A_75] : memref<10000x64xf32, #tpu.memory_space<vmem_shared>> -> memref<10000x64xf32, #tpu.memory_space<vmem_shared>>
    tpu.wait_indirect_dma semaphore(%arg12 : memref<!tpu.dma_semaphore, #tpu.memory_space<semaphore_mem>>) src(%dma_wait3A_70 : memref<200x64xf32, #tpu.memory_space<vmem>>) dst(%dma_wait3A_76 : memref<10000x64xf32, #tpu.memory_space<vmem_shared>>)
    %dma_wait3A_77 = arith.constant 0 : i32
    %dma_wait3A_78 = arith.constant 3 : i32
    %dma_wait3A_79 = arith.constant 0 : i32
    %dma_wait3A_80 = arith.constant 0 : i32
    %dma_wait3A_81 = tpu.memref_slice %arg9[%dma_wait3A_77, %dma_wait3A_79, %dma_wait3A_80] : memref<3x200x64xf32, #tpu.memory_space<vmem>> -> memref<1x200x64xf32, #tpu.memory_space<vmem>>
    %dma_wait3A_82 = tpu.memref_squeeze %dma_wait3A_81 : memref<1x200x64xf32, #tpu.memory_space<vmem>> -> memref<200x64xf32, #tpu.memory_space<vmem>>
    %dma_wait3A_83 = arith.constant 0 : i32
    %dma_wait3A_84 = tpu.memref_slice %arg8[%dma_wait3A_78, %dma_wait3A_83] : memref<4x200xi32, #tpu.memory_space<vmem>> -> memref<1x200xi32, #tpu.memory_space<vmem>>
    %dma_wait3A_85 = tpu.memref_squeeze %dma_wait3A_84 : memref<1x200xi32, #tpu.memory_space<vmem>> -> memref<200xi32, #tpu.memory_space<vmem>>
    %dma_wait3A_86 = arith.constant 0 : i32
    %dma_wait3A_87 = arith.constant 0 : i32
    %dma_wait3A_88 = tpu.memref_slice %arg5[%dma_wait3A_86, %dma_wait3A_87] : memref<10000x64xf32, #tpu.memory_space<vmem_shared>> -> memref<10000x64xf32, #tpu.memory_space<vmem_shared>>
    tpu.wait_indirect_dma semaphore(%arg12 : memref<!tpu.dma_semaphore, #tpu.memory_space<semaphore_mem>>) src(%dma_wait3A_82 : memref<200x64xf32, #tpu.memory_space<vmem>>) dst(%dma_wait3A_88 : memref<10000x64xf32, #tpu.memory_space<vmem_shared>>)
    %barrier3A_89 = arith.constant 0 : index
    tpu.barrier barrier_id(%barrier3A_89)
    %lt3A_90 = arith.constant 15 : i32
    %lt3A_91 = arith.cmpi slt, %arg1, %lt3A_90 : i32
    %convert_element_type3A_92 = arith.extui %lt3A_91 : i1 to i32
    %cond3A_93 = arith.constant 0 : i32
    %cond3A_94 = arith.cmpi ne, %convert_element_type3A_92, %cond3A_93 : i32
    scf.if %cond3A_94 {
      %mul3A_100 = arith.constant 624 : i32
      %mul3A_101 = arith.muli %arg1, %mul3A_100 : i32
      %mul3A_102 = arith.constant 64 : i32
      %mul3A_103 = arith.muli %arg0, %mul3A_102 : i32
      "tpu.region"() ({
        %run_scoped3A = tpu.sem_alloc : memref<!tpu.dma_semaphore, #tpu.memory_space<semaphore_mem>>
        %dma_start3A_104 = tpu.memref_slice %arg4[%mul3A_101, %mul3A_103] : memref<10000x128xf32, #tpu.memory_space<hbm>> -> memref<624x64xf32, #tpu.memory_space<hbm>>
        %dma_start3A_105 = arith.constant 0 : i32
        %dma_start3A_106 = tpu.memref_slice %arg5[%mul3A_101, %dma_start3A_105] : memref<10000x64xf32, #tpu.memory_space<vmem_shared>> -> memref<624x64xf32, #tpu.memory_space<vmem_shared>>
        tpu.enqueue_dma source(%dma_start3A_106 : memref<624x64xf32, #tpu.memory_space<vmem_shared>>) target(%dma_start3A_104 : memref<624x64xf32, #tpu.memory_space<hbm>>) target_semaphore(%run_scoped3A : memref<!tpu.dma_semaphore, #tpu.memory_space<semaphore_mem>>)
        %dma_wait3A_107 = tpu.memref_slice %arg4[%mul3A_101, %mul3A_103] : memref<10000x128xf32, #tpu.memory_space<hbm>> -> memref<624x64xf32, #tpu.memory_space<hbm>>
        %dma_wait3A_108 = arith.constant 0 : i32
        %dma_wait3A_109 = tpu.memref_slice %arg5[%mul3A_101, %dma_wait3A_108] : memref<10000x64xf32, #tpu.memory_space<vmem_shared>> -> memref<624x64xf32, #tpu.memory_space<vmem_shared>>
        tpu.wait_dma2 semaphore(%run_scoped3A : memref<!tpu.dma_semaphore, #tpu.memory_space<semaphore_mem>>) src(%dma_wait3A_109 : memref<624x64xf32, #tpu.memory_space<vmem_shared>>) dst(%dma_wait3A_107 : memref<624x64xf32, #tpu.memory_space<hbm>>)
        tpu.yield
      }) : () -> ()
    } else {
    }
    %eq3A_95 = arith.constant 15 : i32
    %eq3A_96 = arith.cmpi eq, %arg1, %eq3A_95 : i32
    %convert_element_type3A_97 = arith.extui %eq3A_96 : i1 to i32
    %cond3A_98 = arith.constant 0 : i32
    %cond3A_99 = arith.cmpi ne, %convert_element_type3A_97, %cond3A_98 : i32
    scf.if %cond3A_99 {
      %mul3A_100 = arith.constant 64 : i32
      %mul3A_101 = arith.muli %arg0, %mul3A_100 : i32
      "tpu.region"() ({
        %run_scoped3A = tpu.sem_alloc : memref<!tpu.dma_semaphore, #tpu.memory_space<semaphore_mem>>
        %dma_start3A_102 = arith.constant 9360 : i32
        %dma_start3A_103 = tpu.memref_slice %arg4[%dma_start3A_102, %mul3A_101] : memref<10000x128xf32, #tpu.memory_space<hbm>> -> memref<640x64xf32, #tpu.memory_space<hbm>>
        %dma_start3A_104 = arith.constant 9360 : i32
        %dma_start3A_105 = arith.constant 0 : i32
        %dma_start3A_106 = tpu.memref_slice %arg5[%dma_start3A_104, %dma_start3A_105] : memref<10000x64xf32, #tpu.memory_space<vmem_shared>> -> memref<640x64xf32, #tpu.memory_space<vmem_shared>>
        tpu.enqueue_dma source(%dma_start3A_106 : memref<640x64xf32, #tpu.memory_space<vmem_shared>>) target(%dma_start3A_103 : memref<640x64xf32, #tpu.memory_space<hbm>>) target_semaphore(%run_scoped3A : memref<!tpu.dma_semaphore, #tpu.memory_space<semaphore_mem>>)
        %dma_wait3A_107 = arith.constant 9360 : i32
        %dma_wait3A_108 = tpu.memref_slice %arg4[%dma_wait3A_107, %mul3A_101] : memref<10000x128xf32, #tpu.memory_space<hbm>> -> memref<640x64xf32, #tpu.memory_space<hbm>>
        %dma_wait3A_109 = arith.constant 9360 : i32
        %dma_wait3A_110 = arith.constant 0 : i32
        %dma_wait3A_111 = tpu.memref_slice %arg5[%dma_wait3A_109, %dma_wait3A_110] : memref<10000x64xf32, #tpu.memory_space<vmem_shared>> -> memref<640x64xf32, #tpu.memory_space<vmem_shared>>
        tpu.wait_dma2 semaphore(%run_scoped3A : memref<!tpu.dma_semaphore, #tpu.memory_space<semaphore_mem>>) src(%dma_wait3A_111 : memref<640x64xf32, #tpu.memory_space<vmem_shared>>) dst(%dma_wait3A_108 : memref<640x64xf32, #tpu.memory_space<hbm>>)
        tpu.yield
      }) : () -> ()
    } else {
    }
    return
  }
}

#map = affine_map<(d0, d1) -> (0, 0)>
module attributes {stable_mosaic.version = 14 : i64} {
  func.func @_deg_body(%arg0: i32, %arg1: i32, %arg2: memref<2x320000xi32, #tpu.memory_space<hbm>>, %arg3: memref<2000x8xf32, #tpu.memory_space<hbm>>, %arg4: memref<10000x8xf32, #tpu.memory_space<hbm>>, %arg5: memref<10000x128xf32, #tpu.memory_space<hbm>>, %arg6: memref<10000x8xf32, #tpu.memory_space<vmem_shared>>, %arg7: memref<2000xi32, #tpu.memory_space<vmem>>, %arg8: memref<2000x8xf32, #tpu.memory_space<vmem>>) attributes {dimension_semantics = [#tpu.dimension_semantics<core_parallel>, #tpu.dimension_semantics<subcore_parallel>], iteration_bounds = array<i64: 2, 16>, scalar_prefetch = 0 : i64, scratch_operands = 3 : i64, tpu.core_type = #tpu.core_type<sc_vector_subcore>, window_params = [{transform_indices = #map}, {transform_indices = #map}, {transform_indices = #map}, {transform_indices = #map}]} {
    %lt3A = arith.constant 15 : i32
    %lt3A_0 = arith.cmpi slt, %arg1, %lt3A : i32
    %convert_element_type3A = arith.extui %lt3A_0 : i1 to i32
    %cond3A = arith.constant 0 : i32
    %cond3A_1 = arith.cmpi ne, %convert_element_type3A, %cond3A : i32
    scf.if %cond3A_1 {
      %mul3A_25 = arith.constant 624 : i32
      %mul3A_26 = arith.muli %arg1, %mul3A_25 : i32
      "tpu.region"() ({
        %run_scoped3A = tpu.sem_alloc : memref<!tpu.dma_semaphore, #tpu.memory_space<semaphore_mem>>
        %dma_start3A = arith.constant 0 : i32
        %dma_start3A_27 = tpu.memref_slice %arg6[%mul3A_26, %dma_start3A] : memref<10000x8xf32, #tpu.memory_space<vmem_shared>> -> memref<624x8xf32, #tpu.memory_space<vmem_shared>>
        %dma_start3A_28 = arith.constant 0 : i32
        %dma_start3A_29 = tpu.memref_slice %arg4[%mul3A_26, %dma_start3A_28] : memref<10000x8xf32, #tpu.memory_space<hbm>> -> memref<624x8xf32, #tpu.memory_space<hbm>>
        tpu.enqueue_dma source(%dma_start3A_29 : memref<624x8xf32, #tpu.memory_space<hbm>>) target(%dma_start3A_27 : memref<624x8xf32, #tpu.memory_space<vmem_shared>>) target_semaphore(%run_scoped3A : memref<!tpu.dma_semaphore, #tpu.memory_space<semaphore_mem>>)
        %dma_wait3A = arith.constant 0 : i32
        %dma_wait3A_30 = tpu.memref_slice %arg6[%mul3A_26, %dma_wait3A] : memref<10000x8xf32, #tpu.memory_space<vmem_shared>> -> memref<624x8xf32, #tpu.memory_space<vmem_shared>>
        %dma_wait3A_31 = arith.constant 0 : i32
        %dma_wait3A_32 = tpu.memref_slice %arg4[%mul3A_26, %dma_wait3A_31] : memref<10000x8xf32, #tpu.memory_space<hbm>> -> memref<624x8xf32, #tpu.memory_space<hbm>>
        tpu.wait_dma2 semaphore(%run_scoped3A : memref<!tpu.dma_semaphore, #tpu.memory_space<semaphore_mem>>) src(%dma_wait3A_32 : memref<624x8xf32, #tpu.memory_space<hbm>>) dst(%dma_wait3A_30 : memref<624x8xf32, #tpu.memory_space<vmem_shared>>)
        tpu.yield
      }) : () -> ()
    } else {
    }
    %eq3A = arith.constant 15 : i32
    %eq3A_2 = arith.cmpi eq, %arg1, %eq3A : i32
    %convert_element_type3A_3 = arith.extui %eq3A_2 : i1 to i32
    %cond3A_4 = arith.constant 0 : i32
    %cond3A_5 = arith.cmpi ne, %convert_element_type3A_3, %cond3A_4 : i32
    scf.if %cond3A_5 {
      "tpu.region"() ({
        %run_scoped3A = tpu.sem_alloc : memref<!tpu.dma_semaphore, #tpu.memory_space<semaphore_mem>>
        %dma_start3A = arith.constant 9360 : i32
        %dma_start3A_25 = arith.constant 0 : i32
        %dma_start3A_26 = tpu.memref_slice %arg6[%dma_start3A, %dma_start3A_25] : memref<10000x8xf32, #tpu.memory_space<vmem_shared>> -> memref<640x8xf32, #tpu.memory_space<vmem_shared>>
        %dma_start3A_27 = arith.constant 9360 : i32
        %dma_start3A_28 = arith.constant 0 : i32
        %dma_start3A_29 = tpu.memref_slice %arg4[%dma_start3A_27, %dma_start3A_28] : memref<10000x8xf32, #tpu.memory_space<hbm>> -> memref<640x8xf32, #tpu.memory_space<hbm>>
        tpu.enqueue_dma source(%dma_start3A_29 : memref<640x8xf32, #tpu.memory_space<hbm>>) target(%dma_start3A_26 : memref<640x8xf32, #tpu.memory_space<vmem_shared>>) target_semaphore(%run_scoped3A : memref<!tpu.dma_semaphore, #tpu.memory_space<semaphore_mem>>)
        %dma_wait3A = arith.constant 9360 : i32
        %dma_wait3A_30 = arith.constant 0 : i32
        %dma_wait3A_31 = tpu.memref_slice %arg6[%dma_wait3A, %dma_wait3A_30] : memref<10000x8xf32, #tpu.memory_space<vmem_shared>> -> memref<640x8xf32, #tpu.memory_space<vmem_shared>>
        %dma_wait3A_32 = arith.constant 9360 : i32
        %dma_wait3A_33 = arith.constant 0 : i32
        %dma_wait3A_34 = tpu.memref_slice %arg4[%dma_wait3A_32, %dma_wait3A_33] : memref<10000x8xf32, #tpu.memory_space<hbm>> -> memref<640x8xf32, #tpu.memory_space<hbm>>
        tpu.wait_dma2 semaphore(%run_scoped3A : memref<!tpu.dma_semaphore, #tpu.memory_space<semaphore_mem>>) src(%dma_wait3A_34 : memref<640x8xf32, #tpu.memory_space<hbm>>) dst(%dma_wait3A_31 : memref<640x8xf32, #tpu.memory_space<vmem_shared>>)
        tpu.yield
      }) : () -> ()
    } else {
    }
    "tpu.region"() ({
      %run_scoped3A = tpu.sem_alloc : memref<!tpu.dma_semaphore, #tpu.memory_space<semaphore_mem>>
      tpu.enqueue_dma source(%arg3 : memref<2000x8xf32, #tpu.memory_space<hbm>>) target(%arg8 : memref<2000x8xf32, #tpu.memory_space<vmem>>) target_semaphore(%run_scoped3A : memref<!tpu.dma_semaphore, #tpu.memory_space<semaphore_mem>>)
      tpu.wait_dma2 semaphore(%run_scoped3A : memref<!tpu.dma_semaphore, #tpu.memory_space<semaphore_mem>>) src(%arg3 : memref<2000x8xf32, #tpu.memory_space<hbm>>) dst(%arg8 : memref<2000x8xf32, #tpu.memory_space<vmem>>)
      tpu.yield
    }) : () -> ()
    %barrier3A = arith.constant 0 : index
    tpu.barrier barrier_id(%barrier3A)
    %mul3A = arith.constant 160000 : i32
    %mul3A_6 = arith.muli %arg0, %mul3A : i32
    %mul3A_7 = arith.constant 10000 : i32
    %mul3A_8 = arith.muli %arg1, %mul3A_7 : i32
    %add3A = arith.addi %mul3A_6, %mul3A_8 : i32
    %scan3A = arith.constant 0 : i32
    %scan3A_9 = arith.constant 0 : i32
    %scan3A_10 = arith.constant 5 : i32
    %scan3A_11 = arith.addi %scan3A_9, %scan3A_10 : i32
    %scan3A_12 = arith.constant 1 : i32
    scf.for %scan3A_25 = %scan3A_9 to %scan3A_11 step %scan3A_12  : i32 {
      %mul3A_26 = arith.constant 2000 : i32
      %mul3A_27 = arith.muli %scan3A_25, %mul3A_26 : i32
      %add3A_28 = arith.addi %add3A, %mul3A_27 : i32
      %run_scoped3A = arith.constant 1 : i32
      "tpu.region"() ({
        %run_scoped3A_29 = tpu.sem_alloc : memref<!tpu.dma_semaphore, #tpu.memory_space<semaphore_mem>>
        %dma_start3A = tpu.memref_slice %arg2[%run_scoped3A, %add3A_28] : memref<2x320000xi32, #tpu.memory_space<hbm>> -> memref<1x2000xi32, #tpu.memory_space<hbm>>
        %dma_start3A_30 = tpu.memref_squeeze %dma_start3A : memref<1x2000xi32, #tpu.memory_space<hbm>> -> memref<2000xi32, #tpu.memory_space<hbm>>
        %dma_start3A_31 = tpu.memref_slice %arg2[%run_scoped3A, %add3A_28] : memref<2x320000xi32, #tpu.memory_space<hbm>> -> memref<1x2000xi32, #tpu.memory_space<hbm>>
        %dma_start3A_32 = tpu.memref_squeeze %dma_start3A_31 : memref<1x2000xi32, #tpu.memory_space<hbm>> -> memref<2000xi32, #tpu.memory_space<hbm>>
        tpu.enqueue_dma source(%dma_start3A_32 : memref<2000xi32, #tpu.memory_space<hbm>>) target(%arg7 : memref<2000xi32, #tpu.memory_space<vmem>>) target_semaphore(%run_scoped3A_29 : memref<!tpu.dma_semaphore, #tpu.memory_space<semaphore_mem>>)
        %dma_wait3A = tpu.memref_slice %arg2[%run_scoped3A, %add3A_28] : memref<2x320000xi32, #tpu.memory_space<hbm>> -> memref<1x2000xi32, #tpu.memory_space<hbm>>
        %dma_wait3A_33 = tpu.memref_squeeze %dma_wait3A : memref<1x2000xi32, #tpu.memory_space<hbm>> -> memref<2000xi32, #tpu.memory_space<hbm>>
        %dma_wait3A_34 = tpu.memref_slice %arg2[%run_scoped3A, %add3A_28] : memref<2x320000xi32, #tpu.memory_space<hbm>> -> memref<1x2000xi32, #tpu.memory_space<hbm>>
        %dma_wait3A_35 = tpu.memref_squeeze %dma_wait3A_34 : memref<1x2000xi32, #tpu.memory_space<hbm>> -> memref<2000xi32, #tpu.memory_space<hbm>>
        tpu.wait_dma2 semaphore(%run_scoped3A_29 : memref<!tpu.dma_semaphore, #tpu.memory_space<semaphore_mem>>) src(%dma_wait3A_35 : memref<2000xi32, #tpu.memory_space<hbm>>) dst(%arg7 : memref<2000xi32, #tpu.memory_space<vmem>>)
        tpu.yield
      }) : () -> ()
      "tpu.region"() ({
        %run_scoped3A_29 = tpu.sem_alloc : memref<!tpu.dma_semaphore, #tpu.memory_space<semaphore_mem>>
        %dma_start3A = arith.constant 0 : i32
        %dma_start3A_30 = arith.constant 0 : i32
        %dma_start3A_31 = tpu.memref_slice %arg6[%dma_start3A, %dma_start3A_30] : memref<10000x8xf32, #tpu.memory_space<vmem_shared>> -> memref<10000x8xf32, #tpu.memory_space<vmem_shared>>
        tpu.enqueue_indirect_dma source(%arg8 : memref<2000x8xf32, #tpu.memory_space<vmem>>) target(%dma_start3A_31 : memref<10000x8xf32, #tpu.memory_space<vmem_shared>>) offsets(%arg7 : memref<2000xi32, #tpu.memory_space<vmem>>) semaphore(%run_scoped3A_29 : memref<!tpu.dma_semaphore, #tpu.memory_space<semaphore_mem>>) {add = true}
        %dma_wait3A = arith.constant 0 : i32
        %dma_wait3A_32 = arith.constant 0 : i32
        %dma_wait3A_33 = tpu.memref_slice %arg6[%dma_wait3A, %dma_wait3A_32] : memref<10000x8xf32, #tpu.memory_space<vmem_shared>> -> memref<10000x8xf32, #tpu.memory_space<vmem_shared>>
        tpu.wait_indirect_dma semaphore(%run_scoped3A_29 : memref<!tpu.dma_semaphore, #tpu.memory_space<semaphore_mem>>) src(%arg8 : memref<2000x8xf32, #tpu.memory_space<vmem>>) dst(%dma_wait3A_33 : memref<10000x8xf32, #tpu.memory_space<vmem_shared>>)
        tpu.yield
      }) : () -> ()
    }
    %scan3A_13 = arith.constant 5 : i32
    %barrier3A_14 = arith.constant 0 : index
    tpu.barrier barrier_id(%barrier3A_14)
    %lt3A_15 = arith.constant 15 : i32
    %lt3A_16 = arith.cmpi slt, %arg1, %lt3A_15 : i32
    %convert_element_type3A_17 = arith.extui %lt3A_16 : i1 to i32
    %cond3A_18 = arith.constant 0 : i32
    %cond3A_19 = arith.cmpi ne, %convert_element_type3A_17, %cond3A_18 : i32
    scf.if %cond3A_19 {
      %mul3A_25 = arith.constant 624 : i32
      %mul3A_26 = arith.muli %arg1, %mul3A_25 : i32
      %mul3A_27 = arith.constant 8 : i32
      %mul3A_28 = arith.muli %arg0, %mul3A_27 : i32
      "tpu.region"() ({
        %run_scoped3A = tpu.sem_alloc : memref<!tpu.dma_semaphore, #tpu.memory_space<semaphore_mem>>
        %dma_start3A = tpu.memref_slice %arg5[%mul3A_26, %mul3A_28] : memref<10000x128xf32, #tpu.memory_space<hbm>> -> memref<624x8xf32, #tpu.memory_space<hbm>>
        %dma_start3A_29 = arith.constant 0 : i32
        %dma_start3A_30 = tpu.memref_slice %arg6[%mul3A_26, %dma_start3A_29] : memref<10000x8xf32, #tpu.memory_space<vmem_shared>> -> memref<624x8xf32, #tpu.memory_space<vmem_shared>>
        tpu.enqueue_dma source(%dma_start3A_30 : memref<624x8xf32, #tpu.memory_space<vmem_shared>>) target(%dma_start3A : memref<624x8xf32, #tpu.memory_space<hbm>>) target_semaphore(%run_scoped3A : memref<!tpu.dma_semaphore, #tpu.memory_space<semaphore_mem>>)
        %dma_wait3A = tpu.memref_slice %arg5[%mul3A_26, %mul3A_28] : memref<10000x128xf32, #tpu.memory_space<hbm>> -> memref<624x8xf32, #tpu.memory_space<hbm>>
        %dma_wait3A_31 = arith.constant 0 : i32
        %dma_wait3A_32 = tpu.memref_slice %arg6[%mul3A_26, %dma_wait3A_31] : memref<10000x8xf32, #tpu.memory_space<vmem_shared>> -> memref<624x8xf32, #tpu.memory_space<vmem_shared>>
        tpu.wait_dma2 semaphore(%run_scoped3A : memref<!tpu.dma_semaphore, #tpu.memory_space<semaphore_mem>>) src(%dma_wait3A_32 : memref<624x8xf32, #tpu.memory_space<vmem_shared>>) dst(%dma_wait3A : memref<624x8xf32, #tpu.memory_space<hbm>>)
        tpu.yield
      }) : () -> ()
    } else {
    }
    %eq3A_20 = arith.constant 15 : i32
    %eq3A_21 = arith.cmpi eq, %arg1, %eq3A_20 : i32
    %convert_element_type3A_22 = arith.extui %eq3A_21 : i1 to i32
    %cond3A_23 = arith.constant 0 : i32
    %cond3A_24 = arith.cmpi ne, %convert_element_type3A_22, %cond3A_23 : i32
    scf.if %cond3A_24 {
      %mul3A_25 = arith.constant 8 : i32
      %mul3A_26 = arith.muli %arg0, %mul3A_25 : i32
      "tpu.region"() ({
        %run_scoped3A = tpu.sem_alloc : memref<!tpu.dma_semaphore, #tpu.memory_space<semaphore_mem>>
        %dma_start3A = arith.constant 9360 : i32
        %dma_start3A_27 = tpu.memref_slice %arg5[%dma_start3A, %mul3A_26] : memref<10000x128xf32, #tpu.memory_space<hbm>> -> memref<640x8xf32, #tpu.memory_space<hbm>>
        %dma_start3A_28 = arith.constant 9360 : i32
        %dma_start3A_29 = arith.constant 0 : i32
        %dma_start3A_30 = tpu.memref_slice %arg6[%dma_start3A_28, %dma_start3A_29] : memref<10000x8xf32, #tpu.memory_space<vmem_shared>> -> memref<640x8xf32, #tpu.memory_space<vmem_shared>>
        tpu.enqueue_dma source(%dma_start3A_30 : memref<640x8xf32, #tpu.memory_space<vmem_shared>>) target(%dma_start3A_27 : memref<640x8xf32, #tpu.memory_space<hbm>>) target_semaphore(%run_scoped3A : memref<!tpu.dma_semaphore, #tpu.memory_space<semaphore_mem>>)
        %dma_wait3A = arith.constant 9360 : i32
        %dma_wait3A_31 = tpu.memref_slice %arg5[%dma_wait3A, %mul3A_26] : memref<10000x128xf32, #tpu.memory_space<hbm>> -> memref<640x8xf32, #tpu.memory_space<hbm>>
        %dma_wait3A_32 = arith.constant 9360 : i32
        %dma_wait3A_33 = arith.constant 0 : i32
        %dma_wait3A_34 = tpu.memref_slice %arg6[%dma_wait3A_32, %dma_wait3A_33] : memref<10000x8xf32, #tpu.memory_space<vmem_shared>> -> memref<640x8xf32, #tpu.memory_space<vmem_shared>>
        tpu.wait_dma2 semaphore(%run_scoped3A : memref<!tpu.dma_semaphore, #tpu.memory_space<semaphore_mem>>) src(%dma_wait3A_34 : memref<640x8xf32, #tpu.memory_space<vmem_shared>>) dst(%dma_wait3A_31 : memref<640x8xf32, #tpu.memory_space<hbm>>)
        tpu.yield
      }) : () -> ()
    } else {
    }
    return
  }
}

#map = affine_map<(d0, d1) -> (0, 0)>
module attributes {stable_mosaic.version = 14 : i64} {
  func.func @_agg8_body(%arg0: i32, %arg1: i32, %arg2: memref<2x320000xi32, #tpu.memory_space<hbm>>, %arg3: memref<10000x128xf32, #tpu.memory_space<hbm>>, %arg4: memref<10000x8xf32, #tpu.memory_space<hbm>>, %arg5: memref<10000x128xf32, #tpu.memory_space<hbm>>, %arg6: memref<10000x8xf32, #tpu.memory_space<vmem_shared>>, %arg7: memref<10000x8xf32, #tpu.memory_space<vmem_shared>>, %arg8: memref<4x1000xi32, #tpu.memory_space<vmem>>, %arg9: memref<4x1000xi32, #tpu.memory_space<vmem>>, %arg10: memref<3x1000x8xf32, #tpu.memory_space<vmem>>, %arg11: memref<!tpu.dma_semaphore, #tpu.memory_space<semaphore_mem>>, %arg12: memref<!tpu.dma_semaphore, #tpu.memory_space<semaphore_mem>>, %arg13: memref<!tpu.dma_semaphore, #tpu.memory_space<semaphore_mem>>) attributes {dimension_semantics = [#tpu.dimension_semantics<core_parallel>, #tpu.dimension_semantics<subcore_parallel>], iteration_bounds = array<i64: 2, 16>, scalar_prefetch = 0 : i64, scratch_operands = 8 : i64, tpu.core_type = #tpu.core_type<sc_vector_subcore>, window_params = [{transform_indices = #map}, {transform_indices = #map}, {transform_indices = #map}, {transform_indices = #map}]} {
    %lt3A = arith.constant 15 : i32
    %lt3A_0 = arith.cmpi slt, %arg1, %lt3A : i32
    %convert_element_type3A = arith.extui %lt3A_0 : i1 to i32
    %cond3A = arith.constant 0 : i32
    %cond3A_1 = arith.cmpi ne, %convert_element_type3A, %cond3A : i32
    scf.if %cond3A_1 {
      %mul3A_103 = arith.constant 624 : i32
      %mul3A_104 = arith.muli %arg1, %mul3A_103 : i32
      "tpu.region"() ({
        %run_scoped3A = tpu.sem_alloc : memref<!tpu.dma_semaphore, #tpu.memory_space<semaphore_mem>>
        %dma_start3A_114 = arith.constant 0 : i32
        %dma_start3A_115 = tpu.memref_slice %arg7[%mul3A_104, %dma_start3A_114] : memref<10000x8xf32, #tpu.memory_space<vmem_shared>> -> memref<624x8xf32, #tpu.memory_space<vmem_shared>>
        %dma_start3A_116 = arith.constant 0 : i32
        %dma_start3A_117 = tpu.memref_slice %arg3[%mul3A_104, %dma_start3A_116] : memref<10000x128xf32, #tpu.memory_space<hbm>> -> memref<624x8xf32, #tpu.memory_space<hbm>>
        tpu.enqueue_dma source(%dma_start3A_117 : memref<624x8xf32, #tpu.memory_space<hbm>>) target(%dma_start3A_115 : memref<624x8xf32, #tpu.memory_space<vmem_shared>>) target_semaphore(%run_scoped3A : memref<!tpu.dma_semaphore, #tpu.memory_space<semaphore_mem>>)
        %dma_wait3A_118 = arith.constant 0 : i32
        %dma_wait3A_119 = tpu.memref_slice %arg7[%mul3A_104, %dma_wait3A_118] : memref<10000x8xf32, #tpu.memory_space<vmem_shared>> -> memref<624x8xf32, #tpu.memory_space<vmem_shared>>
        %dma_wait3A_120 = arith.constant 0 : i32
        %dma_wait3A_121 = tpu.memref_slice %arg3[%mul3A_104, %dma_wait3A_120] : memref<10000x128xf32, #tpu.memory_space<hbm>> -> memref<624x8xf32, #tpu.memory_space<hbm>>
        tpu.wait_dma2 semaphore(%run_scoped3A : memref<!tpu.dma_semaphore, #tpu.memory_space<semaphore_mem>>) src(%dma_wait3A_121 : memref<624x8xf32, #tpu.memory_space<hbm>>) dst(%dma_wait3A_119 : memref<624x8xf32, #tpu.memory_space<vmem_shared>>)
        tpu.yield
      }) : () -> ()
      %eq3A_105 = arith.constant 0 : i32
      %eq3A_106 = arith.cmpi eq, %arg0, %eq3A_105 : i32
      %convert_element_type3A_107 = arith.extui %eq3A_106 : i1 to i32
      %cond3A_108 = arith.constant 0 : i32
      %cond3A_109 = arith.cmpi ne, %convert_element_type3A_107, %cond3A_108 : i32
      scf.if %cond3A_109 {
        "tpu.region"() ({
          %run_scoped3A = tpu.sem_alloc : memref<!tpu.dma_semaphore, #tpu.memory_space<semaphore_mem>>
          %dma_start3A_114 = arith.constant 0 : i32
          %dma_start3A_115 = tpu.memref_slice %arg6[%mul3A_104, %dma_start3A_114] : memref<10000x8xf32, #tpu.memory_space<vmem_shared>> -> memref<624x8xf32, #tpu.memory_space<vmem_shared>>
          %dma_start3A_116 = arith.constant 0 : i32
          %dma_start3A_117 = tpu.memref_slice %arg3[%mul3A_104, %dma_start3A_116] : memref<10000x128xf32, #tpu.memory_space<hbm>> -> memref<624x8xf32, #tpu.memory_space<hbm>>
          tpu.enqueue_dma source(%dma_start3A_117 : memref<624x8xf32, #tpu.memory_space<hbm>>) target(%dma_start3A_115 : memref<624x8xf32, #tpu.memory_space<vmem_shared>>) target_semaphore(%run_scoped3A : memref<!tpu.dma_semaphore, #tpu.memory_space<semaphore_mem>>)
          %dma_wait3A_118 = arith.constant 0 : i32
          %dma_wait3A_119 = tpu.memref_slice %arg6[%mul3A_104, %dma_wait3A_118] : memref<10000x8xf32, #tpu.memory_space<vmem_shared>> -> memref<624x8xf32, #tpu.memory_space<vmem_shared>>
          %dma_wait3A_120 = arith.constant 0 : i32
          %dma_wait3A_121 = tpu.memref_slice %arg3[%mul3A_104, %dma_wait3A_120] : memref<10000x128xf32, #tpu.memory_space<hbm>> -> memref<624x8xf32, #tpu.memory_space<hbm>>
          tpu.wait_dma2 semaphore(%run_scoped3A : memref<!tpu.dma_semaphore, #tpu.memory_space<semaphore_mem>>) src(%dma_wait3A_121 : memref<624x8xf32, #tpu.memory_space<hbm>>) dst(%dma_wait3A_119 : memref<624x8xf32, #tpu.memory_space<vmem_shared>>)
          tpu.yield
        }) : () -> ()
      } else {
      }
      %ne3A = arith.constant 0 : i32
      %ne3A_110 = arith.cmpi ne, %arg0, %ne3A : i32
      %convert_element_type3A_111 = arith.extui %ne3A_110 : i1 to i32
      %cond3A_112 = arith.constant 0 : i32
      %cond3A_113 = arith.cmpi ne, %convert_element_type3A_111, %cond3A_112 : i32
      scf.if %cond3A_113 {
        "tpu.region"() ({
          %run_scoped3A = tpu.sem_alloc : memref<!tpu.dma_semaphore, #tpu.memory_space<semaphore_mem>>
          %dma_start3A_114 = arith.constant 0 : i32
          %dma_start3A_115 = tpu.memref_slice %arg6[%mul3A_104, %dma_start3A_114] : memref<10000x8xf32, #tpu.memory_space<vmem_shared>> -> memref<624x8xf32, #tpu.memory_space<vmem_shared>>
          %dma_start3A_116 = arith.constant 0 : i32
          %dma_start3A_117 = tpu.memref_slice %arg4[%mul3A_104, %dma_start3A_116] : memref<10000x8xf32, #tpu.memory_space<hbm>> -> memref<624x8xf32, #tpu.memory_space<hbm>>
          tpu.enqueue_dma source(%dma_start3A_117 : memref<624x8xf32, #tpu.memory_space<hbm>>) target(%dma_start3A_115 : memref<624x8xf32, #tpu.memory_space<vmem_shared>>) target_semaphore(%run_scoped3A : memref<!tpu.dma_semaphore, #tpu.memory_space<semaphore_mem>>)
          %dma_wait3A_118 = arith.constant 0 : i32
          %dma_wait3A_119 = tpu.memref_slice %arg6[%mul3A_104, %dma_wait3A_118] : memref<10000x8xf32, #tpu.memory_space<vmem_shared>> -> memref<624x8xf32, #tpu.memory_space<vmem_shared>>
          %dma_wait3A_120 = arith.constant 0 : i32
          %dma_wait3A_121 = tpu.memref_slice %arg4[%mul3A_104, %dma_wait3A_120] : memref<10000x8xf32, #tpu.memory_space<hbm>> -> memref<624x8xf32, #tpu.memory_space<hbm>>
          tpu.wait_dma2 semaphore(%run_scoped3A : memref<!tpu.dma_semaphore, #tpu.memory_space<semaphore_mem>>) src(%dma_wait3A_121 : memref<624x8xf32, #tpu.memory_space<hbm>>) dst(%dma_wait3A_119 : memref<624x8xf32, #tpu.memory_space<vmem_shared>>)
          tpu.yield
        }) : () -> ()
      } else {
      }
    } else {
    }
    %eq3A = arith.constant 15 : i32
    %eq3A_2 = arith.cmpi eq, %arg1, %eq3A : i32
    %convert_element_type3A_3 = arith.extui %eq3A_2 : i1 to i32
    %cond3A_4 = arith.constant 0 : i32
    %cond3A_5 = arith.cmpi ne, %convert_element_type3A_3, %cond3A_4 : i32
    scf.if %cond3A_5 {
      "tpu.region"() ({
        %run_scoped3A = tpu.sem_alloc : memref<!tpu.dma_semaphore, #tpu.memory_space<semaphore_mem>>
        %dma_start3A_112 = arith.constant 9360 : i32
        %dma_start3A_113 = arith.constant 0 : i32
        %dma_start3A_114 = tpu.memref_slice %arg7[%dma_start3A_112, %dma_start3A_113] : memref<10000x8xf32, #tpu.memory_space<vmem_shared>> -> memref<640x8xf32, #tpu.memory_space<vmem_shared>>
        %dma_start3A_115 = arith.constant 9360 : i32
        %dma_start3A_116 = arith.constant 0 : i32
        %dma_start3A_117 = tpu.memref_slice %arg3[%dma_start3A_115, %dma_start3A_116] : memref<10000x128xf32, #tpu.memory_space<hbm>> -> memref<640x8xf32, #tpu.memory_space<hbm>>
        tpu.enqueue_dma source(%dma_start3A_117 : memref<640x8xf32, #tpu.memory_space<hbm>>) target(%dma_start3A_114 : memref<640x8xf32, #tpu.memory_space<vmem_shared>>) target_semaphore(%run_scoped3A : memref<!tpu.dma_semaphore, #tpu.memory_space<semaphore_mem>>)
        %dma_wait3A_118 = arith.constant 9360 : i32
        %dma_wait3A_119 = arith.constant 0 : i32
        %dma_wait3A_120 = tpu.memref_slice %arg7[%dma_wait3A_118, %dma_wait3A_119] : memref<10000x8xf32, #tpu.memory_space<vmem_shared>> -> memref<640x8xf32, #tpu.memory_space<vmem_shared>>
        %dma_wait3A_121 = arith.constant 9360 : i32
        %dma_wait3A_122 = arith.constant 0 : i32
        %dma_wait3A_123 = tpu.memref_slice %arg3[%dma_wait3A_121, %dma_wait3A_122] : memref<10000x128xf32, #tpu.memory_space<hbm>> -> memref<640x8xf32, #tpu.memory_space<hbm>>
        tpu.wait_dma2 semaphore(%run_scoped3A : memref<!tpu.dma_semaphore, #tpu.memory_space<semaphore_mem>>) src(%dma_wait3A_123 : memref<640x8xf32, #tpu.memory_space<hbm>>) dst(%dma_wait3A_120 : memref<640x8xf32, #tpu.memory_space<vmem_shared>>)
        tpu.yield
      }) : () -> ()
      %eq3A_103 = arith.constant 0 : i32
      %eq3A_104 = arith.cmpi eq, %arg0, %eq3A_103 : i32
      %convert_element_type3A_105 = arith.extui %eq3A_104 : i1 to i32
      %cond3A_106 = arith.constant 0 : i32
      %cond3A_107 = arith.cmpi ne, %convert_element_type3A_105, %cond3A_106 : i32
      scf.if %cond3A_107 {
        "tpu.region"() ({
          %run_scoped3A = tpu.sem_alloc : memref<!tpu.dma_semaphore, #tpu.memory_space<semaphore_mem>>
          %dma_start3A_112 = arith.constant 9360 : i32
          %dma_start3A_113 = arith.constant 0 : i32
          %dma_start3A_114 = tpu.memref_slice %arg6[%dma_start3A_112, %dma_start3A_113] : memref<10000x8xf32, #tpu.memory_space<vmem_shared>> -> memref<640x8xf32, #tpu.memory_space<vmem_shared>>
          %dma_start3A_115 = arith.constant 9360 : i32
          %dma_start3A_116 = arith.constant 0 : i32
          %dma_start3A_117 = tpu.memref_slice %arg3[%dma_start3A_115, %dma_start3A_116] : memref<10000x128xf32, #tpu.memory_space<hbm>> -> memref<640x8xf32, #tpu.memory_space<hbm>>
          tpu.enqueue_dma source(%dma_start3A_117 : memref<640x8xf32, #tpu.memory_space<hbm>>) target(%dma_start3A_114 : memref<640x8xf32, #tpu.memory_space<vmem_shared>>) target_semaphore(%run_scoped3A : memref<!tpu.dma_semaphore, #tpu.memory_space<semaphore_mem>>)
          %dma_wait3A_118 = arith.constant 9360 : i32
          %dma_wait3A_119 = arith.constant 0 : i32
          %dma_wait3A_120 = tpu.memref_slice %arg6[%dma_wait3A_118, %dma_wait3A_119] : memref<10000x8xf32, #tpu.memory_space<vmem_shared>> -> memref<640x8xf32, #tpu.memory_space<vmem_shared>>
          %dma_wait3A_121 = arith.constant 9360 : i32
          %dma_wait3A_122 = arith.constant 0 : i32
          %dma_wait3A_123 = tpu.memref_slice %arg3[%dma_wait3A_121, %dma_wait3A_122] : memref<10000x128xf32, #tpu.memory_space<hbm>> -> memref<640x8xf32, #tpu.memory_space<hbm>>
          tpu.wait_dma2 semaphore(%run_scoped3A : memref<!tpu.dma_semaphore, #tpu.memory_space<semaphore_mem>>) src(%dma_wait3A_123 : memref<640x8xf32, #tpu.memory_space<hbm>>) dst(%dma_wait3A_120 : memref<640x8xf32, #tpu.memory_space<vmem_shared>>)
          tpu.yield
        }) : () -> ()
      } else {
      }
      %ne3A = arith.constant 0 : i32
      %ne3A_108 = arith.cmpi ne, %arg0, %ne3A : i32
      %convert_element_type3A_109 = arith.extui %ne3A_108 : i1 to i32
      %cond3A_110 = arith.constant 0 : i32
      %cond3A_111 = arith.cmpi ne, %convert_element_type3A_109, %cond3A_110 : i32
      scf.if %cond3A_111 {
        "tpu.region"() ({
          %run_scoped3A = tpu.sem_alloc : memref<!tpu.dma_semaphore, #tpu.memory_space<semaphore_mem>>
          %dma_start3A_112 = arith.constant 9360 : i32
          %dma_start3A_113 = arith.constant 0 : i32
          %dma_start3A_114 = tpu.memref_slice %arg6[%dma_start3A_112, %dma_start3A_113] : memref<10000x8xf32, #tpu.memory_space<vmem_shared>> -> memref<640x8xf32, #tpu.memory_space<vmem_shared>>
          %dma_start3A_115 = arith.constant 9360 : i32
          %dma_start3A_116 = arith.constant 0 : i32
          %dma_start3A_117 = tpu.memref_slice %arg4[%dma_start3A_115, %dma_start3A_116] : memref<10000x8xf32, #tpu.memory_space<hbm>> -> memref<640x8xf32, #tpu.memory_space<hbm>>
          tpu.enqueue_dma source(%dma_start3A_117 : memref<640x8xf32, #tpu.memory_space<hbm>>) target(%dma_start3A_114 : memref<640x8xf32, #tpu.memory_space<vmem_shared>>) target_semaphore(%run_scoped3A : memref<!tpu.dma_semaphore, #tpu.memory_space<semaphore_mem>>)
          %dma_wait3A_118 = arith.constant 9360 : i32
          %dma_wait3A_119 = arith.constant 0 : i32
          %dma_wait3A_120 = tpu.memref_slice %arg6[%dma_wait3A_118, %dma_wait3A_119] : memref<10000x8xf32, #tpu.memory_space<vmem_shared>> -> memref<640x8xf32, #tpu.memory_space<vmem_shared>>
          %dma_wait3A_121 = arith.constant 9360 : i32
          %dma_wait3A_122 = arith.constant 0 : i32
          %dma_wait3A_123 = tpu.memref_slice %arg4[%dma_wait3A_121, %dma_wait3A_122] : memref<10000x8xf32, #tpu.memory_space<hbm>> -> memref<640x8xf32, #tpu.memory_space<hbm>>
          tpu.wait_dma2 semaphore(%run_scoped3A : memref<!tpu.dma_semaphore, #tpu.memory_space<semaphore_mem>>) src(%dma_wait3A_123 : memref<640x8xf32, #tpu.memory_space<hbm>>) dst(%dma_wait3A_120 : memref<640x8xf32, #tpu.memory_space<vmem_shared>>)
          tpu.yield
        }) : () -> ()
      } else {
      }
    } else {
    }
    %barrier3A = arith.constant 0 : index
    tpu.barrier barrier_id(%barrier3A)
    %mul3A = arith.constant 160000 : i32
    %mul3A_6 = arith.muli %arg0, %mul3A : i32
    %mul3A_7 = arith.constant 10000 : i32
    %mul3A_8 = arith.muli %arg1, %mul3A_7 : i32
    %add3A = arith.addi %mul3A_6, %mul3A_8 : i32
    %add3A_9 = arith.constant 0 : i32
    %add3A_10 = arith.addi %add3A, %add3A_9 : i32
    %dma_start3A = arith.constant 0 : i32
    %dma_start3A_11 = arith.constant 0 : i32
    %dma_start3A_12 = arith.constant 0 : i32
    %dma_start3A_13 = tpu.memref_slice %arg8[%dma_start3A_11, %dma_start3A_12] : memref<4x1000xi32, #tpu.memory_space<vmem>> -> memref<1x1000xi32, #tpu.memory_space<vmem>>
    %dma_start3A_14 = tpu.memref_squeeze %dma_start3A_13 : memref<1x1000xi32, #tpu.memory_space<vmem>> -> memref<1000xi32, #tpu.memory_space<vmem>>
    %dma_start3A_15 = tpu.memref_slice %arg2[%dma_start3A, %add3A_10] : memref<2x320000xi32, #tpu.memory_space<hbm>> -> memref<1x1000xi32, #tpu.memory_space<hbm>>
    %dma_start3A_16 = tpu.memref_squeeze %dma_start3A_15 : memref<1x1000xi32, #tpu.memory_space<hbm>> -> memref<1000xi32, #tpu.memory_space<hbm>>
    %dma_start3A_17 = arith.constant 0 : i32
    %dma_start3A_18 = tpu.memref_slice %arg8[%dma_start3A_11, %dma_start3A_17] : memref<4x1000xi32, #tpu.memory_space<vmem>> -> memref<1x1000xi32, #tpu.memory_space<vmem>>
    %dma_start3A_19 = tpu.memref_squeeze %dma_start3A_18 : memref<1x1000xi32, #tpu.memory_space<vmem>> -> memref<1000xi32, #tpu.memory_space<vmem>>
    %dma_start3A_20 = tpu.memref_slice %arg2[%dma_start3A, %add3A_10] : memref<2x320000xi32, #tpu.memory_space<hbm>> -> memref<1x1000xi32, #tpu.memory_space<hbm>>
    %dma_start3A_21 = tpu.memref_squeeze %dma_start3A_20 : memref<1x1000xi32, #tpu.memory_space<hbm>> -> memref<1000xi32, #tpu.memory_space<hbm>>
    tpu.enqueue_dma source(%dma_start3A_21 : memref<1000xi32, #tpu.memory_space<hbm>>) target(%dma_start3A_19 : memref<1000xi32, #tpu.memory_space<vmem>>) target_semaphore(%arg11 : memref<!tpu.dma_semaphore, #tpu.memory_space<semaphore_mem>>)
    %add3A_22 = arith.constant 0 : i32
    %add3A_23 = arith.addi %add3A, %add3A_22 : i32
    %dma_start3A_24 = arith.constant 1 : i32
    %dma_start3A_25 = arith.constant 0 : i32
    %dma_start3A_26 = arith.constant 0 : i32
    %dma_start3A_27 = tpu.memref_slice %arg9[%dma_start3A_25, %dma_start3A_26] : memref<4x1000xi32, #tpu.memory_space<vmem>> -> memref<1x1000xi32, #tpu.memory_space<vmem>>
    %dma_start3A_28 = tpu.memref_squeeze %dma_start3A_27 : memref<1x1000xi32, #tpu.memory_space<vmem>> -> memref<1000xi32, #tpu.memory_space<vmem>>
    %dma_start3A_29 = tpu.memref_slice %arg2[%dma_start3A_24, %add3A_23] : memref<2x320000xi32, #tpu.memory_space<hbm>> -> memref<1x1000xi32, #tpu.memory_space<hbm>>
    %dma_start3A_30 = tpu.memref_squeeze %dma_start3A_29 : memref<1x1000xi32, #tpu.memory_space<hbm>> -> memref<1000xi32, #tpu.memory_space<hbm>>
    %dma_start3A_31 = arith.constant 0 : i32
    %dma_start3A_32 = tpu.memref_slice %arg9[%dma_start3A_25, %dma_start3A_31] : memref<4x1000xi32, #tpu.memory_space<vmem>> -> memref<1x1000xi32, #tpu.memory_space<vmem>>
    %dma_start3A_33 = tpu.memref_squeeze %dma_start3A_32 : memref<1x1000xi32, #tpu.memory_space<vmem>> -> memref<1000xi32, #tpu.memory_space<vmem>>
    %dma_start3A_34 = tpu.memref_slice %arg2[%dma_start3A_24, %add3A_23] : memref<2x320000xi32, #tpu.memory_space<hbm>> -> memref<1x1000xi32, #tpu.memory_space<hbm>>
    %dma_start3A_35 = tpu.memref_squeeze %dma_start3A_34 : memref<1x1000xi32, #tpu.memory_space<hbm>> -> memref<1000xi32, #tpu.memory_space<hbm>>
    tpu.enqueue_dma source(%dma_start3A_35 : memref<1000xi32, #tpu.memory_space<hbm>>) target(%dma_start3A_33 : memref<1000xi32, #tpu.memory_space<vmem>>) target_semaphore(%arg11 : memref<!tpu.dma_semaphore, #tpu.memory_space<semaphore_mem>>)
    %add3A_36 = arith.constant 1000 : i32
    %add3A_37 = arith.addi %add3A, %add3A_36 : i32
    %dma_start3A_38 = arith.constant 0 : i32
    %dma_start3A_39 = arith.constant 1 : i32
    %dma_start3A_40 = arith.constant 0 : i32
    %dma_start3A_41 = tpu.memref_slice %arg8[%dma_start3A_39, %dma_start3A_40] : memref<4x1000xi32, #tpu.memory_space<vmem>> -> memref<1x1000xi32, #tpu.memory_space<vmem>>
    %dma_start3A_42 = tpu.memref_squeeze %dma_start3A_41 : memref<1x1000xi32, #tpu.memory_space<vmem>> -> memref<1000xi32, #tpu.memory_space<vmem>>
    %dma_start3A_43 = tpu.memref_slice %arg2[%dma_start3A_38, %add3A_37] : memref<2x320000xi32, #tpu.memory_space<hbm>> -> memref<1x1000xi32, #tpu.memory_space<hbm>>
    %dma_start3A_44 = tpu.memref_squeeze %dma_start3A_43 : memref<1x1000xi32, #tpu.memory_space<hbm>> -> memref<1000xi32, #tpu.memory_space<hbm>>
    %dma_start3A_45 = arith.constant 0 : i32
    %dma_start3A_46 = tpu.memref_slice %arg8[%dma_start3A_39, %dma_start3A_45] : memref<4x1000xi32, #tpu.memory_space<vmem>> -> memref<1x1000xi32, #tpu.memory_space<vmem>>
    %dma_start3A_47 = tpu.memref_squeeze %dma_start3A_46 : memref<1x1000xi32, #tpu.memory_space<vmem>> -> memref<1000xi32, #tpu.memory_space<vmem>>
    %dma_start3A_48 = tpu.memref_slice %arg2[%dma_start3A_38, %add3A_37] : memref<2x320000xi32, #tpu.memory_space<hbm>> -> memref<1x1000xi32, #tpu.memory_space<hbm>>
    %dma_start3A_49 = tpu.memref_squeeze %dma_start3A_48 : memref<1x1000xi32, #tpu.memory_space<hbm>> -> memref<1000xi32, #tpu.memory_space<hbm>>
    tpu.enqueue_dma source(%dma_start3A_49 : memref<1000xi32, #tpu.memory_space<hbm>>) target(%dma_start3A_47 : memref<1000xi32, #tpu.memory_space<vmem>>) target_semaphore(%arg11 : memref<!tpu.dma_semaphore, #tpu.memory_space<semaphore_mem>>)
    %add3A_50 = arith.constant 1000 : i32
    %add3A_51 = arith.addi %add3A, %add3A_50 : i32
    %dma_start3A_52 = arith.constant 1 : i32
    %dma_start3A_53 = arith.constant 1 : i32
    %dma_start3A_54 = arith.constant 0 : i32
    %dma_start3A_55 = tpu.memref_slice %arg9[%dma_start3A_53, %dma_start3A_54] : memref<4x1000xi32, #tpu.memory_space<vmem>> -> memref<1x1000xi32, #tpu.memory_space<vmem>>
    %dma_start3A_56 = tpu.memref_squeeze %dma_start3A_55 : memref<1x1000xi32, #tpu.memory_space<vmem>> -> memref<1000xi32, #tpu.memory_space<vmem>>
    %dma_start3A_57 = tpu.memref_slice %arg2[%dma_start3A_52, %add3A_51] : memref<2x320000xi32, #tpu.memory_space<hbm>> -> memref<1x1000xi32, #tpu.memory_space<hbm>>
    %dma_start3A_58 = tpu.memref_squeeze %dma_start3A_57 : memref<1x1000xi32, #tpu.memory_space<hbm>> -> memref<1000xi32, #tpu.memory_space<hbm>>
    %dma_start3A_59 = arith.constant 0 : i32
    %dma_start3A_60 = tpu.memref_slice %arg9[%dma_start3A_53, %dma_start3A_59] : memref<4x1000xi32, #tpu.memory_space<vmem>> -> memref<1x1000xi32, #tpu.memory_space<vmem>>
    %dma_start3A_61 = tpu.memref_squeeze %dma_start3A_60 : memref<1x1000xi32, #tpu.memory_space<vmem>> -> memref<1000xi32, #tpu.memory_space<vmem>>
    %dma_start3A_62 = tpu.memref_slice %arg2[%dma_start3A_52, %add3A_51] : memref<2x320000xi32, #tpu.memory_space<hbm>> -> memref<1x1000xi32, #tpu.memory_space<hbm>>
    %dma_start3A_63 = tpu.memref_squeeze %dma_start3A_62 : memref<1x1000xi32, #tpu.memory_space<hbm>> -> memref<1000xi32, #tpu.memory_space<hbm>>
    tpu.enqueue_dma source(%dma_start3A_63 : memref<1000xi32, #tpu.memory_space<hbm>>) target(%dma_start3A_61 : memref<1000xi32, #tpu.memory_space<vmem>>) target_semaphore(%arg11 : memref<!tpu.dma_semaphore, #tpu.memory_space<semaphore_mem>>)
    %scan3A = arith.constant 0 : i32
    %scan3A_64 = arith.constant 0 : i32
    %scan3A_65 = arith.constant 10 : i32
    %scan3A_66 = arith.addi %scan3A_64, %scan3A_65 : i32
    %scan3A_67 = arith.constant 1 : i32
    scf.for %scan3A_103 = %scan3A_64 to %scan3A_66 step %scan3A_67  : i32 {
      %rem3A = arith.constant 3 : i32
      %rem3A_104 = arith.remsi %scan3A_103, %rem3A : i32
      %rem3A_105 = arith.constant 4 : i32
      %rem3A_106 = arith.remsi %scan3A_103, %rem3A_105 : i32
      %mul3A_107 = arith.constant 1000 : i32
      %mul3A_108 = arith.muli %scan3A_103, %mul3A_107 : i32
      %add3A_109 = arith.addi %add3A, %mul3A_108 : i32
      %dma_wait3A_110 = arith.constant 0 : i32
      %dma_wait3A_111 = arith.constant 0 : i32
      %dma_wait3A_112 = tpu.memref_slice %arg8[%rem3A_106, %dma_wait3A_111] : memref<4x1000xi32, #tpu.memory_space<vmem>> -> memref<1x1000xi32, #tpu.memory_space<vmem>>
      %dma_wait3A_113 = tpu.memref_squeeze %dma_wait3A_112 : memref<1x1000xi32, #tpu.memory_space<vmem>> -> memref<1000xi32, #tpu.memory_space<vmem>>
      %dma_wait3A_114 = tpu.memref_slice %arg2[%dma_wait3A_110, %add3A_109] : memref<2x320000xi32, #tpu.memory_space<hbm>> -> memref<1x1000xi32, #tpu.memory_space<hbm>>
      %dma_wait3A_115 = tpu.memref_squeeze %dma_wait3A_114 : memref<1x1000xi32, #tpu.memory_space<hbm>> -> memref<1000xi32, #tpu.memory_space<hbm>>
      %dma_wait3A_116 = arith.constant 0 : i32
      %dma_wait3A_117 = tpu.memref_slice %arg8[%rem3A_106, %dma_wait3A_116] : memref<4x1000xi32, #tpu.memory_space<vmem>> -> memref<1x1000xi32, #tpu.memory_space<vmem>>
      %dma_wait3A_118 = tpu.memref_squeeze %dma_wait3A_117 : memref<1x1000xi32, #tpu.memory_space<vmem>> -> memref<1000xi32, #tpu.memory_space<vmem>>
      %dma_wait3A_119 = tpu.memref_slice %arg2[%dma_wait3A_110, %add3A_109] : memref<2x320000xi32, #tpu.memory_space<hbm>> -> memref<1x1000xi32, #tpu.memory_space<hbm>>
      %dma_wait3A_120 = tpu.memref_squeeze %dma_wait3A_119 : memref<1x1000xi32, #tpu.memory_space<hbm>> -> memref<1000xi32, #tpu.memory_space<hbm>>
      tpu.wait_dma2 semaphore(%arg11 : memref<!tpu.dma_semaphore, #tpu.memory_space<semaphore_mem>>) src(%dma_wait3A_120 : memref<1000xi32, #tpu.memory_space<hbm>>) dst(%dma_wait3A_118 : memref<1000xi32, #tpu.memory_space<vmem>>)
      %dma_wait3A_121 = arith.constant 1 : i32
      %dma_wait3A_122 = arith.constant 0 : i32
      %dma_wait3A_123 = tpu.memref_slice %arg9[%rem3A_106, %dma_wait3A_122] : memref<4x1000xi32, #tpu.memory_space<vmem>> -> memref<1x1000xi32, #tpu.memory_space<vmem>>
      %dma_wait3A_124 = tpu.memref_squeeze %dma_wait3A_123 : memref<1x1000xi32, #tpu.memory_space<vmem>> -> memref<1000xi32, #tpu.memory_space<vmem>>
      %dma_wait3A_125 = tpu.memref_slice %arg2[%dma_wait3A_121, %add3A_109] : memref<2x320000xi32, #tpu.memory_space<hbm>> -> memref<1x1000xi32, #tpu.memory_space<hbm>>
      %dma_wait3A_126 = tpu.memref_squeeze %dma_wait3A_125 : memref<1x1000xi32, #tpu.memory_space<hbm>> -> memref<1000xi32, #tpu.memory_space<hbm>>
      %dma_wait3A_127 = arith.constant 0 : i32
      %dma_wait3A_128 = tpu.memref_slice %arg9[%rem3A_106, %dma_wait3A_127] : memref<4x1000xi32, #tpu.memory_space<vmem>> -> memref<1x1000xi32, #tpu.memory_space<vmem>>
      %dma_wait3A_129 = tpu.memref_squeeze %dma_wait3A_128 : memref<1x1000xi32, #tpu.memory_space<vmem>> -> memref<1000xi32, #tpu.memory_space<vmem>>
      %dma_wait3A_130 = tpu.memref_slice %arg2[%dma_wait3A_121, %add3A_109] : memref<2x320000xi32, #tpu.memory_space<hbm>> -> memref<1x1000xi32, #tpu.memory_space<hbm>>
      %dma_wait3A_131 = tpu.memref_squeeze %dma_wait3A_130 : memref<1x1000xi32, #tpu.memory_space<hbm>> -> memref<1000xi32, #tpu.memory_space<hbm>>
      tpu.wait_dma2 semaphore(%arg11 : memref<!tpu.dma_semaphore, #tpu.memory_space<semaphore_mem>>) src(%dma_wait3A_131 : memref<1000xi32, #tpu.memory_space<hbm>>) dst(%dma_wait3A_129 : memref<1000xi32, #tpu.memory_space<vmem>>)
      %dma_start3A_132 = arith.constant 0 : i32
      %dma_start3A_133 = arith.constant 0 : i32
      %dma_start3A_134 = tpu.memref_slice %arg10[%rem3A_104, %dma_start3A_132, %dma_start3A_133] : memref<3x1000x8xf32, #tpu.memory_space<vmem>> -> memref<1x1000x8xf32, #tpu.memory_space<vmem>>
      %dma_start3A_135 = tpu.memref_squeeze %dma_start3A_134 : memref<1x1000x8xf32, #tpu.memory_space<vmem>> -> memref<1000x8xf32, #tpu.memory_space<vmem>>
      %dma_start3A_136 = arith.constant 0 : i32
      %dma_start3A_137 = tpu.memref_slice %arg8[%rem3A_106, %dma_start3A_136] : memref<4x1000xi32, #tpu.memory_space<vmem>> -> memref<1x1000xi32, #tpu.memory_space<vmem>>
      %dma_start3A_138 = tpu.memref_squeeze %dma_start3A_137 : memref<1x1000xi32, #tpu.memory_space<vmem>> -> memref<1000xi32, #tpu.memory_space<vmem>>
      %dma_start3A_139 = arith.constant 0 : i32
      %dma_start3A_140 = arith.constant 0 : i32
      %dma_start3A_141 = tpu.memref_slice %arg7[%dma_start3A_139, %dma_start3A_140] : memref<10000x8xf32, #tpu.memory_space<vmem_shared>> -> memref<10000x8xf32, #tpu.memory_space<vmem_shared>>
      tpu.enqueue_indirect_dma source(%dma_start3A_141 : memref<10000x8xf32, #tpu.memory_space<vmem_shared>>) target(%dma_start3A_135 : memref<1000x8xf32, #tpu.memory_space<vmem>>) offsets(%dma_start3A_138 : memref<1000xi32, #tpu.memory_space<vmem>>) semaphore(%arg12 : memref<!tpu.dma_semaphore, #tpu.memory_space<semaphore_mem>>)
      %ge3A = arith.constant 2 : i32
      %ge3A_142 = arith.cmpi sge, %scan3A_103, %ge3A : i32
      %convert_element_type3A_143 = arith.extui %ge3A_142 : i1 to i32
      %cond3A_144 = arith.constant 0 : i32
      %cond3A_145 = arith.cmpi ne, %convert_element_type3A_143, %cond3A_144 : i32
      scf.if %cond3A_145 {
        %sub3A = arith.constant 2 : i32
        %sub3A_173 = arith.subi %scan3A_103, %sub3A : i32
        %rem3A_174 = arith.constant 3 : i32
        %rem3A_175 = arith.remsi %sub3A_173, %rem3A_174 : i32
        %sub3A_176 = arith.constant 2 : i32
        %sub3A_177 = arith.subi %scan3A_103, %sub3A_176 : i32
        %rem3A_178 = arith.constant 4 : i32
        %rem3A_179 = arith.remsi %sub3A_177, %rem3A_178 : i32
        %dma_wait3A_180 = arith.constant 0 : i32
        %dma_wait3A_181 = arith.constant 0 : i32
        %dma_wait3A_182 = tpu.memref_slice %arg10[%rem3A_175, %dma_wait3A_180, %dma_wait3A_181] : memref<3x1000x8xf32, #tpu.memory_space<vmem>> -> memref<1x1000x8xf32, #tpu.memory_space<vmem>>
        %dma_wait3A_183 = tpu.memref_squeeze %dma_wait3A_182 : memref<1x1000x8xf32, #tpu.memory_space<vmem>> -> memref<1000x8xf32, #tpu.memory_space<vmem>>
        %dma_wait3A_184 = arith.constant 0 : i32
        %dma_wait3A_185 = tpu.memref_slice %arg9[%rem3A_179, %dma_wait3A_184] : memref<4x1000xi32, #tpu.memory_space<vmem>> -> memref<1x1000xi32, #tpu.memory_space<vmem>>
        %dma_wait3A_186 = tpu.memref_squeeze %dma_wait3A_185 : memref<1x1000xi32, #tpu.memory_space<vmem>> -> memref<1000xi32, #tpu.memory_space<vmem>>
        %dma_wait3A_187 = arith.constant 0 : i32
        %dma_wait3A_188 = arith.constant 0 : i32
        %dma_wait3A_189 = tpu.memref_slice %arg6[%dma_wait3A_187, %dma_wait3A_188] : memref<10000x8xf32, #tpu.memory_space<vmem_shared>> -> memref<10000x8xf32, #tpu.memory_space<vmem_shared>>
        tpu.wait_indirect_dma semaphore(%arg13 : memref<!tpu.dma_semaphore, #tpu.memory_space<semaphore_mem>>) src(%dma_wait3A_183 : memref<1000x8xf32, #tpu.memory_space<vmem>>) dst(%dma_wait3A_189 : memref<10000x8xf32, #tpu.memory_space<vmem_shared>>)
      } else {
      }
      %add3A_146 = arith.constant 2 : i32
      %add3A_147 = arith.addi %scan3A_103, %add3A_146 : i32
      %lt3A_148 = arith.constant 10 : i32
      %lt3A_149 = arith.cmpi slt, %add3A_147, %lt3A_148 : i32
      %convert_element_type3A_150 = arith.extui %lt3A_149 : i1 to i32
      %cond3A_151 = arith.constant 0 : i32
      %cond3A_152 = arith.cmpi ne, %convert_element_type3A_150, %cond3A_151 : i32
      scf.if %cond3A_152 {
        %add3A_173 = arith.constant 2 : i32
        %add3A_174 = arith.addi %scan3A_103, %add3A_173 : i32
        %rem3A_175 = arith.constant 4 : i32
        %rem3A_176 = arith.remsi %add3A_174, %rem3A_175 : i32
        %add3A_177 = arith.constant 2000 : i32
        %add3A_178 = arith.addi %add3A_109, %add3A_177 : i32
        %dma_start3A_179 = arith.constant 0 : i32
        %dma_start3A_180 = arith.constant 0 : i32
        %dma_start3A_181 = tpu.memref_slice %arg8[%rem3A_176, %dma_start3A_180] : memref<4x1000xi32, #tpu.memory_space<vmem>> -> memref<1x1000xi32, #tpu.memory_space<vmem>>
        %dma_start3A_182 = tpu.memref_squeeze %dma_start3A_181 : memref<1x1000xi32, #tpu.memory_space<vmem>> -> memref<1000xi32, #tpu.memory_space<vmem>>
        %dma_start3A_183 = tpu.memref_slice %arg2[%dma_start3A_179, %add3A_178] : memref<2x320000xi32, #tpu.memory_space<hbm>> -> memref<1x1000xi32, #tpu.memory_space<hbm>>
        %dma_start3A_184 = tpu.memref_squeeze %dma_start3A_183 : memref<1x1000xi32, #tpu.memory_space<hbm>> -> memref<1000xi32, #tpu.memory_space<hbm>>
        %dma_start3A_185 = arith.constant 0 : i32
        %dma_start3A_186 = tpu.memref_slice %arg8[%rem3A_176, %dma_start3A_185] : memref<4x1000xi32, #tpu.memory_space<vmem>> -> memref<1x1000xi32, #tpu.memory_space<vmem>>
        %dma_start3A_187 = tpu.memref_squeeze %dma_start3A_186 : memref<1x1000xi32, #tpu.memory_space<vmem>> -> memref<1000xi32, #tpu.memory_space<vmem>>
        %dma_start3A_188 = tpu.memref_slice %arg2[%dma_start3A_179, %add3A_178] : memref<2x320000xi32, #tpu.memory_space<hbm>> -> memref<1x1000xi32, #tpu.memory_space<hbm>>
        %dma_start3A_189 = tpu.memref_squeeze %dma_start3A_188 : memref<1x1000xi32, #tpu.memory_space<hbm>> -> memref<1000xi32, #tpu.memory_space<hbm>>
        tpu.enqueue_dma source(%dma_start3A_189 : memref<1000xi32, #tpu.memory_space<hbm>>) target(%dma_start3A_187 : memref<1000xi32, #tpu.memory_space<vmem>>) target_semaphore(%arg11 : memref<!tpu.dma_semaphore, #tpu.memory_space<semaphore_mem>>)
        %add3A_190 = arith.constant 2000 : i32
        %add3A_191 = arith.addi %add3A_109, %add3A_190 : i32
        %dma_start3A_192 = arith.constant 1 : i32
        %dma_start3A_193 = arith.constant 0 : i32
        %dma_start3A_194 = tpu.memref_slice %arg9[%rem3A_176, %dma_start3A_193] : memref<4x1000xi32, #tpu.memory_space<vmem>> -> memref<1x1000xi32, #tpu.memory_space<vmem>>
        %dma_start3A_195 = tpu.memref_squeeze %dma_start3A_194 : memref<1x1000xi32, #tpu.memory_space<vmem>> -> memref<1000xi32, #tpu.memory_space<vmem>>
        %dma_start3A_196 = tpu.memref_slice %arg2[%dma_start3A_192, %add3A_191] : memref<2x320000xi32, #tpu.memory_space<hbm>> -> memref<1x1000xi32, #tpu.memory_space<hbm>>
        %dma_start3A_197 = tpu.memref_squeeze %dma_start3A_196 : memref<1x1000xi32, #tpu.memory_space<hbm>> -> memref<1000xi32, #tpu.memory_space<hbm>>
        %dma_start3A_198 = arith.constant 0 : i32
        %dma_start3A_199 = tpu.memref_slice %arg9[%rem3A_176, %dma_start3A_198] : memref<4x1000xi32, #tpu.memory_space<vmem>> -> memref<1x1000xi32, #tpu.memory_space<vmem>>
        %dma_start3A_200 = tpu.memref_squeeze %dma_start3A_199 : memref<1x1000xi32, #tpu.memory_space<vmem>> -> memref<1000xi32, #tpu.memory_space<vmem>>
        %dma_start3A_201 = tpu.memref_slice %arg2[%dma_start3A_192, %add3A_191] : memref<2x320000xi32, #tpu.memory_space<hbm>> -> memref<1x1000xi32, #tpu.memory_space<hbm>>
        %dma_start3A_202 = tpu.memref_squeeze %dma_start3A_201 : memref<1x1000xi32, #tpu.memory_space<hbm>> -> memref<1000xi32, #tpu.memory_space<hbm>>
        tpu.enqueue_dma source(%dma_start3A_202 : memref<1000xi32, #tpu.memory_space<hbm>>) target(%dma_start3A_200 : memref<1000xi32, #tpu.memory_space<vmem>>) target_semaphore(%arg11 : memref<!tpu.dma_semaphore, #tpu.memory_space<semaphore_mem>>)
      } else {
      }
      %dma_wait3A_153 = arith.constant 0 : i32
      %dma_wait3A_154 = arith.constant 0 : i32
      %dma_wait3A_155 = tpu.memref_slice %arg10[%rem3A_104, %dma_wait3A_153, %dma_wait3A_154] : memref<3x1000x8xf32, #tpu.memory_space<vmem>> -> memref<1x1000x8xf32, #tpu.memory_space<vmem>>
      %dma_wait3A_156 = tpu.memref_squeeze %dma_wait3A_155 : memref<1x1000x8xf32, #tpu.memory_space<vmem>> -> memref<1000x8xf32, #tpu.memory_space<vmem>>
      %dma_wait3A_157 = arith.constant 0 : i32
      %dma_wait3A_158 = tpu.memref_slice %arg8[%rem3A_106, %dma_wait3A_157] : memref<4x1000xi32, #tpu.memory_space<vmem>> -> memref<1x1000xi32, #tpu.memory_space<vmem>>
      %dma_wait3A_159 = tpu.memref_squeeze %dma_wait3A_158 : memref<1x1000xi32, #tpu.memory_space<vmem>> -> memref<1000xi32, #tpu.memory_space<vmem>>
      %dma_wait3A_160 = arith.constant 0 : i32
      %dma_wait3A_161 = arith.constant 0 : i32
      %dma_wait3A_162 = tpu.memref_slice %arg7[%dma_wait3A_160, %dma_wait3A_161] : memref<10000x8xf32, #tpu.memory_space<vmem_shared>> -> memref<10000x8xf32, #tpu.memory_space<vmem_shared>>
      tpu.wait_indirect_dma semaphore(%arg12 : memref<!tpu.dma_semaphore, #tpu.memory_space<semaphore_mem>>) src(%dma_wait3A_162 : memref<10000x8xf32, #tpu.memory_space<vmem_shared>>) dst(%dma_wait3A_156 : memref<1000x8xf32, #tpu.memory_space<vmem>>)
      %dma_start3A_163 = arith.constant 0 : i32
      %dma_start3A_164 = arith.constant 0 : i32
      %dma_start3A_165 = tpu.memref_slice %arg10[%rem3A_104, %dma_start3A_163, %dma_start3A_164] : memref<3x1000x8xf32, #tpu.memory_space<vmem>> -> memref<1x1000x8xf32, #tpu.memory_space<vmem>>
      %dma_start3A_166 = tpu.memref_squeeze %dma_start3A_165 : memref<1x1000x8xf32, #tpu.memory_space<vmem>> -> memref<1000x8xf32, #tpu.memory_space<vmem>>
      %dma_start3A_167 = arith.constant 0 : i32
      %dma_start3A_168 = tpu.memref_slice %arg9[%rem3A_106, %dma_start3A_167] : memref<4x1000xi32, #tpu.memory_space<vmem>> -> memref<1x1000xi32, #tpu.memory_space<vmem>>
      %dma_start3A_169 = tpu.memref_squeeze %dma_start3A_168 : memref<1x1000xi32, #tpu.memory_space<vmem>> -> memref<1000xi32, #tpu.memory_space<vmem>>
      %dma_start3A_170 = arith.constant 0 : i32
      %dma_start3A_171 = arith.constant 0 : i32
      %dma_start3A_172 = tpu.memref_slice %arg6[%dma_start3A_170, %dma_start3A_171] : memref<10000x8xf32, #tpu.memory_space<vmem_shared>> -> memref<10000x8xf32, #tpu.memory_space<vmem_shared>>
      tpu.enqueue_indirect_dma source(%dma_start3A_166 : memref<1000x8xf32, #tpu.memory_space<vmem>>) target(%dma_start3A_172 : memref<10000x8xf32, #tpu.memory_space<vmem_shared>>) offsets(%dma_start3A_169 : memref<1000xi32, #tpu.memory_space<vmem>>) semaphore(%arg13 : memref<!tpu.dma_semaphore, #tpu.memory_space<semaphore_mem>>) {add = true}
    }
    %scan3A_68 = arith.constant 10 : i32
    %dma_wait3A = arith.constant 2 : i32
    %dma_wait3A_69 = arith.constant 0 : i32
    %dma_wait3A_70 = arith.constant 0 : i32
    %dma_wait3A_71 = arith.constant 0 : i32
    %dma_wait3A_72 = tpu.memref_slice %arg10[%dma_wait3A, %dma_wait3A_70, %dma_wait3A_71] : memref<3x1000x8xf32, #tpu.memory_space<vmem>> -> memref<1x1000x8xf32, #tpu.memory_space<vmem>>
    %dma_wait3A_73 = tpu.memref_squeeze %dma_wait3A_72 : memref<1x1000x8xf32, #tpu.memory_space<vmem>> -> memref<1000x8xf32, #tpu.memory_space<vmem>>
    %dma_wait3A_74 = arith.constant 0 : i32
    %dma_wait3A_75 = tpu.memref_slice %arg9[%dma_wait3A_69, %dma_wait3A_74] : memref<4x1000xi32, #tpu.memory_space<vmem>> -> memref<1x1000xi32, #tpu.memory_space<vmem>>
    %dma_wait3A_76 = tpu.memref_squeeze %dma_wait3A_75 : memref<1x1000xi32, #tpu.memory_space<vmem>> -> memref<1000xi32, #tpu.memory_space<vmem>>
    %dma_wait3A_77 = arith.constant 0 : i32
    %dma_wait3A_78 = arith.constant 0 : i32
    %dma_wait3A_79 = tpu.memref_slice %arg6[%dma_wait3A_77, %dma_wait3A_78] : memref<10000x8xf32, #tpu.memory_space<vmem_shared>> -> memref<10000x8xf32, #tpu.memory_space<vmem_shared>>
    tpu.wait_indirect_dma semaphore(%arg13 : memref<!tpu.dma_semaphore, #tpu.memory_space<semaphore_mem>>) src(%dma_wait3A_73 : memref<1000x8xf32, #tpu.memory_space<vmem>>) dst(%dma_wait3A_79 : memref<10000x8xf32, #tpu.memory_space<vmem_shared>>)
    %dma_wait3A_80 = arith.constant 0 : i32
    %dma_wait3A_81 = arith.constant 1 : i32
    %dma_wait3A_82 = arith.constant 0 : i32
    %dma_wait3A_83 = arith.constant 0 : i32
    %dma_wait3A_84 = tpu.memref_slice %arg10[%dma_wait3A_80, %dma_wait3A_82, %dma_wait3A_83] : memref<3x1000x8xf32, #tpu.memory_space<vmem>> -> memref<1x1000x8xf32, #tpu.memory_space<vmem>>
    %dma_wait3A_85 = tpu.memref_squeeze %dma_wait3A_84 : memref<1x1000x8xf32, #tpu.memory_space<vmem>> -> memref<1000x8xf32, #tpu.memory_space<vmem>>
    %dma_wait3A_86 = arith.constant 0 : i32
    %dma_wait3A_87 = tpu.memref_slice %arg9[%dma_wait3A_81, %dma_wait3A_86] : memref<4x1000xi32, #tpu.memory_space<vmem>> -> memref<1x1000xi32, #tpu.memory_space<vmem>>
    %dma_wait3A_88 = tpu.memref_squeeze %dma_wait3A_87 : memref<1x1000xi32, #tpu.memory_space<vmem>> -> memref<1000xi32, #tpu.memory_space<vmem>>
    %dma_wait3A_89 = arith.constant 0 : i32
    %dma_wait3A_90 = arith.constant 0 : i32
    %dma_wait3A_91 = tpu.memref_slice %arg6[%dma_wait3A_89, %dma_wait3A_90] : memref<10000x8xf32, #tpu.memory_space<vmem_shared>> -> memref<10000x8xf32, #tpu.memory_space<vmem_shared>>
    tpu.wait_indirect_dma semaphore(%arg13 : memref<!tpu.dma_semaphore, #tpu.memory_space<semaphore_mem>>) src(%dma_wait3A_85 : memref<1000x8xf32, #tpu.memory_space<vmem>>) dst(%dma_wait3A_91 : memref<10000x8xf32, #tpu.memory_space<vmem_shared>>)
    %barrier3A_92 = arith.constant 0 : index
    tpu.barrier barrier_id(%barrier3A_92)
    %lt3A_93 = arith.constant 15 : i32
    %lt3A_94 = arith.cmpi slt, %arg1, %lt3A_93 : i32
    %convert_element_type3A_95 = arith.extui %lt3A_94 : i1 to i32
    %cond3A_96 = arith.constant 0 : i32
    %cond3A_97 = arith.cmpi ne, %convert_element_type3A_95, %cond3A_96 : i32
    scf.if %cond3A_97 {
      %mul3A_103 = arith.constant 624 : i32
      %mul3A_104 = arith.muli %arg1, %mul3A_103 : i32
      %mul3A_105 = arith.constant 8 : i32
      %mul3A_106 = arith.muli %arg0, %mul3A_105 : i32
      "tpu.region"() ({
        %run_scoped3A = tpu.sem_alloc : memref<!tpu.dma_semaphore, #tpu.memory_space<semaphore_mem>>
        %dma_start3A_107 = tpu.memref_slice %arg5[%mul3A_104, %mul3A_106] : memref<10000x128xf32, #tpu.memory_space<hbm>> -> memref<624x8xf32, #tpu.memory_space<hbm>>
        %dma_start3A_108 = arith.constant 0 : i32
        %dma_start3A_109 = tpu.memref_slice %arg6[%mul3A_104, %dma_start3A_108] : memref<10000x8xf32, #tpu.memory_space<vmem_shared>> -> memref<624x8xf32, #tpu.memory_space<vmem_shared>>
        tpu.enqueue_dma source(%dma_start3A_109 : memref<624x8xf32, #tpu.memory_space<vmem_shared>>) target(%dma_start3A_107 : memref<624x8xf32, #tpu.memory_space<hbm>>) target_semaphore(%run_scoped3A : memref<!tpu.dma_semaphore, #tpu.memory_space<semaphore_mem>>)
        %dma_wait3A_110 = tpu.memref_slice %arg5[%mul3A_104, %mul3A_106] : memref<10000x128xf32, #tpu.memory_space<hbm>> -> memref<624x8xf32, #tpu.memory_space<hbm>>
        %dma_wait3A_111 = arith.constant 0 : i32
        %dma_wait3A_112 = tpu.memref_slice %arg6[%mul3A_104, %dma_wait3A_111] : memref<10000x8xf32, #tpu.memory_space<vmem_shared>> -> memref<624x8xf32, #tpu.memory_space<vmem_shared>>
        tpu.wait_dma2 semaphore(%run_scoped3A : memref<!tpu.dma_semaphore, #tpu.memory_space<semaphore_mem>>) src(%dma_wait3A_112 : memref<624x8xf32, #tpu.memory_space<vmem_shared>>) dst(%dma_wait3A_110 : memref<624x8xf32, #tpu.memory_space<hbm>>)
        tpu.yield
      }) : () -> ()
    } else {
    }
    %eq3A_98 = arith.constant 15 : i32
    %eq3A_99 = arith.cmpi eq, %arg1, %eq3A_98 : i32
    %convert_element_type3A_100 = arith.extui %eq3A_99 : i1 to i32
    %cond3A_101 = arith.constant 0 : i32
    %cond3A_102 = arith.cmpi ne, %convert_element_type3A_100, %cond3A_101 : i32
    scf.if %cond3A_102 {
      %mul3A_103 = arith.constant 8 : i32
      %mul3A_104 = arith.muli %arg0, %mul3A_103 : i32
      "tpu.region"() ({
        %run_scoped3A = tpu.sem_alloc : memref<!tpu.dma_semaphore, #tpu.memory_space<semaphore_mem>>
        %dma_start3A_105 = arith.constant 9360 : i32
        %dma_start3A_106 = tpu.memref_slice %arg5[%dma_start3A_105, %mul3A_104] : memref<10000x128xf32, #tpu.memory_space<hbm>> -> memref<640x8xf32, #tpu.memory_space<hbm>>
        %dma_start3A_107 = arith.constant 9360 : i32
        %dma_start3A_108 = arith.constant 0 : i32
        %dma_start3A_109 = tpu.memref_slice %arg6[%dma_start3A_107, %dma_start3A_108] : memref<10000x8xf32, #tpu.memory_space<vmem_shared>> -> memref<640x8xf32, #tpu.memory_space<vmem_shared>>
        tpu.enqueue_dma source(%dma_start3A_109 : memref<640x8xf32, #tpu.memory_space<vmem_shared>>) target(%dma_start3A_106 : memref<640x8xf32, #tpu.memory_space<hbm>>) target_semaphore(%run_scoped3A : memref<!tpu.dma_semaphore, #tpu.memory_space<semaphore_mem>>)
        %dma_wait3A_110 = arith.constant 9360 : i32
        %dma_wait3A_111 = tpu.memref_slice %arg5[%dma_wait3A_110, %mul3A_104] : memref<10000x128xf32, #tpu.memory_space<hbm>> -> memref<640x8xf32, #tpu.memory_space<hbm>>
        %dma_wait3A_112 = arith.constant 9360 : i32
        %dma_wait3A_113 = arith.constant 0 : i32
        %dma_wait3A_114 = tpu.memref_slice %arg6[%dma_wait3A_112, %dma_wait3A_113] : memref<10000x8xf32, #tpu.memory_space<vmem_shared>> -> memref<640x8xf32, #tpu.memory_space<vmem_shared>>
        tpu.wait_dma2 semaphore(%run_scoped3A : memref<!tpu.dma_semaphore, #tpu.memory_space<semaphore_mem>>) src(%dma_wait3A_114 : memref<640x8xf32, #tpu.memory_space<vmem_shared>>) dst(%dma_wait3A_111 : memref<640x8xf32, #tpu.memory_space<hbm>>)
        tpu.yield
      }) : () -> ()
    } else {
    }
    return
  }
}

module attributes {stable_mosaic.version = 14 : i64} {
  func.func @_mm_scale_body(%arg0: i32, %arg1: memref<1000x128xf32, #tpu.memory_space<vmem>>, %arg2: memref<128x128xf32, #tpu.memory_space<vmem>>, %arg3: memref<1000x128xf32, #tpu.memory_space<vmem>>, %arg4: memref<1000x128xf32, #tpu.memory_space<vmem>>, %arg5: memref<1000x8xf32, #tpu.memory_space<vmem>>) attributes {dimension_semantics = [#tpu.dimension_semantics<arbitrary>], iteration_bounds = array<i64: 10>, scalar_prefetch = 0 : i64, scratch_operands = 0 : i64, tpu.core_type = #tpu.core_type<tc>, window_params = [{transform_indices = @transform_0, window_bounds = array<i64: 1000, 128>}, {pipeline_mode = #tpu.pipeline_mode<synchronous>, transform_indices = @transform_1, window_bounds = array<i64: 128, 128>}, {transform_indices = @transform_2, window_bounds = array<i64: 1000, 128>}, {transform_indices = @transform_3, window_bounds = array<i64: 1000, 128>}, {transform_indices = @transform_4, window_bounds = array<i64: 1000, 8>}]} {
    %get3A = arith.constant 0 : index
    %get3A_0 = arith.constant 0 : index
    %get3A_1 = vector.load %arg1[%get3A, %get3A_0] : memref<1000x128xf32, #tpu.memory_space<vmem>>, vector<1000x128xf32>
    %get3A_2 = arith.constant 0 : index
    %get3A_3 = arith.constant 0 : index
    %get3A_4 = vector.load %arg2[%get3A_2, %get3A_3] : memref<128x128xf32, #tpu.memory_space<vmem>>, vector<128x128xf32>
    %dot_general3A = arith.constant dense<0.000000e+00> : vector<1000x128xf32>
    %dot_general3A_5 = tpu.matmul %get3A_1, %get3A_4, %dot_general3A {dimension_numbers = #tpu.dot_dimension_numbers<[1], [0], [0], [1], [0, 0, 1, 1], [], []>, transpose_lhs_hint = false} : vector<1000x128xf32>, vector<128x128xf32>, vector<1000x128xf32> -> vector<1000x128xf32>
    %get3A_6 = arith.constant 0 : index
    %get3A_7 = arith.constant 0 : index
    %get3A_8 = vector.load %arg3[%get3A_6, %get3A_7] : memref<1000x128xf32, #tpu.memory_space<vmem>>, vector<1000x128xf32>
    %slice3A = vector.extract_strided_slice %get3A_8 {offsets = [0, 0], sizes = [1000, 1], strides = [1, 1]} : vector<1000x128xf32> to vector<1000x1xf32>
    %slice3A_9 = vector.extract_strided_slice %get3A_8 {offsets = [0, 8], sizes = [1000, 1], strides = [1, 1]} : vector<1000x128xf32> to vector<1000x1xf32>
    %add3A = arith.addf %slice3A, %slice3A_9 : vector<1000x1xf32>
    %add3A_10 = arith.constant 1.000000e+00 : f32
    %add3A_11 = vector.broadcast %add3A_10 : f32 to vector<1000x1xf32>
    %add3A_12 = arith.addf %add3A, %add3A_11 : vector<1000x1xf32>
    %rsqrt3A = math.rsqrt %add3A_12 : vector<1000x1xf32>
    %mul3A = vector.broadcast %rsqrt3A : vector<1000x1xf32> to vector<1000x128xf32>
    %mul3A_13 = arith.mulf %dot_general3A_5, %mul3A : vector<1000x128xf32>
    %swap3A = arith.constant 0 : index
    %swap3A_14 = arith.constant 0 : index
    %swap3A_15 = vector.load %arg4[%swap3A, %swap3A_14] : memref<1000x128xf32, #tpu.memory_space<vmem>>, vector<1000x128xf32>
    tpu.vector_store %arg4[%swap3A, %swap3A_14], %mul3A_13 {strides = array<i32>} : memref<1000x128xf32, #tpu.memory_space<vmem>>, vector<1000x128xf32>,
    %broadcast_in_dim3A = vector.shape_cast %rsqrt3A : vector<1000x1xf32> to vector<1000x1xf32>
    %broadcast_in_dim3A_16 = vector.broadcast %broadcast_in_dim3A : vector<1000x1xf32> to vector<1000x8xf32>
    %swap3A_17 = arith.constant 0 : index
    %swap3A_18 = arith.constant 0 : index
    %swap3A_19 = vector.load %arg5[%swap3A_17, %swap3A_18] : memref<1000x8xf32, #tpu.memory_space<vmem>>, vector<1000x8xf32>
    tpu.vector_store %arg5[%swap3A_17, %swap3A_18], %broadcast_in_dim3A_16 {strides = array<i32>} : memref<1000x8xf32, #tpu.memory_space<vmem>>, vector<1000x8xf32>,
    return
  }
  func.func @transform_0(%arg0: i32) -> (i32, i32) {
    %c0_i32 = arith.constant 0 : i32
    %c0_i32_0 = arith.constant 0 : i32
    return %arg0, %c0_i32 : i32, i32
  }
  func.func @transform_1(%arg0: i32) -> (i32, i32) {
    %c0_i32 = arith.constant 0 : i32
    %c0_i32_0 = arith.constant 0 : i32
    %c0_i32_1 = arith.constant 0 : i32
    return %c0_i32, %c0_i32_0 : i32, i32
  }
  func.func @transform_2(%arg0: i32) -> (i32, i32) {
    %c0_i32 = arith.constant 0 : i32
    %c0_i32_0 = arith.constant 0 : i32
    return %arg0, %c0_i32 : i32, i32
  }
  func.func @transform_3(%arg0: i32) -> (i32, i32) {
    %c0_i32 = arith.constant 0 : i32
    %c0_i32_0 = arith.constant 0 : i32
    return %arg0, %c0_i32 : i32, i32
  }
  func.func @transform_4(%arg0: i32) -> (i32, i32) {
    %c0_i32 = arith.constant 0 : i32
    %c0_i32_0 = arith.constant 0 : i32
    return %arg0, %c0_i32 : i32, i32
  }
}

module attributes {stable_mosaic.version = 14 : i64} {
  func.func @_bn_fused_body(%arg0: i32, %arg1: i32, %arg2: memref<1000x128xf32, #tpu.memory_space<vmem>>, %arg3: memref<1000x8xf32, #tpu.memory_space<vmem>>, %arg4: memref<1x128xf32, #tpu.memory_space<vmem>>, %arg5: memref<1x128xf32, #tpu.memory_space<vmem>>, %arg6: memref<128x1xf32, #tpu.memory_space<vmem>>, %arg7: memref<1000x128xf32, #tpu.memory_space<vmem>>, %arg8: memref<10000x128xf32, #tpu.memory_space<vmem>>, %arg9: memref<1x128xf32, #tpu.memory_space<vmem>>, %arg10: memref<1x128xf32, #tpu.memory_space<vmem>>) attributes {dimension_semantics = [#tpu.dimension_semantics<arbitrary>, #tpu.dimension_semantics<arbitrary>], iteration_bounds = array<i64: 2, 10>, scalar_prefetch = 0 : i64, scratch_operands = 3 : i64, tpu.core_type = #tpu.core_type<tc>, window_params = [{transform_indices = @transform_0, window_bounds = array<i64: 1000, 128>}, {transform_indices = @transform_1, window_bounds = array<i64: 1000, 8>}, {pipeline_mode = #tpu.pipeline_mode<synchronous>, transform_indices = @transform_2, window_bounds = array<i64: 1, 128>}, {pipeline_mode = #tpu.pipeline_mode<synchronous>, transform_indices = @transform_3, window_bounds = array<i64: 1, 128>}, {pipeline_mode = #tpu.pipeline_mode<synchronous>, transform_indices = @transform_4, window_bounds = array<i64: 128, 1>}, {transform_indices = @transform_5, window_bounds = array<i64: 1000, 128>}]} {
    %eq3A = arith.constant 0 : i32
    %eq3A_0 = arith.cmpi eq, %arg0, %eq3A : i32
    %convert_element_type3A = arith.extui %eq3A_0 : i1 to i32
    %cond3A = arith.constant 0 : i32
    %cond3A_1 = arith.cmpi ne, %convert_element_type3A, %cond3A : i32
    scf.if %cond3A_1 {
      %get3A = arith.constant 0 : index
      %get3A_7 = arith.constant 0 : index
      %get3A_8 = vector.load %arg3[%get3A, %get3A_7] : memref<1000x8xf32, #tpu.memory_space<vmem>>, vector<1000x8xf32>
      %slice3A = vector.extract_strided_slice %get3A_8 {offsets = [0, 0], sizes = [1000, 1], strides = [1, 1]} : vector<1000x8xf32> to vector<1000x1xf32>
      %get3A_9 = arith.constant 0 : index
      %get3A_10 = arith.constant 0 : index
      %get3A_11 = vector.load %arg2[%get3A_9, %get3A_10] : memref<1000x128xf32, #tpu.memory_space<vmem>>, vector<1000x128xf32>
      %mul3A = vector.broadcast %slice3A : vector<1000x1xf32> to vector<1000x128xf32>
      %mul3A_12 = arith.mulf %mul3A, %get3A_11 : vector<1000x128xf32>
      %mul3A_13 = arith.constant 1000 : i32
      %mul3A_14 = arith.muli %arg1, %mul3A_13 : i32
      %swap3A = arith.index_cast %mul3A_14 : i32 to index
      %swap3A_15 = arith.constant 0 : index
      %swap3A_16 = vector.load %arg8[%swap3A, %swap3A_15] : memref<10000x128xf32, #tpu.memory_space<vmem>>, vector<1000x128xf32>
      tpu.vector_store %arg8[%swap3A, %swap3A_15], %mul3A_12 {strides = array<i32>} : memref<10000x128xf32, #tpu.memory_space<vmem>>, vector<1000x128xf32>,
      %reduce_sum3A = arith.constant dense<0.000000e+00> : vector<128xf32>
      %reduce_sum3A_17 = vector.multi_reduction <add>, %mul3A_12, %reduce_sum3A [0] : vector<1000x128xf32> to vector<128xf32>
      %broadcast_in_dim3A = vector.shape_cast %reduce_sum3A_17 : vector<128xf32> to vector<1x128xf32>
      %mul3A_18 = arith.mulf %mul3A_12, %mul3A_12 : vector<1000x128xf32>
      %reduce_sum3A_19 = arith.constant dense<0.000000e+00> : vector<128xf32>
      %reduce_sum3A_20 = vector.multi_reduction <add>, %mul3A_18, %reduce_sum3A_19 [0] : vector<1000x128xf32> to vector<128xf32>
      %broadcast_in_dim3A_21 = vector.shape_cast %reduce_sum3A_20 : vector<128xf32> to vector<1x128xf32>
      %eq3A_22 = arith.constant 0 : i32
      %eq3A_23 = arith.cmpi eq, %arg1, %eq3A_22 : i32
      %convert_element_type3A_24 = arith.extui %eq3A_23 : i1 to i32
      %cond3A_25 = arith.constant 0 : i32
      %cond3A_26 = arith.cmpi ne, %convert_element_type3A_24, %cond3A_25 : i32
      scf.if %cond3A_26 {
        %swap3A_31 = arith.constant 0 : index
        %swap3A_32 = arith.constant 0 : index
        %swap3A_33 = vector.load %arg9[%swap3A_31, %swap3A_32] : memref<1x128xf32, #tpu.memory_space<vmem>>, vector<1x128xf32>
        tpu.vector_store %arg9[%swap3A_31, %swap3A_32], %broadcast_in_dim3A {strides = array<i32>} : memref<1x128xf32, #tpu.memory_space<vmem>>, vector<1x128xf32>,
        %swap3A_34 = arith.constant 0 : index
        %swap3A_35 = arith.constant 0 : index
        %swap3A_36 = vector.load %arg10[%swap3A_34, %swap3A_35] : memref<1x128xf32, #tpu.memory_space<vmem>>, vector<1x128xf32>
        tpu.vector_store %arg10[%swap3A_34, %swap3A_35], %broadcast_in_dim3A_21 {strides = array<i32>} : memref<1x128xf32, #tpu.memory_space<vmem>>, vector<1x128xf32>,
      } else {
      }
      %ne3A = arith.constant 0 : i32
      %ne3A_27 = arith.cmpi ne, %arg1, %ne3A : i32
      %convert_element_type3A_28 = arith.extui %ne3A_27 : i1 to i32
      %cond3A_29 = arith.constant 0 : i32
      %cond3A_30 = arith.cmpi ne, %convert_element_type3A_28, %cond3A_29 : i32
      scf.if %cond3A_30 {
        %get3A_31 = arith.constant 0 : index
        %get3A_32 = arith.constant 0 : index
        %get3A_33 = vector.load %arg9[%get3A_31, %get3A_32] : memref<1x128xf32, #tpu.memory_space<vmem>>, vector<1x128xf32>
        %add3A = arith.addf %get3A_33, %broadcast_in_dim3A : vector<1x128xf32>
        %swap3A_34 = arith.constant 0 : index
        %swap3A_35 = arith.constant 0 : index
        %swap3A_36 = vector.load %arg9[%swap3A_34, %swap3A_35] : memref<1x128xf32, #tpu.memory_space<vmem>>, vector<1x128xf32>
        tpu.vector_store %arg9[%swap3A_34, %swap3A_35], %add3A {strides = array<i32>} : memref<1x128xf32, #tpu.memory_space<vmem>>, vector<1x128xf32>,
        %get3A_37 = arith.constant 0 : index
        %get3A_38 = arith.constant 0 : index
        %get3A_39 = vector.load %arg10[%get3A_37, %get3A_38] : memref<1x128xf32, #tpu.memory_space<vmem>>, vector<1x128xf32>
        %add3A_40 = arith.addf %get3A_39, %broadcast_in_dim3A_21 : vector<1x128xf32>
        %swap3A_41 = arith.constant 0 : index
        %swap3A_42 = arith.constant 0 : index
        %swap3A_43 = vector.load %arg10[%swap3A_41, %swap3A_42] : memref<1x128xf32, #tpu.memory_space<vmem>>, vector<1x128xf32>
        tpu.vector_store %arg10[%swap3A_41, %swap3A_42], %add3A_40 {strides = array<i32>} : memref<1x128xf32, #tpu.memory_space<vmem>>, vector<1x128xf32>,
      } else {
      }
    } else {
    }
    %eq3A_2 = arith.constant 1 : i32
    %eq3A_3 = arith.cmpi eq, %arg0, %eq3A_2 : i32
    %convert_element_type3A_4 = arith.extui %eq3A_3 : i1 to i32
    %cond3A_5 = arith.constant 0 : i32
    %cond3A_6 = arith.cmpi ne, %convert_element_type3A_4, %cond3A_5 : i32
    scf.if %cond3A_6 {
      %get3A = arith.constant 0 : index
      %get3A_7 = arith.constant 0 : index
      %get3A_8 = vector.load %arg9[%get3A, %get3A_7] : memref<1x128xf32, #tpu.memory_space<vmem>>, vector<1x128xf32>
      %div3A = arith.constant 1.000000e+04 : f32
      %div3A_9 = vector.broadcast %div3A : f32 to vector<1x128xf32>
      %div3A_10 = arith.divf %get3A_8, %div3A_9 : vector<1x128xf32>
      %get3A_11 = arith.constant 0 : index
      %get3A_12 = arith.constant 0 : index
      %get3A_13 = vector.load %arg10[%get3A_11, %get3A_12] : memref<1x128xf32, #tpu.memory_space<vmem>>, vector<1x128xf32>
      %div3A_14 = arith.constant 1.000000e+04 : f32
      %div3A_15 = vector.broadcast %div3A_14 : f32 to vector<1x128xf32>
      %div3A_16 = arith.divf %get3A_13, %div3A_15 : vector<1x128xf32>
      %mul3A = arith.mulf %div3A_10, %div3A_10 : vector<1x128xf32>
      %sub3A = arith.subf %div3A_16, %mul3A : vector<1x128xf32>
      %add3A = arith.constant 9.99999974E-6 : f32
      %add3A_17 = vector.broadcast %add3A : f32 to vector<1x128xf32>
      %add3A_18 = arith.addf %sub3A, %add3A_17 : vector<1x128xf32>
      %rsqrt3A = math.rsqrt %add3A_18 : vector<1x128xf32>
      %get3A_19 = arith.constant 0 : index
      %get3A_20 = arith.constant 0 : index
      %get3A_21 = vector.load %arg4[%get3A_19, %get3A_20] : memref<1x128xf32, #tpu.memory_space<vmem>>, vector<1x128xf32>
      %mul3A_22 = arith.mulf %rsqrt3A, %get3A_21 : vector<1x128xf32>
      %get3A_23 = arith.constant 0 : index
      %get3A_24 = arith.constant 0 : index
      %get3A_25 = vector.load %arg5[%get3A_23, %get3A_24] : memref<1x128xf32, #tpu.memory_space<vmem>>, vector<1x128xf32>
      %mul3A_26 = arith.mulf %div3A_10, %mul3A_22 : vector<1x128xf32>
      %sub3A_27 = arith.subf %get3A_25, %mul3A_26 : vector<1x128xf32>
      %mul3A_28 = arith.constant 1000 : i32
      %mul3A_29 = arith.muli %arg1, %mul3A_28 : i32
      %get3A_30 = arith.index_cast %mul3A_29 : i32 to index
      %get3A_31 = arith.constant 0 : index
      %get3A_32 = vector.load %arg8[%get3A_30, %get3A_31] : memref<10000x128xf32, #tpu.memory_space<vmem>>, vector<1000x128xf32>
      %mul3A_33 = vector.broadcast %mul3A_22 : vector<1x128xf32> to vector<1000x128xf32>
      %mul3A_34 = arith.mulf %get3A_32, %mul3A_33 : vector<1000x128xf32>
      %add3A_35 = vector.broadcast %sub3A_27 : vector<1x128xf32> to vector<1000x128xf32>
      %add3A_36 = arith.addf %mul3A_34, %add3A_35 : vector<1000x128xf32>
      %max3A = arith.constant 0.000000e+00 : f32
      %max3A_37 = vector.broadcast %max3A : f32 to vector<1000x128xf32>
      %max3A_38 = arith.maximumf %add3A_36, %max3A_37 : vector<1000x128xf32>
      %get3A_39 = arith.constant 0 : index
      %get3A_40 = arith.constant 0 : index
      %get3A_41 = vector.load %arg6[%get3A_39, %get3A_40] : memref<128x1xf32, #tpu.memory_space<vmem>>, vector<128x1xf32>
      %dot_general3A = arith.constant dense<0.000000e+00> : vector<1000x1xf32>
      %dot_general3A_42 = tpu.matmul %max3A_38, %get3A_41, %dot_general3A {dimension_numbers = #tpu.dot_dimension_numbers<[1], [0], [0], [1], [0, 0, 1, 1], [], []>, transpose_lhs_hint = false} : vector<1000x128xf32>, vector<128x1xf32>, vector<1000x1xf32> -> vector<1000x1xf32>
      %get3A_43 = arith.constant 0 : index
      %get3A_44 = arith.constant 0 : index
      %get3A_45 = vector.load %arg3[%get3A_43, %get3A_44] : memref<1000x8xf32, #tpu.memory_space<vmem>>, vector<1000x8xf32>
      %slice3A = vector.extract_strided_slice %get3A_45 {offsets = [0, 0], sizes = [1000, 1], strides = [1, 1]} : vector<1000x8xf32> to vector<1000x1xf32>
      %mul3A_46 = arith.mulf %slice3A, %dot_general3A_42 : vector<1000x1xf32>
      %broadcast_in_dim3A = vector.shape_cast %mul3A_46 : vector<1000x1xf32> to vector<1000x1xf32>
      %broadcast_in_dim3A_47 = vector.broadcast %broadcast_in_dim3A : vector<1000x1xf32> to vector<1000x128xf32>
      %swap3A = arith.constant 0 : index
      %swap3A_48 = arith.constant 0 : index
      %swap3A_49 = vector.load %arg7[%swap3A, %swap3A_48] : memref<1000x128xf32, #tpu.memory_space<vmem>>, vector<1000x128xf32>
      tpu.vector_store %arg7[%swap3A, %swap3A_48], %broadcast_in_dim3A_47 {strides = array<i32>} : memref<1000x128xf32, #tpu.memory_space<vmem>>, vector<1000x128xf32>,
    } else {
    }
    return
  }
  func.func @transform_0(%arg0: i32, %arg1: i32) -> (i32, i32) {
    %sub3A = arith.constant 1 : i32
    %sub3A_0 = arith.subi %sub3A, %arg0 : i32
    %mul3A = arith.muli %arg1, %sub3A_0 : i32
    %c0_i32 = arith.constant 0 : i32
    %c0_i32_1 = arith.constant 0 : i32
    return %mul3A, %c0_i32 : i32, i32
  }
  func.func @transform_1(%arg0: i32, %arg1: i32) -> (i32, i32) {
    %c0_i32 = arith.constant 0 : i32
    %c0_i32_0 = arith.constant 0 : i32
    return %arg1, %c0_i32 : i32, i32
  }
  func.func @transform_2(%arg0: i32, %arg1: i32) -> (i32, i32) {
    %c0_i32 = arith.constant 0 : i32
    %c0_i32_0 = arith.constant 0 : i32
    %c0_i32_1 = arith.constant 0 : i32
    return %c0_i32, %c0_i32_0 : i32, i32
  }
  func.func @transform_3(%arg0: i32, %arg1: i32) -> (i32, i32) {
    %c0_i32 = arith.constant 0 : i32
    %c0_i32_0 = arith.constant 0 : i32
    %c0_i32_1 = arith.constant 0 : i32
    return %c0_i32, %c0_i32_0 : i32, i32
  }
  func.func @transform_4(%arg0: i32, %arg1: i32) -> (i32, i32) {
    %c0_i32 = arith.constant 0 : i32
    %c0_i32_0 = arith.constant 0 : i32
    %c0_i32_1 = arith.constant 0 : i32
    return %c0_i32, %c0_i32_0 : i32, i32
  }
  func.func @transform_5(%arg0: i32, %arg1: i32) -> (i32, i32) {
    %c0_i32 = arith.constant 0 : i32
    %c0_i32_0 = arith.constant 0 : i32
    return %arg1, %c0_i32 : i32, i32
  }
}

module attributes {stable_mosaic.version = 14 : i64} {
  func.func @_out_body(%arg0: i32, %arg1: memref<1000x128xf32, #tpu.memory_space<vmem>>, %arg2: memref<1000x8xf32, #tpu.memory_space<vmem>>, %arg3: memref<1x1xf32, #tpu.memory_space<vmem>>, %arg4: memref<1000x1xf32, #tpu.memory_space<vmem>>) attributes {dimension_semantics = [#tpu.dimension_semantics<arbitrary>], iteration_bounds = array<i64: 10>, scalar_prefetch = 0 : i64, scratch_operands = 0 : i64, tpu.core_type = #tpu.core_type<tc>, window_params = [{transform_indices = @transform_0, window_bounds = array<i64: 1000, 128>}, {transform_indices = @transform_1, window_bounds = array<i64: 1000, 8>}, {pipeline_mode = #tpu.pipeline_mode<synchronous>, transform_indices = @transform_2, window_bounds = array<i64: 1, 1>}, {transform_indices = @transform_3, window_bounds = array<i64: 1000, 1>}]} {
    %get3A = arith.constant 0 : index
    %get3A_0 = arith.constant 0 : index
    %get3A_1 = vector.load %arg2[%get3A, %get3A_0] : memref<1000x8xf32, #tpu.memory_space<vmem>>, vector<1000x8xf32>
    %slice3A = vector.extract_strided_slice %get3A_1 {offsets = [0, 0], sizes = [1000, 1], strides = [1, 1]} : vector<1000x8xf32> to vector<1000x1xf32>
    %get3A_2 = arith.constant 0 : index
    %get3A_3 = arith.constant 0 : index
    %get3A_4 = vector.load %arg1[%get3A_2, %get3A_3] : memref<1000x128xf32, #tpu.memory_space<vmem>>, vector<1000x128xf32>
    %slice3A_5 = vector.extract_strided_slice %get3A_4 {offsets = [0, 0], sizes = [1000, 1], strides = [1, 1]} : vector<1000x128xf32> to vector<1000x1xf32>
    %slice3A_6 = vector.extract_strided_slice %get3A_4 {offsets = [0, 8], sizes = [1000, 1], strides = [1, 1]} : vector<1000x128xf32> to vector<1000x1xf32>
    %add3A = arith.addf %slice3A_5, %slice3A_6 : vector<1000x1xf32>
    %mul3A = arith.mulf %slice3A, %add3A : vector<1000x1xf32>
    %get3A_7 = arith.constant 0 : index
    %get3A_8 = arith.constant 0 : index
    %get3A_9 = vector.load %arg3[%get3A_7, %get3A_8] : memref<1x1xf32, #tpu.memory_space<vmem>>, vector<1x1xf32>
    %get3A_10 = vector.extract %get3A_9[0, 0] : f32 from vector<1x1xf32>
    %add3A_11 = vector.broadcast %get3A_10 : f32 to vector<1000x1xf32>
    %add3A_12 = arith.addf %mul3A, %add3A_11 : vector<1000x1xf32>
    %swap3A = arith.constant 0 : index
    %swap3A_13 = arith.constant 0 : index
    %swap3A_14 = vector.load %arg4[%swap3A, %swap3A_13] : memref<1000x1xf32, #tpu.memory_space<vmem>>, vector<1000x1xf32>
    tpu.vector_store %arg4[%swap3A, %swap3A_13], %add3A_12 {strides = array<i32>} : memref<1000x1xf32, #tpu.memory_space<vmem>>, vector<1000x1xf32>,
    return
  }
  func.func @transform_0(%arg0: i32) -> (i32, i32) {
    %c0_i32 = arith.constant 0 : i32
    %c0_i32_0 = arith.constant 0 : i32
    return %arg0, %c0_i32 : i32, i32
  }
  func.func @transform_1(%arg0: i32) -> (i32, i32) {
    %c0_i32 = arith.constant 0 : i32
    %c0_i32_0 = arith.constant 0 : i32
    return %arg0, %c0_i32 : i32, i32
  }
  func.func @transform_2(%arg0: i32) -> (i32, i32) {
    %c0_i32 = arith.constant 0 : i32
    %c0_i32_0 = arith.constant 0 : i32
    %c0_i32_1 = arith.constant 0 : i32
    return %c0_i32, %c0_i32_0 : i32, i32
  }
  func.func @transform_3(%arg0: i32) -> (i32, i32) {
    %c0_i32 = arith.constant 0 : i32
    %c0_i32_0 = arith.constant 0 : i32
    return %arg0, %c0_i32 : i32, i32
  }
}

</mosaic_0001>

<sc_bundles>
// kernel: kernel.11.cloned.1.call-start
scs
__scs_entry_jumppad:
0x0: {  	(pc) =	sbr.rel $0x88, $3  }
0x1: {  	(tag) =	ssettag $0x0;
	lr =	simm.s32 $0x1  }
0x2: {  	[smem:$0x3F9A] =	sst lr;
	_ =	strace $0xD0000000  }
0x3: {  	_ = 	snop  }
0x4: {  	_ = 	snop  }
0x5: {  	_ = 	snop  }
0x6: {  	_ = 	snop  }
0x7: {  	_ = 	snop  }
__scs_overlays_trampoline_lowered:
0x8: {  	[smem:$0x3FA9] =	sst s0  }
0x9: {  	[smem:$0x3FAA] =	sst s1  }
0xa: {  	[smem:$0x3FAB] =	sst s2  }
0xb: {  	[smem:$0x3FAC] =	sst s3  }
0xc: {  	[smem:$0x3FAD] =	sst s4  }
0xd: {  	[smem:$0x3FAE] =	sst s5  }
0xe: {  	[smem:$0x3FAF] =	sst s6  }
0xf: {  	[smem:$0x3FB0] =	sst s7  }
0x10: {  	[smem:$0x3FB1] =	sst s8  }
0x11: {  	[smem:$0x3FB2] =	sst s9;
	s0 =	simm.s32 @!p0 $0x0  }
0x12: {  	s1 =	sld [smem:$0x3F98];
	s0 =	simm.s32 @p0 $0x1  }
0x13: {  	[smem:$0x3FB3] =	sst s0;
	s0 =	simm.s32 @!p1 $0x0  }
0x14: {  	s2 =	sld [smem:$0x3F97];
	s0 =	simm.s32 @p1 $0x1  }
0x15: {  	[smem:$0x3FB4] =	sst s0;
	s0 =	simm.s32 @!p2 $0x0  }
0x16: {  	s3 =	sld [smem:$0x3FDB];
	s0 =	simm.s32 @p2 $0x1  }
0x17: {  	s4 =	simm.s32 $0x1BF5;
	[smem:$0x3FB6] =	sst s0  }
0x18: {  	s0 =	sld [smem:$0x3F99];
	_ =	swait.ge [sflag:s4], $0x0  }
0x19: {  	s7 =	sld [smem:$0x3F9A]  }
0x1a: {  	s8 =	sadd.s32 $0xFFFFE003, lr  }
0x1b: {  	s9 =	sadd.s32 $0xFFFFFEF7, lr;
	s5 =	simm.s32 $0xFFFFFFFF;
	p2 =	slt.u32 s8, $0xFFFFF086  }
0x1c: {  	p1 =	slt.u32 s9, $0xF7A;
	s5 =	simm.s32 @!p2 $0x0  }
0x1d: {  	s5 =	simm.s32 @p1 $0x1;
	p0 =	seq.s32 s7, s2  }
0x1e: {  	s7 =	smul.u32 @!p0 $0xF7A, s2;
	p2 =	seq.s32 @!p0 s5, $0x0  }
0x1f: {  	s9 =	smul.u32 $0xF7A, s1;
	s8 =	simm.s32 @!p0 $0x1BF5;
	p2 =	por !p2, p0  }
0x20: {  	[sflag:s8] =	ssyncset.s32 @!p0 $0xFFFFF086;
	s6 =	sadd.s32 @!p0 s3, s7;
	s7 =	simm.s32 @!p0 $0x108  }
0x21: {  	s3 =	sadd.s32 s3, s9;
	s6 =	sadd.s32 @!p0 $0x88, s6;
	s7 =	simm.s32 @p2 $0x1082  }
0x22: {  	[simem:s7], [sflag:s8] =	dma.local @!p0 [hbm:s6], $0xF7A  }
0x23: {  	s9 =	sor.u32 $0xD0000000, s2;
	s6 =	simm.s32 $0x108;
	_ =	swait.ge @!p0 [sflag:s8], $0x0  }
0x24: {  	s3 =	sadd.s32 $0x88, s3;
	s6 =	simm.s32 @!p1 $0x1082;
	[sflag:s4] =	ssyncset.s32 $0xFFFFF086  }
0x25: {  	[simem:s6], [sflag:s4] =	dma.local [hbm:s3], $0xF7A  }
0x26: {  	[smem:$0x3F9A] =	sst s1;
	(tag) =	ssettag s2;
	_ =	strace s9  }
0x27: {  	s1 =	sld [smem:$0x3FAA]  }
0x28: {  	s2 =	sld [smem:$0x3FAB]  }
0x29: {  	s4 =	sld [smem:$0x3FAD]  }
0x2a: {  	p0 =	seq.s32 s5, $0x0;
	s5 =	sld [smem:$0x3FAE]  }
0x2b: {  	s6 =	sld [smem:$0x3FAF]  }
0x2c: {  	s7 =	sld [smem:$0x3FB0]  }
0x2d: {  	s3 =	simm.s32 $0x108;
	s8 =	sld [smem:$0x3FB1]  }
0x2e: {  	s3 =	simm.s32 @!p0 $0x1082;
	s9 =	sld [smem:$0x3FB2]  }
0x2f: {  	lr =	sadd.s32 s0, s3;
	s0 =	sld [smem:$0x3FA9]  }
0x30: {  	s3 =	sld [smem:$0x3FAC]  }
0x31: {  	[smem:$0x3FB5] =	sst s10  }
0x32: {  	s10 =	sld [smem:$0x3FB3];
	_ =	sdelay $0x3  }
0x33: {  	p0 =	seq.s32 s10, $0x1;
	s10 =	sld [smem:$0x3FB5];
	_ =	sdelay $0x3  }
0x34: {  	[smem:$0x3FB5] =	sst s10  }
0x35: {  	s10 =	sld [smem:$0x3FB4];
	_ =	sdelay $0x3  }
0x36: {  	p1 =	seq.s32 s10, $0x1;
	s10 =	sld [smem:$0x3FB5];
	_ =	sdelay $0x3  }
0x37: {  	[smem:$0x3FB5] =	sst s10  }
0x38: {  	s10 =	sld [smem:$0x3FB6]  }
0x39: {  	_ = 	snop;
	(pc) =	sbr.ind lr, $3  }
0x3a: {  	_ = 	snop  }
0x3b: {  	_ = 	snop  }
0x3c: {  	p2 =	seq.s32 s10, $0x1;
	s10 =	sld [smem:$0x3FB5]  }
0x3d: {  	_ =	shalt  }
0x3e: {  	_ =	shalt  }
0x3f: {  	_ =	shalt  }
0x40: {  	_ =	shalt  }
0x41: {  	_ =	shalt  }
0x42: {  	_ =	shalt  }
0x43: {  	_ =	shalt  }
0x44: {  	_ =	shalt  }
0x45: {  	_ =	shalt  }
0x46: {  	_ =	shalt  }
0x47: {  	_ =	shalt  }
0x48: {  	_ =	shalt  }
0x49: {  	_ =	shalt  }
0x4a: {  	_ =	shalt  }
0x4b: {  	_ =	shalt  }
0x4c: {  	_ =	shalt  }
0x4d: {  	_ =	shalt  }
0x4e: {  	_ =	shalt  }
0x4f: {  	_ =	shalt  }
0x50: {  	_ =	shalt  }
0x51: {  	_ =	shalt  }
0x52: {  	_ =	shalt  }
0x53: {  	_ =	shalt  }
0x54: {  	_ =	shalt  }
0x55: {  	_ =	shalt  }
0x56: {  	_ =	shalt  }
0x57: {  	_ =	shalt  }
0x58: {  	_ =	shalt  }
0x59: {  	_ =	shalt  }
0x5a: {  	_ =	shalt  }
0x5b: {  	_ =	shalt  }
0x5c: {  	_ =	shalt  }
0x5d: {  	_ =	shalt  }
0x5e: {  	_ =	shalt  }
0x5f: {  	_ =	shalt  }
0x60: {  	_ =	shalt  }
0x61: {  	_ =	shalt  }
0x62: {  	_ =	shalt  }
0x63: {  	_ =	shalt  }
0x64: {  	_ =	shalt  }
0x65: {  	_ =	shalt  }
0x66: {  	_ =	shalt  }
0x67: {  	_ =	shalt  }
0x68: {  	_ =	shalt  }
0x69: {  	_ =	shalt  }
0x6a: {  	_ =	shalt  }
0x6b: {  	_ =	shalt  }
0x6c: {  	_ =	shalt  }
0x6d: {  	_ =	shalt  }
0x6e: {  	_ =	shalt  }
0x6f: {  	_ =	shalt  }
0x70: {  	_ =	shalt  }
0x71: {  	_ =	shalt  }
0x72: {  	_ =	shalt  }
0x73: {  	_ =	shalt  }
0x74: {  	_ =	shalt  }
0x75: {  	_ =	shalt  }
0x76: {  	_ =	shalt  }
0x77: {  	_ =	shalt  }
0x78: {  	_ =	shalt  }
0x79: {  	_ =	shalt  }
0x7a: {  	_ =	shalt  }
0x7b: {  	_ =	shalt  }
0x7c: {  	_ =	shalt  }
0x7d: {  	_ =	shalt  }
0x7e: {  	_ =	shalt  }
0x7f: {  	_ =	shalt  }
0x80: {  	_ =	shalt  }
0x81: {  	_ =	shalt  }
0x82: {  	_ =	shalt  }
0x83: {  	_ =	shalt  }
0x84: {  	_ =	shalt  }
0x85: {  	_ =	shalt  }
0x86: {  	_ =	shalt  }
0x87: {  	_ =	shalt  }
.Lfunc_end0:
.L_simem_size_0:
called_computation.1_lowered:
.L_overlay_start_0:
0x88: {  	s2 =	sld [smem:$0x3FD9]  }
0x89: {  	s3 =	sld [smem:$0x3FFE];
	_ =	sdelay $0x1  }
0x8a: {  	s1 =	srdreg.scid  }
0x8b: {  	s0 =	sand.u32 $0x1, s1  }
0x8c: {  	s16 =	sshll.u32 s0, $0xA;
	s2 =	sadd.s32 s3, s2  }
0x8d: {  	s2 =	sadd.s32 s2, s16  }
0x8e: {  	[smem:$0x3FC1] =	sst s2  }
0x8f: {  	_ = 	snop  }
0x90: {  	(tm) =	ssettm $0x1  }
0x91: {  	s17 =	sld [smem:$0x3FFB];
	_ =	sdelay $0x3  }
0x92: {  	_ =	strace s17  }
0x93: {  	s2 =	sld [smem:$0x3FFC];
	_ =	sdelay $0x3  }
0x94: {  	_ =	strace s2  }
0x95: {  	s2 =	sld [smem:$0x3FFD];
	_ =	sdelay $0x3  }
0x96: {  	_ =	strace s2  }
0x97: {  	_ =	strace $0x8FFFFFFF  }
0x98: {  	s18 =	sld [smem:$0x3FDB];
	_ =	sdelay $0x1  }
0x99: {  	s19 =	simm.s32 $_scs_section_size  }
0x9a: {  	s4 =	simm.s32 $_size__tile_overlayer_lowered;
	s5 =	simm.s32 $_tile_overlayer_lowered  }
0x9b: {  	s22 =	simm.s32 $0x1BFF;
	s21 =	sshll.u32 s5, $0x1;
	s2 =	sadd.s32 s19, s18  }
0x9c: {  	s6 =	simm.s32 $0x0;
	s20 =	sshll.u32 s4, $0x1;
	s4 =	sadd.s32 s21, s2  }
0x9d: {  	[timem:s6], [sflag:s22] =	dma.local [hbm:s4], s20  }
0x9e: {  	_ =	swait.ge [sflag:s22], s20  }
0x9f: {  	s3 =	ssub.s32 $0x0, s20;
	[sflag:s22] =	ssyncset.done $0x0  }
0xa0: {  	[sflag:s22] =	ssyncadd.s32 s3;
	_ =	sdelay $0x1  }
0xa1: {  	s23 =	simm.s32 $0x1B8B  }
0xa2: {  	_ =	swait.ge [sflag:s23], $0x1  }
0xa3: {  	[sflag:s23] =	ssyncset.done $0x0  }
0xa4: {  	s25 =	simm.s32 $0x1B8E;
	s24 =	sld [smem:$0x3FFE];
	[sflag:s23] =	ssyncadd.s32 $0xFFFFFFFF  }
0xa5: {  	s26 =	simm.s32 $execute0_lowered;
	[smem:$0x3FD2] =	sst s25  }
0xa6: {  	s4 =	sshll.u32 s26, $0x1;
	_ =	strace $0x80000049;
	[dreg:$0x1] =	wrdreg $0xFFFFFFFF  }
0xa7: {  	s28 =	simm.s32 $_size_execute0_lowered;
	s2 =	sadd.s32 s2, s4;
	[dreg:$0x0] =	wrdreg $0x0  }
0xa8: {  	s4 =	sshll.u32 s28, $0x1;
	[dreg:$0x2] =	wrdreg s2  }
0xa9: {  	[dreg:$0x3] =	wrdreg s4  }
0xaa: {  	[dreg:$0x4] =	wrdreg $0xC0  }
0xab: {  	_ =	task [dreg:s6], $0x5FFFF  }
0xac: {  	[dreg:$0x1] =	wrdreg $0xFFFFFFFF  }
0xad: {  	[dreg:$0x0] =	wrdreg $0x60  }
0xae: {  	[dreg:$0x2] =	wrdreg s24  }
0xaf: {  	[dreg:$0x3] =	wrdreg $0x9C400  }
0xb0: {  	[dreg:$0x4] =	wrdreg $0x0  }
0xb1: {  	[dreg:$0x5] =	wrdreg $0x9  }
0xb2: {  	_ =	task.clear_ibuf [dreg:s6], $0x6FFFF;
	_ =	strace $0x90000049  }
0xb3: {  	s29 =	simm.s32 $0x9;
	_ =	strace $0x8000004B  }
0xb4: {  	_ =	swait.ge [sflag:s29], $0x1  }
0xb5: {  	[sflag:s29] =	ssyncadd.s32 $0xFFFFFFFF  }
0xb6: {  	_ =	strace $0x9000004B  }
0xb7: {  	_ =	sfence  }
0xb8: {  	s30 =	sld [smem:$0x0];
	_ =	sdelay $0x2  }
0xb9: {  	s31 =	sshll.u32 s1, $0xD;
	s1 =	sshrl.u32 s1, $0x2  }
0xba: {  	s3 =	sand.u32 $0x4000, s31;
	s1 =	sadd.s32 s1, s30  }
0xbb: {  	s0 =	sor.u32 s3, s0;
	s1 =	sshll.u32 s1, $0x11  }
0xbc: {  	s0 =	sor.u32 s1, s0  }
0xbd: {  	s0 =	sadd.s32 $0x8F2B, s0  }
0xbe: {  	[sflag:s0] =	ssyncadd.remote.s32 $0x1  }
0xbf: {  	_ =	sfence.sel $0xFFFF  }
0xc0: {  	[dreg:$0x0] =	wrdreg $0xFFFFFFFF;
	(pc) =	sbr.abs _section_cstart, $3  }
0xc1: {  	[dreg:$0x1] =	wrdreg $0xFFFFFFFF  }
0xc2: {  	_ =	task.clear_ibuf [dreg:s6], $0x2FFFF;
	_ =	strace $0x9FFFFFFF  }
0xc3: {  	(tm) =	ssettm $0x7FFFFFFF  }
tec
execute0_lowered:
.L_overlay_start_1:
0x0: {  	(tag) =	ssettag $0x1  }
0x1: {  	s0 =	rddreg [dreg:$0x0]  }
0x2: {  	s1 =	rddreg [dreg:$0x1]  }
0x3: {  	s2 =	rddreg [dreg:$0x2];
	s3 =	simm.s32 $0x0;
	s20 =	stileid.u32  }
0x4: {  	s5 =	srdreg.scid;
	s28 =	simm.s32 $0x3;
	s23 =	smul.u32 $0x13800, s20  }
0x5: {  	s29 =	simm.s32 $0x0;
	[smem:$0x7FF] =	sst s3;
	s10 =	smul.u32 $0x9C00, s20  }
0x6: {  	s4 =	sadd.s32 $0x2800, s0;
	s6 =	sadd.s32 $0x18A00, s0;
	s25 =	smul.u32 $0x4E20, s20  }
0x7: {  	s7 =	sand.u32 $0x1, s5;
	s0 =	sadd.s32 $0x3FC00, s0;
	s14 =	smul.u32 $0x27000, s20  }
0x8: {  	s15 =	sadd.s32 $0x92400, s1;
	s16 =	sadd.s32 $0x92400, s2;
	s19 =	smul.u32 $0x9C4, s20  }
0x9: {  	p0 =	seq.s32 s20, $0xF;
	_ =	strace $0x8000004A;
	s8 =	ssub.s32 $0x2, s7  }
0xa: {  	s9 =	sshll.u32 s7, $0x6;
	s12 =	sshll.u32 s7, $0x3;
	s15 =	sshrl.u32 @p0 s15, $0x3  }
0xb: {  	s16 =	sshrl.u32 @p0 s16, $0x3;
	s11 =	sshrl.u32 s8, $0x1;
	s5 =	sor.u32 s9, s23  }
0xc: {  	s17 =	sadd.s32 s10, s1;
	s18 =	sadd.s32 s10, s2;
	s26 =	sshrl.u32 s25, $0x3  }
0xd: {  	s30 =	sadd.s32 $0xC8, s25;
	s14 =	sshrl.u32 s14, $0x2;
	s23 =	simm.s32 $0x1  }
0xe: {  	s13 =	ssub.s32 s8, s11;
	s24 =	sshrl.u32 s5, $0x3;
	s7 =	sadd.s32 s4, s26  }
0xf: {  	s8 =	sadd.s32 $0x4E2C8, s25;
	s9 =	sshrl.u32 s30, $0x3;
	s17 =	sshrl.u32 @!p0 s17, $0x3  }
0x10: {  	s18 =	sshrl.u32 @!p0 s18, $0x3;
	s26 =	simm.s32 $0x2;
	s5 =	sadd.s32 s6, s24  }
0x11: {  	s6 =	sadd.s32 s12, s6;
	s31 =	sshrl.u32 s8, $0x3;
	s8 =	sadd.s32 $0x9C40, s7  }
0x12: {  	s9 =	sadd.s32 s4, s9;
	s12 =	sadd.s32 s12, s0;
	s11 =	sadd.s32 s0, s24  }
0x13: {  	s0 =	sadd.s32 s14, s2;
	s13 =	smax.u32 s13, $0x1;
	s24 =	simm.s32 $0xC8  }
0x14: {  	s6 =	sadd.s32 $0x24900, s6;
	s10 =	sadd.s32 s4, s31;
	s4 =	sadd.s32 s19, s4  }
0x15: {  	s12 =	sadd.s32 $0x24900, s12;
	s25 =	sshrl.u32 @!p0 s0, $0x3;
	s14 =	sadd.s32 $0x9C72, s4  }
.LBB2_1:
0x16: {  	s0 =	simm.s32 @p0 $0x1;
	s4 =	simm.s32 @p0 $0x8  }
0x17: {  	s19 =	simm.s32 @p0 $0x10;
	s20 =	simm.s32 @p0 $0x1FC4;
	s30 =	simm.s32 @p0 $0x4  }
0x18: {  	[spmem:s15@s4], [sflag:s20] =	dma.strided @p0 [hbm:s6@s19], $0x1400, s0, $0x8   }
0x19: {  	_ =	swait.ge @p0 [sflag:s30], $0x1400  }
0x1a: {  	[sflag:s30] =	ssyncset.done @p0 $0x0  }
0x1b: {  	[sflag:s30] =	ssyncadd.s32 @p0 $0xFFFFEC00  }
0x1c: {  	[spmem:s16@s4], [sflag:s20] =	dma.strided @p0 [hbm:s6@s19], $0x1400, s0, $0x8   }
0x1d: {  	s0 =	stileid.u32  }
0x1e: {  	s4 =	simm.s32 @!p0 $0x8;
	s19 =	simm.s32 @!p0 $0x10;
	_ =	swait.ge @p0 [sflag:s30], $0x1400  }
0x1f: {  	s20 =	simm.s32 @!p0 $0x4;
	s0 =	sshll.u32 @!p0 s0, $0x6;
	[sflag:s30] =	ssyncset.done @p0 $0x0  }
0x20: {  	[sflag:s30] =	ssyncadd.s32 @p0 $0xFFFFEC00;
	s30 =	sor.u32 @!p0 $0x1C04, s0;
	s0 =	simm.s32 @!p0 $0x1  }
0x21: {  	[spmem:s17@s4], [sflag:s30] =	dma.strided @!p0 [hbm:s5@s19], $0x1380, s0, $0x8   }
0x22: {  	_ =	swait.ge @!p0 [sflag:s20], $0x1380  }
0x23: {  	[sflag:s20] =	ssyncset.done @!p0 $0x0  }
0x24: {  	[sflag:s20] =	ssyncadd.s32 @!p0 $0xFFFFEC80  }
0x25: {  	[spmem:s18@s4], [sflag:s30] =	dma.strided @!p0 [hbm:s5@s19], $0x1380, s0, $0x8   }
0x26: {  	_ =	swait.ge @!p0 [sflag:s20], $0x1380  }
0x27: {  	[sflag:s20] =	ssyncset.done @!p0 $0x0  }
0x28: {  	[sflag:s20] =	ssyncadd.s32 @!p0 $0xFFFFEC80  }
0x29: {  	s19 =	simm.s32 $0x13880;
	[bflag:$0x0] =	sbarrier.arrive $0xFFFF  }
0x2a: {  	[tilespmem:s19], [sflag:$0x1] =	stream.linear.gather [hbm4b:s7+s3], $0xC8, $0x38;
	[tilespmem:$0x1D4C0] =	vst v63  }
0x2b: {  	s20 =	simm.s32 $0x13BA0  }
0x2c: {  	[tilespmem:s20], [sflag:$0x1] =	stream.linear.gather [hbm4b:s8+s3], $0xC8, $0x38;
	[tilespmem:$0x1D4C0] =	vst v63  }
0x2d: {  	s21 =	simm.s32 $0x13948  }
0x2e: {  	[tilespmem:s21], [sflag:$0x1] =	stream.linear.gather [hbm4b:s9+s3], $0xC8, $0x38;
	[tilespmem:$0x1D4C0] =	vst v63  }
0x2f: {  	s22 =	simm.s32 $0x13C68;
	s31 =	smov.u32 s14;
	s0 =	simm.s32 $0x0  }
0x30: {  	[tilespmem:s22], [sflag:$0x1] =	stream.linear.gather [hbm4b:s10+s3], $0xC8, $0x38;
	[tilespmem:$0x1D4C0] =	vst v63  }
.LBB2_2:
0x31: {  	s4 =	smul.u32 $0xAB, s0;
	_ =	sdelay $0x1  }
0x32: {  	s4 =	sshrl.u32 s4, $0x9  }
0x33: {  	s4 =	sand.u32 $0x7F, s4  }
0x34: {  	s4 =	smul.u32 $0x3, s4;
	_ =	sdelay $0x1  }
0x35: {  	_ =	swait.ge [sflag:s23], $0xC8;
	s4 =	ssub.s32 s0, s4  }
0x36: {  	s20 =	sand.u32 $0x3, s0;
	[sflag:s23] =	ssyncset.done $0x0;
	s4 =	sand.u32 $0xFF, s4  }
0x37: {  	p1 =	slt.u32 s0, $0x2;
	[sflag:s23] =	ssyncadd.s32 $0xFFFFFF38;
	s19 =	smul.u32 $0xC800, s4  }
0x38: {  	p2 =	sgt.u32 @!p1 s0, $0x61;
	_ =	swait.ge [sflag:s23], $0xC8;
	s4 =	smul.u32 $0xC8, s20  }
0x39: {  	p2 =	por p1, !p2;
	[sflag:s23] =	ssyncset.done $0x0;
	s19 =	sshrl.u32 s19, $0x2  }
0x3a: {  	[sflag:s23] =	ssyncadd.s32 $0xFFFFFF38;
	s21 =	sadd.s32 $0x13880, s4;
	s19 =	sadd.s32 $0x13EC0, s19  }
0x3b: {  	[tilespmem:s19], [sflag:$0x2] =	stream.indirect.gather [spmem:s1], $0x40, s21, s24, $0xb8;
	[tilespmem:$0x1D4C0] =	vst v63  }
0x3c: {  	s20 =	sxor.u32 @p2 $0x2, s20;
	s21 =	simm.s32 @!p1 $0x3  }
0x3d: {  	s20 =	smul.u32 @p2 $0xC8, s20;
	_ =	swait.ge @!p1 [sflag:s21], $0x3200  }
0x3e: {  	s22 =	sadd.s32 @p2 $0xFFFF63C0, s31;
	[sflag:s21] =	ssyncset.done @!p1 $0x0  }
0x3f: {  	s0 =	sadd.s32 $0x1, s0;
	[sflag:s21] =	ssyncadd.s32 @!p1 $0xFFFFCE00;
	s21 =	sadd.s32 @p2 $0x13880, s20  }
0x40: {  	[tilespmem:s21], [sflag:$0x1] =	stream.linear.gather @p2 [hbm4b:s22+s3], $0xC8, $0x38;
	[tilespmem:$0x1D4C0] =	vst v63  }
0x41: {  	s20 =	sadd.s32 @p2 $0x13BA0, s20;
	p1 =	sne.s32 s0, $0x64  }
0x42: {  	[tilespmem:s20], [sflag:$0x1] =	stream.linear.gather @p2 [hbm4b:s31+s3], $0xC8, $0x38;
	[tilespmem:$0x1D4C0] =	vst v63  }
.Ltmp0:
0x43: {  	_ = 	snop;
	(pc) =	sbr.rel @p1 .LBB2_2-.Ltmp0, $4  }
0x44: {  	_ =	swait.ge [sflag:s26], $0x3200  }
0x45: {  	[sflag:s26] =	ssyncset.done $0x0  }
0x46: {  	s4 =	sadd.s32 $0x13BA0, s4;
	s31 =	sadd.s32 $0x19, s31;
	[sflag:s26] =	ssyncadd.s32 $0xFFFFCE00  }
0x47: {  	[spmem:s2] =	stream.indirect.scatter.add.f32 [tilespmem:s19], [sflag:$0x3], $0x40, s4, s24, $0xb8;
	[tilespmem:$0x1D4C0] =	vst v63  }
0x48: {  	_ =	swait.ge [sflag:s28], $0x3200  }
0x49: {  	[sflag:s28] =	ssyncset.done $0x0  }
0x4a: {  	[sflag:s28] =	ssyncadd.s32 $0xFFFFCE00  }
0x4b: {  	_ =	swait.ge [sflag:s28], $0x3200  }
0x4c: {  	[sflag:s28] =	ssyncset.done $0x0  }
0x4d: {  	s0 =	simm.s32 @p0 $0x1;
	s4 =	simm.s32 @p0 $0x10;
	[sflag:s28] =	ssyncadd.s32 $0xFFFFCE00  }
0x4e: {  	s19 =	simm.s32 @p0 $0x8;
	s20 =	simm.s32 @p0 $0x1FC4;
	[bflag:$0x0] =	sbarrier.arrive $0xFFFF  }
0x4f: {  	[hbm:s12@s4], [sflag:s20] =	dma.strided @p0 [spmem:s16@s19], $0x1400, s0, $0x8   }
0x50: {  	s0 =	simm.s32 @p0 $0x4  }
0x51: {  	s29 =	sadd.s32 $0x1, s29;
	_ =	swait.ge @p0 [sflag:s0], $0x1400  }
0x52: {  	p1 =	sne.s32 s29, s13;
	s4 =	simm.s32 @!p0 $0x10;
	[sflag:s0] =	ssyncset.done @p0 $0x0  }
0x53: {  	s19 =	simm.s32 @!p0 $0x8;
	[sflag:s0] =	ssyncadd.s32 @p0 $0xFFFFEC00;
	s0 =	simm.s32 @!p0 $0x1  }
0x54: {  	[hbm:s11@s4], [sflag:s30] =	dma.strided @!p0 [spmem:s25@s19], $0x1380, s0, $0x8   }
.Ltmp1:
0x55: {  	_ = 	snop;
	(pc) =	sbr.rel @p1 .LBB2_1-.Ltmp1, $4  }
0x56: {  	s0 =	simm.s32 @!p0 $0x4  }
0x57: {  	_ =	swait.ge @!p0 [sflag:s0], $0x1380  }
0x58: {  	[sflag:s0] =	ssyncset.done @!p0 $0x0  }
0x59: {  	[sflag:s0] =	ssyncadd.s32 @!p0 $0xFFFFEC80  }
0x5a: {  	_ =	sfence.sel $0x180000  }
0x5b: {  	[bflag:$0x0] =	sbarrier.arrive $0xFFFF  }
0x5c: {  	_ =	strace $0x9000004A  }
0x5d: {  	s0 =	stileid.u32;
	[bflag:$0x2] =	sbarrier.arrive $0xFFFF  }
0x5e: {  	p0 =	sne.s32 s0, $0x0;
	s0 =	rddreg [dreg:$0x3]  }
0x5f: {  	s0 =	sadd.s32 @!p0 $0x100000, s0  }
0x60: {  	[sflag:s0] =	ssyncadd.tile.s32 @!p0 $0x1;
	_ =	shalt  }
.Lfunc_end2:
_tile_overlayer_lowered:
.L_overlay_start_2:
0x61: {  	(tag) =	ssettag $0x2  }
0x62: {  	s0 =	rddreg [dreg:$0x0];
	s2 =	stileid.u32  }
0x63: {  	s1 =	rddreg [dreg:$0x1];
	p0 =	sne.s32 s2, $0x0  }
0x64: {  	s3 =	rddreg [dreg:$0x2];
	[bflag:$0x3] =	sbarrier.arrive $0xFFFF;
	s2 =	simm.s32 @!p0 $0x1C04  }
0x65: {  	[timem:s3], [sflag:s2] =	dma.local @!p0 [hbm:s0], s1  }
0x66: {  	s0 =	simm.s32 @!p0 $0x4  }
0x67: {  	_ =	swait.ge @!p0 [sflag:s0], s1  }
0x68: {  	s1 =	ssub.s32 @!p0 $0x0, s1;
	[sflag:s0] =	ssyncset.done @!p0 $0x0  }
0x69: {  	[sflag:s0] =	ssyncadd.s32 @!p0 s1  }
0x6a: {  	[bflag:$0x3] =	sbarrier.arrive $0xFFFF  }
0x6b: {  	_ =	shalt  }

// kernel: kernel.14.cloned.1.call-start
scs
__scs_entry_jumppad:
0x0: {  	(pc) =	sbr.rel $0x88, $3  }
0x1: {  	(tag) =	ssettag $0x0;
	lr =	simm.s32 $0x1  }
0x2: {  	[smem:$0x3F9A] =	sst lr;
	_ =	strace $0xD0000000  }
0x3: {  	_ = 	snop  }
0x4: {  	_ = 	snop  }
0x5: {  	_ = 	snop  }
0x6: {  	_ = 	snop  }
0x7: {  	_ = 	snop  }
__scs_overlays_trampoline_lowered:
0x8: {  	[smem:$0x3FA9] =	sst s0  }
0x9: {  	[smem:$0x3FAA] =	sst s1  }
0xa: {  	[smem:$0x3FAB] =	sst s2  }
0xb: {  	[smem:$0x3FAC] =	sst s3  }
0xc: {  	[smem:$0x3FAD] =	sst s4  }
0xd: {  	[smem:$0x3FAE] =	sst s5  }
0xe: {  	[smem:$0x3FAF] =	sst s6  }
0xf: {  	[smem:$0x3FB0] =	sst s7  }
0x10: {  	[smem:$0x3FB1] =	sst s8  }
0x11: {  	[smem:$0x3FB2] =	sst s9;
	s0 =	simm.s32 @!p0 $0x0  }
0x12: {  	s1 =	sld [smem:$0x3F98];
	s0 =	simm.s32 @p0 $0x1  }
0x13: {  	[smem:$0x3FB3] =	sst s0;
	s0 =	simm.s32 @!p1 $0x0  }
0x14: {  	s2 =	sld [smem:$0x3F97];
	s0 =	simm.s32 @p1 $0x1  }
0x15: {  	[smem:$0x3FB4] =	sst s0;
	s0 =	simm.s32 @!p2 $0x0  }
0x16: {  	s3 =	sld [smem:$0x3FDB];
	s0 =	simm.s32 @p2 $0x1  }
0x17: {  	s4 =	simm.s32 $0x1BF5;
	[smem:$0x3FB6] =	sst s0  }
0x18: {  	s0 =	sld [smem:$0x3F99];
	_ =	swait.ge [sflag:s4], $0x0  }
0x19: {  	s7 =	sld [smem:$0x3F9A]  }
0x1a: {  	s8 =	sadd.s32 $0xFFFFE003, lr  }
0x1b: {  	s9 =	sadd.s32 $0xFFFFFEF7, lr;
	s5 =	simm.s32 $0xFFFFFFFF;
	p2 =	slt.u32 s8, $0xFFFFF086  }
0x1c: {  	p1 =	slt.u32 s9, $0xF7A;
	s5 =	simm.s32 @!p2 $0x0  }
0x1d: {  	s5 =	simm.s32 @p1 $0x1;
	p0 =	seq.s32 s7, s2  }
0x1e: {  	s7 =	smul.u32 @!p0 $0xF7A, s2;
	p2 =	seq.s32 @!p0 s5, $0x0  }
0x1f: {  	s9 =	smul.u32 $0xF7A, s1;
	s8 =	simm.s32 @!p0 $0x1BF5;
	p2 =	por !p2, p0  }
0x20: {  	[sflag:s8] =	ssyncset.s32 @!p0 $0xFFFFF086;
	s6 =	sadd.s32 @!p0 s3, s7;
	s7 =	simm.s32 @!p0 $0x108  }
0x21: {  	s3 =	sadd.s32 s3, s9;
	s6 =	sadd.s32 @!p0 $0x88, s6;
	s7 =	simm.s32 @p2 $0x1082  }
0x22: {  	[simem:s7], [sflag:s8] =	dma.local @!p0 [hbm:s6], $0xF7A  }
0x23: {  	s9 =	sor.u32 $0xD0000000, s2;
	s6 =	simm.s32 $0x108;
	_ =	swait.ge @!p0 [sflag:s8], $0x0  }
0x24: {  	s3 =	sadd.s32 $0x88, s3;
	s6 =	simm.s32 @!p1 $0x1082;
	[sflag:s4] =	ssyncset.s32 $0xFFFFF086  }
0x25: {  	[simem:s6], [sflag:s4] =	dma.local [hbm:s3], $0xF7A  }
0x26: {  	[smem:$0x3F9A] =	sst s1;
	(tag) =	ssettag s2;
	_ =	strace s9  }
0x27: {  	s1 =	sld [smem:$0x3FAA]  }
0x28: {  	s2 =	sld [smem:$0x3FAB]  }
0x29: {  	s4 =	sld [smem:$0x3FAD]  }
0x2a: {  	p0 =	seq.s32 s5, $0x0;
	s5 =	sld [smem:$0x3FAE]  }
0x2b: {  	s6 =	sld [smem:$0x3FAF]  }
0x2c: {  	s7 =	sld [smem:$0x3FB0]  }
0x2d: {  	s3 =	simm.s32 $0x108;
	s8 =	sld [smem:$0x3FB1]  }
0x2e: {  	s3 =	simm.s32 @!p0 $0x1082;
	s9 =	sld [smem:$0x3FB2]  }
0x2f: {  	lr =	sadd.s32 s0, s3;
	s0 =	sld [smem:$0x3FA9]  }
0x30: {  	s3 =	sld [smem:$0x3FAC]  }
0x31: {  	[smem:$0x3FB5] =	sst s10  }
0x32: {  	s10 =	sld [smem:$0x3FB3];
	_ =	sdelay $0x3  }
0x33: {  	p0 =	seq.s32 s10, $0x1;
	s10 =	sld [smem:$0x3FB5];
	_ =	sdelay $0x3  }
0x34: {  	[smem:$0x3FB5] =	sst s10  }
0x35: {  	s10 =	sld [smem:$0x3FB4];
	_ =	sdelay $0x3  }
0x36: {  	p1 =	seq.s32 s10, $0x1;
	s10 =	sld [smem:$0x3FB5];
	_ =	sdelay $0x3  }
0x37: {  	[smem:$0x3FB5] =	sst s10  }
0x38: {  	s10 =	sld [smem:$0x3FB6]  }
0x39: {  	_ = 	snop;
	(pc) =	sbr.ind lr, $3  }
0x3a: {  	_ = 	snop  }
0x3b: {  	_ = 	snop  }
0x3c: {  	p2 =	seq.s32 s10, $0x1;
	s10 =	sld [smem:$0x3FB5]  }
0x3d: {  	_ =	shalt  }
0x3e: {  	_ =	shalt  }
0x3f: {  	_ =	shalt  }
0x40: {  	_ =	shalt  }
0x41: {  	_ =	shalt  }
0x42: {  	_ =	shalt  }
0x43: {  	_ =	shalt  }
0x44: {  	_ =	shalt  }
0x45: {  	_ =	shalt  }
0x46: {  	_ =	shalt  }
0x47: {  	_ =	shalt  }
0x48: {  	_ =	shalt  }
0x49: {  	_ =	shalt  }
0x4a: {  	_ =	shalt  }
0x4b: {  	_ =	shalt  }
0x4c: {  	_ =	shalt  }
0x4d: {  	_ =	shalt  }
0x4e: {  	_ =	shalt  }
0x4f: {  	_ =	shalt  }
0x50: {  	_ =	shalt  }
0x51: {  	_ =	shalt  }
0x52: {  	_ =	shalt  }
0x53: {  	_ =	shalt  }
0x54: {  	_ =	shalt  }
0x55: {  	_ =	shalt  }
0x56: {  	_ =	shalt  }
0x57: {  	_ =	shalt  }
0x58: {  	_ =	shalt  }
0x59: {  	_ =	shalt  }
0x5a: {  	_ =	shalt  }
0x5b: {  	_ =	shalt  }
0x5c: {  	_ =	shalt  }
0x5d: {  	_ =	shalt  }
0x5e: {  	_ =	shalt  }
0x5f: {  	_ =	shalt  }
0x60: {  	_ =	shalt  }
0x61: {  	_ =	shalt  }
0x62: {  	_ =	shalt  }
0x63: {  	_ =	shalt  }
0x64: {  	_ =	shalt  }
0x65: {  	_ =	shalt  }
0x66: {  	_ =	shalt  }
0x67: {  	_ =	shalt  }
0x68: {  	_ =	shalt  }
0x69: {  	_ =	shalt  }
0x6a: {  	_ =	shalt  }
0x6b: {  	_ =	shalt  }
0x6c: {  	_ =	shalt  }
0x6d: {  	_ =	shalt  }
0x6e: {  	_ =	shalt  }
0x6f: {  	_ =	shalt  }
0x70: {  	_ =	shalt  }
0x71: {  	_ =	shalt  }
0x72: {  	_ =	shalt  }
0x73: {  	_ =	shalt  }
0x74: {  	_ =	shalt  }
0x75: {  	_ =	shalt  }
0x76: {  	_ =	shalt  }
0x77: {  	_ =	shalt  }
0x78: {  	_ =	shalt  }
0x79: {  	_ =	shalt  }
0x7a: {  	_ =	shalt  }
0x7b: {  	_ =	shalt  }
0x7c: {  	_ =	shalt  }
0x7d: {  	_ =	shalt  }
0x7e: {  	_ =	shalt  }
0x7f: {  	_ =	shalt  }
0x80: {  	_ =	shalt  }
0x81: {  	_ =	shalt  }
0x82: {  	_ =	shalt  }
0x83: {  	_ =	shalt  }
0x84: {  	_ =	shalt  }
0x85: {  	_ =	shalt  }
0x86: {  	_ =	shalt  }
0x87: {  	_ =	shalt  }
.Lfunc_end0:
.L_simem_size_0:
called_computation.2_lowered:
.L_overlay_start_0:
0x88: {  	s2 =	sld [smem:$0x3FD9]  }
0x89: {  	s3 =	sld [smem:$0x3FFE];
	_ =	sdelay $0x1  }
0x8a: {  	s1 =	srdreg.scid  }
0x8b: {  	s0 =	sand.u32 $0x1, s1  }
0x8c: {  	s16 =	sshll.u32 s0, $0xA;
	s2 =	sadd.s32 s3, s2  }
0x8d: {  	s2 =	sadd.s32 s2, s16  }
0x8e: {  	[smem:$0x3FC1] =	sst s2  }
0x8f: {  	_ = 	snop  }
0x90: {  	(tm) =	ssettm $0x1  }
0x91: {  	s17 =	sld [smem:$0x3FFB];
	_ =	sdelay $0x3  }
0x92: {  	_ =	strace s17  }
0x93: {  	s2 =	sld [smem:$0x3FFC];
	_ =	sdelay $0x3  }
0x94: {  	_ =	strace s2  }
0x95: {  	s2 =	sld [smem:$0x3FFD];
	_ =	sdelay $0x3  }
0x96: {  	_ =	strace s2  }
0x97: {  	_ =	strace $0x8FFFFFFF  }
0x98: {  	s18 =	sld [smem:$0x3FDB];
	_ =	sdelay $0x1  }
0x99: {  	s19 =	simm.s32 $_scs_section_size  }
0x9a: {  	s4 =	simm.s32 $_size__tile_overlayer_lowered;
	s5 =	simm.s32 $_tile_overlayer_lowered  }
0x9b: {  	s22 =	simm.s32 $0x1BFF;
	s21 =	sshll.u32 s5, $0x1;
	s2 =	sadd.s32 s19, s18  }
0x9c: {  	s6 =	simm.s32 $0x0;
	s20 =	sshll.u32 s4, $0x1;
	s4 =	sadd.s32 s21, s2  }
0x9d: {  	[timem:s6], [sflag:s22] =	dma.local [hbm:s4], s20  }
0x9e: {  	_ =	swait.ge [sflag:s22], s20  }
0x9f: {  	s3 =	ssub.s32 $0x0, s20;
	[sflag:s22] =	ssyncset.done $0x0  }
0xa0: {  	[sflag:s22] =	ssyncadd.s32 s3;
	_ =	sdelay $0x1  }
0xa1: {  	s23 =	simm.s32 $0x1B8B  }
0xa2: {  	_ =	swait.ge [sflag:s23], $0x1  }
0xa3: {  	[sflag:s23] =	ssyncset.done $0x0  }
0xa4: {  	s25 =	simm.s32 $0x1B8E;
	s24 =	sld [smem:$0x3FFE];
	[sflag:s23] =	ssyncadd.s32 $0xFFFFFFFF  }
0xa5: {  	s26 =	simm.s32 $execute0_lowered;
	[smem:$0x3FD2] =	sst s25  }
0xa6: {  	s4 =	sshll.u32 s26, $0x1;
	_ =	strace $0x8000004C;
	[dreg:$0x1] =	wrdreg $0xFFFFFFFF  }
0xa7: {  	s28 =	simm.s32 $_size_execute0_lowered;
	s2 =	sadd.s32 s2, s4;
	[dreg:$0x0] =	wrdreg $0x0  }
0xa8: {  	s4 =	sshll.u32 s28, $0x1;
	[dreg:$0x2] =	wrdreg s2  }
0xa9: {  	[dreg:$0x3] =	wrdreg s4  }
0xaa: {  	[dreg:$0x4] =	wrdreg $0xC0  }
0xab: {  	_ =	task [dreg:s6], $0x5FFFF  }
0xac: {  	[dreg:$0x1] =	wrdreg $0xFFFFFFFF  }
0xad: {  	[dreg:$0x0] =	wrdreg $0x60  }
0xae: {  	[dreg:$0x2] =	wrdreg s24  }
0xaf: {  	[dreg:$0x3] =	wrdreg $0x13880  }
0xb0: {  	[dreg:$0x4] =	wrdreg $0x0  }
0xb1: {  	[dreg:$0x5] =	wrdreg $0x9  }
0xb2: {  	_ =	task.clear_ibuf [dreg:s6], $0x6FFFF;
	_ =	strace $0x9000004C  }
0xb3: {  	s29 =	simm.s32 $0x9;
	_ =	strace $0x8000004E  }
0xb4: {  	_ =	swait.ge [sflag:s29], $0x1  }
0xb5: {  	[sflag:s29] =	ssyncadd.s32 $0xFFFFFFFF  }
0xb6: {  	_ =	strace $0x9000004E  }
0xb7: {  	_ =	sfence  }
0xb8: {  	s30 =	sld [smem:$0x0];
	_ =	sdelay $0x2  }
0xb9: {  	s31 =	sshll.u32 s1, $0xD;
	s1 =	sshrl.u32 s1, $0x2  }
0xba: {  	s3 =	sand.u32 $0x4000, s31;
	s1 =	sadd.s32 s1, s30  }
0xbb: {  	s0 =	sor.u32 s3, s0;
	s1 =	sshll.u32 s1, $0x11  }
0xbc: {  	s0 =	sor.u32 s1, s0  }
0xbd: {  	s0 =	sadd.s32 $0x8F2B, s0  }
0xbe: {  	[sflag:s0] =	ssyncadd.remote.s32 $0x1  }
0xbf: {  	_ =	sfence.sel $0xFFFF  }
0xc0: {  	[dreg:$0x0] =	wrdreg $0xFFFFFFFF;
	(pc) =	sbr.abs _section_cstart, $3  }
0xc1: {  	[dreg:$0x1] =	wrdreg $0xFFFFFFFF  }
0xc2: {  	_ =	task.clear_ibuf [dreg:s6], $0x2FFFF;
	_ =	strace $0x9FFFFFFF  }
0xc3: {  	(tm) =	ssettm $0x7FFFFFFF  }
tec
execute0_lowered:
.L_overlay_start_1:
0x0: {  	(tag) =	ssettag $0x1  }
0x1: {  	s6 =	rddreg [dreg:$0x0]  }
0x2: {  	s3 =	rddreg [dreg:$0x1]  }
0x3: {  	s2 =	rddreg [dreg:$0x2]  }
0x4: {  	s23 =	rddreg [dreg:$0x3];
	s24 =	stileid.u32  }
0x5: {  	s0 =	srdreg.scid;
	s7 =	smul.u32 $0x1380, s24  }
0x6: {  	s4 =	simm.s32 $0x0;
	s0 =	sand.u32 $0x1, s0;
	s9 =	smul.u32 $0x2710, s24  }
0x7: {  	[smem:$0x7FF] =	sst s4;
	s1 =	sadd.s32 $0x2800, s6;
	s10 =	smul.u32 $0x2700, s24  }
0x8: {  	s18 =	sadd.s32 $0x18690, s6;
	s31 =	sadd.s32 $0x3D300, s6;
	p0 =	seq.s32 s24, $0xF  }
0x9: {  	s5 =	smul.u32 $0x27100, s0;
	_ =	strace $0x8000004D;
	s11 =	sadd.s32 s0, s6  }
0xa: {  	[dreg:$0x5] =	wrdreg s18;
	p1 =	sne.s32 @p0 s0, $0x0;
	p5 =	sne.s32 @!p0 s0, $0x0  }
0xb: {  	s8 =	sshrl.u32 s7, $0x3;
	s22 =	sadd.s32 s10, s11;
	s29 =	sadd.s32 s10, s6  }
0xc: {  	s10 =	sadd.s32 $0x64500, s11;
	s11 =	ssub.s32 $0x2, s0;
	p4 =	por !p1, !p0  }
0xd: {  	p3 =	por p1, !p0;
	p2 =	por !p5, p0;
	p1 =	por p5, p0  }
0xe: {  	p5 =	por $0x0, $0x0;
	s8 =	sadd.s32 s8, s6;
	s5 =	sadd.s32 s9, s5  }
0xf: {  	s25 =	sadd.s32 $0x3FC00, s22;
	[dreg:$0xa] =	wrdreg s10;
	s14 =	sshrl.u32 s11, $0x1  }
0x10: {  	s22 =	sadd.s32 $0x18A00, s29;
	s8 =	sadd.s32 $0x16200, s8;
	s9 =	sshrl.u32 s5, $0x3  }
0x11: {  	s19 =	sadd.s32 $0x3E8, s5;
	s12 =	sadd.s32 $0x4E5E8, s5;
	[dreg:$0x9] =	wrdreg s25  }
0x12: {  	s15 =	sadd.s32 $0xBB8, s5;
	s10 =	ssub.s32 s11, s14;
	s25 =	sadd.s32 $0x4F588, s5  }
0x13: {  	s11 =	sadd.s32 s7, s2;
	s14 =	sadd.s32 $0x1B58, s5;
	[dreg:$0x4] =	wrdreg s8  }
0x14: {  	s26 =	sadd.s32 s1, s9;
	s8 =	sshrl.u32 s19, $0x3;
	s20 =	sshrl.u32 s12, $0x3  }
0x15: {  	s12 =	sadd.s32 s7, s3;
	s29 =	sshrl.u32 s25, $0x3;
	s6 =	sshrl.u32 s14, $0x3  }
0x16: {  	s25 =	sadd.s32 $0x2328, s5;
	s14 =	simm.s32 $0x2710;
	s9 =	sadd.s32 $0x9C40, s26  }
0x17: {  	s7 =	simm.s32 $0x2EE0;
	s8 =	sadd.s32 s1, s8;
	[dreg:$0x6] =	wrdreg s9  }
0x18: {  	s28 =	sshrl.u32 @!p1 s11, $0x3;
	s21 =	sadd.s32 s1, s20;
	[dreg:$0x7] =	wrdreg s8  }
0x19: {  	s13 =	sadd.s32 $0xFA, s26;
	s16 =	sadd.s32 $0x9D3A, s26;
	[dreg:$0x8] =	wrdreg s21  }
0x1a: {  	s19 =	sadd.s32 $0x1F4, s26;
	s20 =	sadd.s32 $0x1388, s5;
	[dreg:$0xb] =	wrdreg s13  }
0x1b: {  	s6 =	sadd.s32 s1, s6;
	s0 =	sshrl.u32 @!p0 s12, $0x3;
	[dreg:$0xc] =	wrdreg s16  }
0x1c: {  	s12 =	simm.s32 $0x36B0;
	s8 =	sshrl.u32 s15, $0x3;
	[dreg:$0xf] =	wrdreg s19  }
0x1d: {  	s13 =	sadd.s32 $0x4EDB8, s5;
	s21 =	sadd.s32 $0x9E34, s26;
	[dreg:$0x15] =	wrdreg s6  }
0x1e: {  	s9 =	sadd.s32 s1, s29;
	s15 =	sadd.s32 $0x9F2E, s26;
	[dreg:$0x1b] =	wrdreg s0  }
0x1f: {  	s16 =	sadd.s32 $0x4FD58, s5;
	s29 =	sadd.s32 $0xA028, s26;
	[dreg:$0x10] =	wrdreg s21  }
0x20: {  	s6 =	sshrl.u32 s25, $0x3;
	s5 =	sadd.s32 $0x50528, s5;
	[dreg:$0x12] =	wrdreg s9  }
0x21: {  	s25 =	sshll.u32 @!p0 s24, $0x6;
	s8 =	sadd.s32 s1, s8;
	[dreg:$0x14] =	wrdreg s15  }
0x22: {  	s17 =	sshrl.u32 s13, $0x3;
	s13 =	sadd.s32 $0x2EE, s26;
	[dreg:$0x18] =	wrdreg s29  }
0x23: {  	s6 =	sadd.s32 s1, s6;
	s5 =	sshrl.u32 s5, $0x3;
	s9 =	simm.s32 $0x2  }
0x24: {  	[dreg:$0xd] =	wrdreg s8;
	s18 =	sadd.s32 s1, s17;
	s8 =	sshrl.u32 s20, $0x3  }
0x25: {  	[dreg:$0x13] =	wrdreg s13;
	s17 =	sshrl.u32 s16, $0x3;
	s13 =	sadd.s32 $0x12480, s2  }
0x26: {  	s20 =	sadd.s32 $0x3E8, s26;
	[dreg:$0x19] =	wrdreg s6;
	s6 =	simm.s32 $0x3E8  }
0x27: {  	s16 =	simm.s32 $0x6590;
	[dreg:$0xe] =	wrdreg s18;
	s8 =	sadd.s32 s1, s8  }
0x28: {  	s18 =	smul.u32 $0x4E00, s24;
	s19 =	sadd.s32 s1, s17;
	[dreg:$0x17] =	wrdreg s20  }
0x29: {  	s1 =	sadd.s32 s1, s5;
	s5 =	simm.s32 $0x3A98;
	[dreg:$0x11] =	wrdreg s8  }
0x2a: {  	s20 =	simm.s32 $0x4650;
	s8 =	sadd.s32 $0x12480, s3;
	[dreg:$0x1a] =	wrdreg s1  }
0x2b: {  	s21 =	sshrl.u32 s18, $0x2;
	s1 =	sshrl.u32 @p0 s8, $0x3;
	s18 =	smax.u32 s10, $0x1  }
0x2c: {  	s17 =	simm.s32 $0x32C8;
	[dreg:$0x1c] =	wrdreg s1;
	s1 =	sadd.s32 $0xFFFFFFFF, s18  }
0x2d: {  	s30 =	sshrl.u32 @!p3 s13, $0x3;
	[dreg:$0x16] =	wrdreg s19;
	p6 =	sne.s32 s1, $0x0  }
.Ltmp0:
0x2e: {  	s19 =	simm.s32 $0x3E80;
	s15 =	sadd.s32 s21, s2;
	(pc) =	sbr.rel @!p6 .LBB2_5-.Ltmp0, $4  }
0x2f: {  	s8 =	simm.s32 $0x2AF8;
	s10 =	simm.s32 $0x1;
	s0 =	sshrl.u32 @!p0 s15, $0x3  }
0x30: {  	s21 =	sshrl.u32 @!p2 s11, $0x3;
	[dreg:$0x1d] =	wrdreg s0;
	s0 =	sshrl.u32 @!p4 s13, $0x3  }
0x31: {  	s18 =	simm.s32 $0x4268;
	[dreg:$0x1f] =	wrdreg s0;
	s0 =	sshrl.u32 @p0 s13, $0x3  }
0x32: {  	s15 =	simm.s32 $0x84D0;
	s13 =	simm.s32 $0x3;
	[dreg:$0x1e] =	wrdreg s0  }
0x33: {  	[smem:$0x7FD] =	sst s1  }
0x34: {  	s1 =	rddreg [dreg:$0x1c]  }
0x35: {  	s11 =	smov.u32 s30;
	s30 =	simm.s32 @p0 $0x4;
	s18 =	simm.s32 @p0 $0x1FC4  }
0x36: {  	s29 =	smov.u32 s31;
	s0 =	simm.s32 @p0 $0x1;
	s17 =	simm.s32 @p0 $0x10  }
0x37: {  	[spmem:s1@s0], [sflag:s18] =	dma.strided @p0 [hbm:s29@s17], $0x280, s0, $0x1   }
0x38: {  	_ =	swait.ge @p0 [sflag:s30], $0x280  }
0x39: {  	s24 =	rddreg [dreg:$0x5];
	[sflag:s30] =	ssyncset.done @p0 $0x0  }
0x3a: {  	s17 =	simm.s32 @!p4 $0x4;
	s1 =	rddreg [dreg:$0x1f];
	[sflag:s30] =	ssyncadd.s32 @p0 $0xFFFFFD80  }
0x3b: {  	[spmem:s1], [sflag:s18] =	dma.local @!p4 [hbm:s24], $0x280  }
0x3c: {  	s1 =	simm.s32 @!p3 $0x10;
	_ =	swait.ge @!p4 [sflag:s17], $0x280  }
0x3d: {  	s24 =	simm.s32 @!p3 $0x4;
	[sflag:s17] =	ssyncset.done @!p4 $0x0;
	[smem:$0x7F9] =	sst s11  }
0x3e: {  	[smem:$0x7FA] =	sst s29;
	[sflag:s17] =	ssyncadd.s32 @!p4 $0xFFFFFD80;
	s17 =	simm.s32 @!p3 $0x1  }
0x3f: {  	[spmem:s11@s17], [sflag:s18] =	dma.strided @!p3 [hbm:s29@s1], $0x280, s17, $0x1   }
0x40: {  	s11 =	simm.s32 @!p0 $0x4;
	s17 =	simm.s32 @!p0 $0x1;
	_ =	swait.ge @!p3 [sflag:s24], $0x280  }
0x41: {  	s29 =	simm.s32 @!p0 $0x10;
	[sflag:s24] =	ssyncset.done @!p3 $0x0;
	s1 =	rddreg [dreg:$0x1b]  }
0x42: {  	[smem:$0x7FB] =	sst s25;
	[sflag:s24] =	ssyncadd.s32 @!p3 $0xFFFFFD80;
	s24 =	sor.u32 @!p0 $0x1C04, s25  }
0x43: {  	[spmem:s1@s17], [sflag:s24] =	dma.strided @!p0 [hbm:s22@s29], $0x270, s17, $0x1   }
0x44: {  	_ =	swait.ge @!p0 [sflag:s11], $0x270  }
0x45: {  	s1 =	rddreg [dreg:$0x4];
	[sflag:s11] =	ssyncset.done @!p0 $0x0  }
0x46: {  	s25 =	simm.s32 @!p2 $0x4;
	[smem:$0x7FC] =	sst s21;
	[sflag:s11] =	ssyncadd.s32 @!p0 $0xFFFFFD90  }
0x47: {  	[spmem:s21], [sflag:s24] =	dma.local @!p2 [hbm:s1], $0x270  }
0x48: {  	_ =	swait.ge @!p2 [sflag:s25], $0x270  }
0x49: {  	s0 =	simm.s32 @!p1 $0x4;
	[sflag:s25] =	ssyncset.done @!p2 $0x0  }
0x4a: {  	s1 =	simm.s32 @!p1 $0x10;
	s21 =	simm.s32 @!p1 $0x1;
	[sflag:s25] =	ssyncadd.s32 @!p2 $0xFFFFFD90  }
0x4b: {  	[spmem:s28@s21], [sflag:s24] =	dma.strided @!p1 [hbm:s22@s1], $0x270, s21, $0x1   }
0x4c: {  	_ =	swait.ge @!p1 [sflag:s0], $0x270  }
0x4d: {  	[sflag:s0] =	ssyncset.done @!p1 $0x0  }
0x4e: {  	[sflag:s0] =	ssyncadd.s32 @!p1 $0xFFFFFD90  }
0x4f: {  	s15 =	simm.s32 $0x2710;
	[bflag:$0x0] =	sbarrier.arrive $0xFFFF  }
0x50: {  	[tilespmem:s15], [sflag:$0x1] =	stream.linear.gather [hbm4b:s26+s4], $0x3E8, $0x38;
	[tilespmem:$0xA410] =	vst v63  }
0x51: {  	s14 =	simm.s32 $0x36B0;
	s0 =	rddreg [dreg:$0x6]  }
0x52: {  	[tilespmem:s14], [sflag:$0x1] =	stream.linear.gather [hbm4b:s0+s4], $0x3E8, $0x38;
	[tilespmem:$0xA410] =	vst v63  }
0x53: {  	s12 =	simm.s32 $0x2AF8;
	s21 =	rddreg [dreg:$0x7]  }
0x54: {  	[tilespmem:s12], [sflag:$0x1] =	stream.linear.gather [hbm4b:s21+s4], $0x3E8, $0x38;
	[tilespmem:$0xA410] =	vst v63  }
0x55: {  	s8 =	simm.s32 $0x3A98;
	s25 =	rddreg [dreg:$0x8]  }
0x56: {  	[tilespmem:s8], [sflag:$0x1] =	stream.linear.gather [hbm4b:s25+s4], $0x3E8, $0x38;
	[tilespmem:$0xA410] =	vst v63  }
0x57: {  	_ =	swait.ge [sflag:s10], $0x3E8  }
0x58: {  	[sflag:s10] =	ssyncset.done $0x0  }
0x59: {  	[sflag:s10] =	ssyncadd.s32 $0xFFFFFC18  }
0x5a: {  	_ =	swait.ge [sflag:s10], $0x3E8  }
0x5b: {  	[sflag:s10] =	ssyncset.done $0x0  }
0x5c: {  	[sflag:s10] =	ssyncadd.s32 $0xFFFFFC18  }
0x5d: {  	[tilespmem:s20], [sflag:$0x2] =	stream.indirect.gather [spmem:s3], $0x8, s15, s6, $0xb8;
	[tilespmem:$0xA410] =	vst v63  }
0x5e: {  	s5 =	simm.s32 $0x2EE0;
	s21 =	rddreg [dreg:$0xb]  }
0x5f: {  	[tilespmem:s5], [sflag:$0x1] =	stream.linear.gather [hbm4b:s21+s4], $0x3E8, $0x38;
	[tilespmem:$0xA410] =	vst v63  }
0x60: {  	s7 =	simm.s32 $0x3E80;
	s25 =	rddreg [dreg:$0xc]  }
0x61: {  	[tilespmem:s7], [sflag:$0x1] =	stream.linear.gather [hbm4b:s25+s4], $0x3E8, $0x38;
	[tilespmem:$0xA410] =	vst v63  }
0x62: {  	_ =	swait.ge [sflag:s9], $0x1F40  }
0x63: {  	[sflag:s9] =	ssyncset.done $0x0  }
0x64: {  	[sflag:s9] =	ssyncadd.s32 $0xFFFFE0C0  }
0x65: {  	[spmem:s2] =	stream.indirect.scatter.add.f32 [tilespmem:s20], [sflag:$0x3], $0x8, s14, s6, $0xb8;
	[tilespmem:$0xA410] =	vst v63  }
0x66: {  	_ =	swait.ge [sflag:s10], $0x3E8  }
0x67: {  	[sflag:s10] =	ssyncset.done $0x0  }
0x68: {  	[sflag:s10] =	ssyncadd.s32 $0xFFFFFC18  }
0x69: {  	_ =	swait.ge [sflag:s10], $0x3E8  }
0x6a: {  	[sflag:s10] =	ssyncset.done $0x0  }
0x6b: {  	[sflag:s10] =	ssyncadd.s32 $0xFFFFFC18  }
0x6c: {  	[tilespmem:s16], [sflag:$0x2] =	stream.indirect.gather [spmem:s3], $0x8, s12, s6, $0xb8;
	[tilespmem:$0xA410] =	vst v63  }
0x6d: {  	s23 =	simm.s32 $0x32C8;
	s21 =	rddreg [dreg:$0xd]  }
0x6e: {  	[tilespmem:s23], [sflag:$0x1] =	stream.linear.gather [hbm4b:s21+s4], $0x3E8, $0x38;
	[tilespmem:$0xA410] =	vst v63  }
0x6f: {  	s19 =	simm.s32 $0x4268;
	s25 =	rddreg [dreg:$0xe]  }
0x70: {  	[tilespmem:s19], [sflag:$0x1] =	stream.linear.gather [hbm4b:s25+s4], $0x3E8, $0x38;
	[tilespmem:$0xA410] =	vst v63  }
0x71: {  	_ =	swait.ge [sflag:s9], $0x1F40  }
0x72: {  	[sflag:s9] =	ssyncset.done $0x0  }
0x73: {  	[sflag:s9] =	ssyncadd.s32 $0xFFFFE0C0  }
0x74: {  	[spmem:s2] =	stream.indirect.scatter.add.f32 [tilespmem:s16], [sflag:$0x3], $0x8, s8, s6, $0xb8;
	[tilespmem:$0xA410] =	vst v63  }
0x75: {  	_ =	swait.ge [sflag:s10], $0x3E8  }
0x76: {  	[sflag:s10] =	ssyncset.done $0x0  }
0x77: {  	[sflag:s10] =	ssyncadd.s32 $0xFFFFFC18  }
0x78: {  	_ =	swait.ge [sflag:s10], $0x3E8  }
0x79: {  	[sflag:s10] =	ssyncset.done $0x0  }
0x7a: {  	s31 =	simm.s32 $0x84D0;
	[sflag:s10] =	ssyncadd.s32 $0xFFFFFC18  }
0x7b: {  	[tilespmem:s31], [sflag:$0x2] =	stream.indirect.gather [spmem:s3], $0x8, s5, s6, $0xb8;
	[tilespmem:$0xA410] =	vst v63  }
0x7c: {  	_ =	swait.ge [sflag:s13], $0x1F40  }
0x7d: {  	[sflag:s13] =	ssyncset.done $0x0  }
0x7e: {  	s1 =	rddreg [dreg:$0xf];
	[sflag:s13] =	ssyncadd.s32 $0xFFFFE0C0  }
0x7f: {  	[tilespmem:s15], [sflag:$0x1] =	stream.linear.gather [hbm4b:s1+s4], $0x3E8, $0x38;
	[tilespmem:$0xA410] =	vst v63  }
0x80: {  	s21 =	rddreg [dreg:$0x10]  }
0x81: {  	[tilespmem:s14], [sflag:$0x1] =	stream.linear.gather [hbm4b:s21+s4], $0x3E8, $0x38;
	[tilespmem:$0xA410] =	vst v63  }
0x82: {  	_ =	swait.ge [sflag:s9], $0x1F40  }
0x83: {  	[sflag:s9] =	ssyncset.done $0x0  }
0x84: {  	[sflag:s9] =	ssyncadd.s32 $0xFFFFE0C0  }
0x85: {  	[spmem:s2] =	stream.indirect.scatter.add.f32 [tilespmem:s31], [sflag:$0x3], $0x8, s7, s6, $0xb8;
	[tilespmem:$0xA410] =	vst v63  }
0x86: {  	_ =	swait.ge [sflag:s10], $0x3E8  }
0x87: {  	[sflag:s10] =	ssyncset.done $0x0  }
0x88: {  	[sflag:s10] =	ssyncadd.s32 $0xFFFFFC18  }
0x89: {  	_ =	swait.ge [sflag:s10], $0x3E8  }
0x8a: {  	[sflag:s10] =	ssyncset.done $0x0  }
0x8b: {  	[sflag:s10] =	ssyncadd.s32 $0xFFFFFC18  }
0x8c: {  	[tilespmem:s20], [sflag:$0x2] =	stream.indirect.gather [spmem:s3], $0x8, s23, s6, $0xb8;
	[tilespmem:$0xA410] =	vst v63  }
0x8d: {  	_ =	swait.ge [sflag:s13], $0x1F40  }
0x8e: {  	[sflag:s13] =	ssyncset.done $0x0  }
0x8f: {  	s25 =	rddreg [dreg:$0x11];
	[sflag:s13] =	ssyncadd.s32 $0xFFFFE0C0  }
0x90: {  	[tilespmem:s12], [sflag:$0x1] =	stream.linear.gather [hbm4b:s25+s4], $0x3E8, $0x38;
	[tilespmem:$0xA410] =	vst v63  }
0x91: {  	s31 =	rddreg [dreg:$0x12]  }
0x92: {  	[tilespmem:s8], [sflag:$0x1] =	stream.linear.gather [hbm4b:s31+s4], $0x3E8, $0x38;
	[tilespmem:$0xA410] =	vst v63  }
0x93: {  	_ =	swait.ge [sflag:s9], $0x1F40  }
0x94: {  	[sflag:s9] =	ssyncset.done $0x0  }
0x95: {  	[sflag:s9] =	ssyncadd.s32 $0xFFFFE0C0  }
0x96: {  	[spmem:s2] =	stream.indirect.scatter.add.f32 [tilespmem:s20], [sflag:$0x3], $0x8, s19, s6, $0xb8;
	[tilespmem:$0xA410] =	vst v63  }
0x97: {  	_ =	swait.ge [sflag:s10], $0x3E8  }
0x98: {  	[sflag:s10] =	ssyncset.done $0x0  }
0x99: {  	[sflag:s10] =	ssyncadd.s32 $0xFFFFFC18  }
0x9a: {  	_ =	swait.ge [sflag:s10], $0x3E8  }
0x9b: {  	[sflag:s10] =	ssyncset.done $0x0  }
0x9c: {  	[sflag:s10] =	ssyncadd.s32 $0xFFFFFC18  }
0x9d: {  	[tilespmem:s16], [sflag:$0x2] =	stream.indirect.gather [spmem:s3], $0x8, s15, s6, $0xb8;
	[tilespmem:$0xA410] =	vst v63  }
0x9e: {  	_ =	swait.ge [sflag:s13], $0x1F40  }
0x9f: {  	[sflag:s13] =	ssyncset.done $0x0  }
0xa0: {  	s1 =	rddreg [dreg:$0x13];
	[sflag:s13] =	ssyncadd.s32 $0xFFFFE0C0  }
0xa1: {  	[tilespmem:s5], [sflag:$0x1] =	stream.linear.gather [hbm4b:s1+s4], $0x3E8, $0x38;
	[tilespmem:$0xA410] =	vst v63  }
0xa2: {  	s21 =	rddreg [dreg:$0x14]  }
0xa3: {  	[tilespmem:s7], [sflag:$0x1] =	stream.linear.gather [hbm4b:s21+s4], $0x3E8, $0x38;
	[tilespmem:$0xA410] =	vst v63  }
0xa4: {  	_ =	swait.ge [sflag:s9], $0x1F40  }
0xa5: {  	[sflag:s9] =	ssyncset.done $0x0  }
0xa6: {  	[sflag:s9] =	ssyncadd.s32 $0xFFFFE0C0  }
0xa7: {  	[spmem:s2] =	stream.indirect.scatter.add.f32 [tilespmem:s16], [sflag:$0x3], $0x8, s14, s6, $0xb8;
	[tilespmem:$0xA410] =	vst v63  }
0xa8: {  	_ =	swait.ge [sflag:s10], $0x3E8  }
0xa9: {  	[sflag:s10] =	ssyncset.done $0x0  }
0xaa: {  	[sflag:s10] =	ssyncadd.s32 $0xFFFFFC18  }
0xab: {  	_ =	swait.ge [sflag:s10], $0x3E8  }
0xac: {  	[sflag:s10] =	ssyncset.done $0x0  }
0xad: {  	s15 =	simm.s32 $0x84D0;
	[sflag:s10] =	ssyncadd.s32 $0xFFFFFC18  }
0xae: {  	[tilespmem:s15], [sflag:$0x2] =	stream.indirect.gather [spmem:s3], $0x8, s12, s6, $0xb8;
	[tilespmem:$0xA410] =	vst v63  }
0xaf: {  	_ =	swait.ge [sflag:s13], $0x1F40  }
0xb0: {  	[sflag:s13] =	ssyncset.done $0x0  }
0xb1: {  	s25 =	rddreg [dreg:$0x15];
	[sflag:s13] =	ssyncadd.s32 $0xFFFFE0C0  }
0xb2: {  	[tilespmem:s23], [sflag:$0x1] =	stream.linear.gather [hbm4b:s25+s4], $0x3E8, $0x38;
	[tilespmem:$0xA410] =	vst v63  }
0xb3: {  	s31 =	rddreg [dreg:$0x16]  }
0xb4: {  	[tilespmem:s19], [sflag:$0x1] =	stream.linear.gather [hbm4b:s31+s4], $0x3E8, $0x38;
	[tilespmem:$0xA410] =	vst v63  }
0xb5: {  	_ =	swait.ge [sflag:s9], $0x1F40  }
0xb6: {  	[sflag:s9] =	ssyncset.done $0x0  }
0xb7: {  	[sflag:s9] =	ssyncadd.s32 $0xFFFFE0C0  }
0xb8: {  	[spmem:s2] =	stream.indirect.scatter.add.f32 [tilespmem:s15], [sflag:$0x3], $0x8, s8, s6, $0xb8;
	[tilespmem:$0xA410] =	vst v63  }
0xb9: {  	_ =	swait.ge [sflag:s10], $0x3E8  }
0xba: {  	[sflag:s10] =	ssyncset.done $0x0  }
0xbb: {  	[sflag:s10] =	ssyncadd.s32 $0xFFFFFC18  }
0xbc: {  	_ =	swait.ge [sflag:s10], $0x3E8  }
0xbd: {  	[sflag:s10] =	ssyncset.done $0x0  }
0xbe: {  	[sflag:s10] =	ssyncadd.s32 $0xFFFFFC18  }
0xbf: {  	[tilespmem:s20], [sflag:$0x2] =	stream.indirect.gather [spmem:s3], $0x8, s5, s6, $0xb8;
	[tilespmem:$0xA410] =	vst v63  }
0xc0: {  	_ =	swait.ge [sflag:s13], $0x1F40  }
0xc1: {  	[sflag:s13] =	ssyncset.done $0x0  }
0xc2: {  	s14 =	simm.s32 $0x2710;
	s1 =	rddreg [dreg:$0x17];
	[sflag:s13] =	ssyncadd.s32 $0xFFFFE0C0  }
0xc3: {  	[tilespmem:s14], [sflag:$0x1] =	stream.linear.gather [hbm4b:s1+s4], $0x3E8, $0x38;
	[tilespmem:$0xA410] =	vst v63  }
0xc4: {  	s12 =	simm.s32 $0x36B0;
	s21 =	rddreg [dreg:$0x18]  }
0xc5: {  	[tilespmem:s12], [sflag:$0x1] =	stream.linear.gather [hbm4b:s21+s4], $0x3E8, $0x38;
	[tilespmem:$0xA410] =	vst v63  }
0xc6: {  	_ =	swait.ge [sflag:s9], $0x1F40  }
0xc7: {  	[sflag:s9] =	ssyncset.done $0x0  }
0xc8: {  	[sflag:s9] =	ssyncadd.s32 $0xFFFFE0C0  }
0xc9: {  	[spmem:s2] =	stream.indirect.scatter.add.f32 [tilespmem:s20], [sflag:$0x3], $0x8, s7, s6, $0xb8;
	[tilespmem:$0xA410] =	vst v63  }
0xca: {  	_ =	swait.ge [sflag:s10], $0x3E8  }
0xcb: {  	[sflag:s10] =	ssyncset.done $0x0  }
0xcc: {  	[sflag:s10] =	ssyncadd.s32 $0xFFFFFC18  }
0xcd: {  	_ =	swait.ge [sflag:s10], $0x3E8  }
0xce: {  	[sflag:s10] =	ssyncset.done $0x0  }
0xcf: {  	[sflag:s10] =	ssyncadd.s32 $0xFFFFFC18  }
0xd0: {  	[tilespmem:s16], [sflag:$0x2] =	stream.indirect.gather [spmem:s3], $0x8, s23, s6, $0xb8;
	[tilespmem:$0xA410] =	vst v63  }
0xd1: {  	_ =	swait.ge [sflag:s13], $0x1F40  }
0xd2: {  	[sflag:s13] =	ssyncset.done $0x0  }
0xd3: {  	s8 =	simm.s32 $0x2AF8;
	s25 =	rddreg [dreg:$0x19];
	[sflag:s13] =	ssyncadd.s32 $0xFFFFE0C0  }
0xd4: {  	[tilespmem:s8], [sflag:$0x1] =	stream.linear.gather [hbm4b:s25+s4], $0x3E8, $0x38;
	[tilespmem:$0xA410] =	vst v63  }
0xd5: {  	s5 =	simm.s32 $0x3A98;
	s31 =	rddreg [dreg:$0x1a]  }
0xd6: {  	[tilespmem:s5], [sflag:$0x1] =	stream.linear.gather [hbm4b:s31+s4], $0x3E8, $0x38;
	[tilespmem:$0xA410] =	vst v63  }
0xd7: {  	_ =	swait.ge [sflag:s9], $0x1F40  }
0xd8: {  	[sflag:s9] =	ssyncset.done $0x0  }
0xd9: {  	[sflag:s9] =	ssyncadd.s32 $0xFFFFE0C0  }
0xda: {  	[spmem:s2] =	stream.indirect.scatter.add.f32 [tilespmem:s16], [sflag:$0x3], $0x8, s19, s6, $0xb8;
	[tilespmem:$0xA410] =	vst v63  }
0xdb: {  	_ =	swait.ge [sflag:s10], $0x3E8  }
0xdc: {  	[sflag:s10] =	ssyncset.done $0x0  }
0xdd: {  	[sflag:s10] =	ssyncadd.s32 $0xFFFFFC18  }
0xde: {  	_ =	swait.ge [sflag:s10], $0x3E8  }
0xdf: {  	[sflag:s10] =	ssyncset.done $0x0  }
0xe0: {  	[sflag:s10] =	ssyncadd.s32 $0xFFFFFC18  }
0xe1: {  	[tilespmem:s15], [sflag:$0x2] =	stream.indirect.gather [spmem:s3], $0x8, s14, s6, $0xb8;
	[tilespmem:$0xA410] =	vst v63  }
0xe2: {  	_ =	swait.ge [sflag:s13], $0x1F40  }
0xe3: {  	[sflag:s13] =	ssyncset.done $0x0  }
0xe4: {  	[sflag:s13] =	ssyncadd.s32 $0xFFFFE0C0  }
0xe5: {  	_ =	swait.ge [sflag:s9], $0x1F40  }
0xe6: {  	[sflag:s9] =	ssyncset.done $0x0  }
0xe7: {  	[sflag:s9] =	ssyncadd.s32 $0xFFFFE0C0  }
0xe8: {  	[spmem:s2] =	stream.indirect.scatter.add.f32 [tilespmem:s15], [sflag:$0x3], $0x8, s12, s6, $0xb8;
	[tilespmem:$0xA410] =	vst v63  }
0xe9: {  	_ =	swait.ge [sflag:s10], $0x3E8  }
0xea: {  	[sflag:s10] =	ssyncset.done $0x0  }
0xeb: {  	[sflag:s10] =	ssyncadd.s32 $0xFFFFFC18  }
0xec: {  	_ =	swait.ge [sflag:s10], $0x3E8  }
0xed: {  	[sflag:s10] =	ssyncset.done $0x0  }
0xee: {  	[sflag:s10] =	ssyncadd.s32 $0xFFFFFC18  }
0xef: {  	[tilespmem:s20], [sflag:$0x2] =	stream.indirect.gather [spmem:s3], $0x8, s8, s6, $0xb8;
	[tilespmem:$0xA410] =	vst v63  }
0xf0: {  	_ =	swait.ge [sflag:s13], $0x1F40  }
0xf1: {  	[sflag:s13] =	ssyncset.done $0x0  }
0xf2: {  	[sflag:s13] =	ssyncadd.s32 $0xFFFFE0C0  }
0xf3: {  	_ =	swait.ge [sflag:s9], $0x1F40  }
0xf4: {  	[sflag:s9] =	ssyncset.done $0x0  }
0xf5: {  	[sflag:s9] =	ssyncadd.s32 $0xFFFFE0C0  }
0xf6: {  	[spmem:s2] =	stream.indirect.scatter.add.f32 [tilespmem:s20], [sflag:$0x3], $0x8, s5, s6, $0xb8;
	[tilespmem:$0xA410] =	vst v63  }
0xf7: {  	_ =	swait.ge [sflag:s13], $0x1F40  }
0xf8: {  	[sflag:s13] =	ssyncset.done $0x0  }
0xf9: {  	[sflag:s13] =	ssyncadd.s32 $0xFFFFE0C0  }
0xfa: {  	_ =	swait.ge [sflag:s13], $0x1F40  }
0xfb: {  	[sflag:s13] =	ssyncset.done $0x0  }
0xfc: {  	[sflag:s13] =	ssyncadd.s32 $0xFFFFE0C0  }
0xfd: {  	[bflag:$0x0] =	sbarrier.arrive $0xFFFF  }
0xfe: {  	s1 =	rddreg [dreg:$0xa]  }
0xff: {  	s0 =	simm.s32 @p0 $0x1;
	s7 =	simm.s32 @p0 $0x10;
	s25 =	rddreg [dreg:$0x1e]  }
0x100: {  	[hbm:s1@s7], [sflag:s18] =	dma.strided @p0 [spmem:s25@s0], $0x280, s0, $0x1   }
0x101: {  	_ =	swait.ge @p0 [sflag:s30], $0x280  }
0x102: {  	s0 =	rddreg [dreg:$0x9];
	[sflag:s30] =	ssyncset.done @p0 $0x0  }
0x103: {  	s1 =	rddreg [dreg:$0x1d];
	[sflag:s30] =	ssyncadd.s32 @p0 $0xFFFFFD80  }
0x104: {  	[hbm:s0@s29], [sflag:s24] =	dma.strided @!p0 [spmem:s1@s17], $0x270, s17, $0x1   }
0x105: {  	s0 =	sld [smem:$0x7FD];
	_ =	sdelay $0x2  }
0x106: {  	s1 =	sadd.s32 $0xFFFFFFFF, s0  }
0x107: {  	p6 =	sne.s32 s1, $0x0  }
.Ltmp1:
0x108: {  	_ = 	snop;
	(pc) =	sbr.rel @!p6 .LBB2_6-.Ltmp1, $2  }
0x109: {  	_ =	sdelay $0x2  }
0x10a: {  	p5 =	por $0x1, $0x1;
	s7 =	simm.s32 $0x6590;
	_ =	swait.ge @!p0 [sflag:s11], $0x270  }
0x10b: {  	s16 =	simm.s32 $0x84D0;
	s29 =	simm.s32 $0x4268  }
.LBB2_3:
0x10c: {  	s0 =	sld [smem:$0x7FA]  }
0x10d: {  	s25 =	rddreg [dreg:$0x1c];
	[sflag:s11] =	ssyncset.done @!p0 $0x0;
	s17 =	simm.s32 @p0 $0x1  }
0x10e: {  	s15 =	simm.s32 @p0 $0x10;
	s18 =	simm.s32 @p0 $0x1FC4;
	[sflag:s11] =	ssyncadd.s32 @!p0 $0xFFFFFD90  }
0x10f: {  	[spmem:s25@s17], [sflag:s18] =	dma.strided @p0 [hbm:s0@s15], $0x280, s17, $0x1   }
0x110: {  	_ =	swait.ge @p0 [sflag:s30], $0x280  }
0x111: {  	[sflag:s30] =	ssyncset.done @p0 $0x0;
	s25 =	rddreg [dreg:$0x5]  }
0x112: {  	s21 =	rddreg [dreg:$0x1f];
	[sflag:s30] =	ssyncadd.s32 @p0 $0xFFFFFD80  }
0x113: {  	[spmem:s21], [sflag:s18] =	dma.local @!p4 [hbm:s25], $0x280  }
0x114: {  	s21 =	simm.s32 @!p4 $0x4  }
0x115: {  	_ =	swait.ge @!p4 [sflag:s21], $0x280  }
0x116: {  	[sflag:s21] =	ssyncset.done @!p4 $0x0  }
0x117: {  	[sflag:s21] =	ssyncadd.s32 @!p4 $0xFFFFFD80;
	s21 =	sld [smem:$0x7F9];
	_ =	sdelay $0x1  }
0x118: {  	s23 =	smov.u32 s22;
	s22 =	simm.s32 @!p3 $0x1;
	s25 =	simm.s32 @!p3 $0x10  }
0x119: {  	[spmem:s21@s22], [sflag:s18] =	dma.strided @!p3 [hbm:s0@s25], $0x280, s22, $0x1   }
0x11a: {  	s21 =	simm.s32 @!p3 $0x4  }
0x11b: {  	_ =	swait.ge @!p3 [sflag:s21], $0x280  }
0x11c: {  	s19 =	simm.s32 @!p0 $0x1;
	[sflag:s21] =	ssyncset.done @!p3 $0x0  }
0x11d: {  	s31 =	simm.s32 @!p0 $0x10;
	s25 =	rddreg [dreg:$0x1b];
	[sflag:s21] =	ssyncadd.s32 @!p3 $0xFFFFFD80  }
0x11e: {  	[spmem:s25@s19], [sflag:s24] =	dma.strided @!p0 [hbm:s23@s31], $0x270, s19, $0x1   }
0x11f: {  	_ =	swait.ge @!p0 [sflag:s11], $0x270  }
0x120: {  	s0 =	sld [smem:$0x7FC]  }
0x121: {  	[sflag:s11] =	ssyncset.done @!p0 $0x0  }
0x122: {  	s25 =	rddreg [dreg:$0x4];
	[sflag:s11] =	ssyncadd.s32 @!p0 $0xFFFFFD90  }
0x123: {  	[spmem:s0], [sflag:s24] =	dma.local @!p2 [hbm:s25], $0x270  }
0x124: {  	s0 =	simm.s32 @!p2 $0x4  }
0x125: {  	_ =	swait.ge @!p2 [sflag:s0], $0x270  }
0x126: {  	[sflag:s0] =	ssyncset.done @!p2 $0x0  }
0x127: {  	s15 =	simm.s32 @!p1 $0x1;
	[sflag:s0] =	ssyncadd.s32 @!p2 $0xFFFFFD90;
	s0 =	simm.s32 @!p1 $0x10  }
0x128: {  	[spmem:s28@s15], [sflag:s24] =	dma.strided @!p1 [hbm:s23@s0], $0x270, s15, $0x1   }
0x129: {  	s0 =	simm.s32 @!p1 $0x4  }
0x12a: {  	_ =	swait.ge @!p1 [sflag:s0], $0x270  }
0x12b: {  	[sflag:s0] =	ssyncset.done @!p1 $0x0  }
0x12c: {  	[sflag:s0] =	ssyncadd.s32 @!p1 $0xFFFFFD90  }
0x12d: {  	[bflag:$0x0] =	sbarrier.arrive $0xFFFF  }
0x12e: {  	[tilespmem:s14], [sflag:$0x1] =	stream.linear.gather [hbm4b:s26+s4], $0x3E8, $0x38;
	[tilespmem:$0xA410] =	vst v63  }
0x12f: {  	s0 =	rddreg [dreg:$0x6]  }
0x130: {  	[tilespmem:s12], [sflag:$0x1] =	stream.linear.gather [hbm4b:s0+s4], $0x3E8, $0x38;
	[tilespmem:$0xA410] =	vst v63  }
0x131: {  	s15 =	rddreg [dreg:$0x7]  }
0x132: {  	[tilespmem:s8], [sflag:$0x1] =	stream.linear.gather [hbm4b:s15+s4], $0x3E8, $0x38;
	[tilespmem:$0xA410] =	vst v63  }
0x133: {  	s22 =	smov.u32 s23;
	s23 =	rddreg [dreg:$0x8]  }
0x134: {  	[tilespmem:s5], [sflag:$0x1] =	stream.linear.gather [hbm4b:s23+s4], $0x3E8, $0x38;
	[tilespmem:$0xA410] =	vst v63  }
0x135: {  	_ =	swait.ge [sflag:s10], $0x3E8  }
0x136: {  	[sflag:s10] =	ssyncset.done $0x0  }
0x137: {  	[sflag:s10] =	ssyncadd.s32 $0xFFFFFC18  }
0x138: {  	_ =	swait.ge [sflag:s10], $0x3E8  }
0x139: {  	[sflag:s10] =	ssyncset.done $0x0  }
0x13a: {  	[sflag:s10] =	ssyncadd.s32 $0xFFFFFC18  }
0x13b: {  	[tilespmem:s20], [sflag:$0x2] =	stream.indirect.gather [spmem:s3], $0x8, s14, s6, $0xb8;
	[tilespmem:$0xA410] =	vst v63  }
0x13c: {  	s5 =	simm.s32 $0x2EE0;
	s0 =	rddreg [dreg:$0xb]  }
0x13d: {  	[tilespmem:s5], [sflag:$0x1] =	stream.linear.gather [hbm4b:s0+s4], $0x3E8, $0x38;
	[tilespmem:$0xA410] =	vst v63  }
0x13e: {  	s23 =	rddreg [dreg:$0xc];
	s0 =	simm.s32 $0x3E80  }
0x13f: {  	[tilespmem:s0], [sflag:$0x1] =	stream.linear.gather [hbm4b:s23+s4], $0x3E8, $0x38;
	[tilespmem:$0xA410] =	vst v63  }
0x140: {  	_ =	swait.ge [sflag:s9], $0x1F40  }
0x141: {  	[sflag:s9] =	ssyncset.done $0x0  }
0x142: {  	s14 =	simm.s32 $0x36B0;
	[sflag:s9] =	ssyncadd.s32 $0xFFFFE0C0  }
0x143: {  	[spmem:s2] =	stream.indirect.scatter.add.f32 [tilespmem:s20], [sflag:$0x3], $0x8, s14, s6, $0xb8;
	[tilespmem:$0xA410] =	vst v63  }
0x144: {  	_ =	swait.ge [sflag:s10], $0x3E8  }
0x145: {  	[sflag:s10] =	ssyncset.done $0x0  }
0x146: {  	[sflag:s10] =	ssyncadd.s32 $0xFFFFFC18  }
0x147: {  	_ =	swait.ge [sflag:s10], $0x3E8  }
0x148: {  	[sflag:s10] =	ssyncset.done $0x0  }
0x149: {  	s12 =	simm.s32 $0x2AF8;
	[sflag:s10] =	ssyncadd.s32 $0xFFFFFC18  }
0x14a: {  	[tilespmem:s7], [sflag:$0x2] =	stream.indirect.gather [spmem:s3], $0x8, s12, s6, $0xb8;
	[tilespmem:$0xA410] =	vst v63  }
0x14b: {  	s23 =	simm.s32 $0x32C8;
	s25 =	rddreg [dreg:$0xd]  }
0x14c: {  	[tilespmem:s23], [sflag:$0x1] =	stream.linear.gather [hbm4b:s25+s4], $0x3E8, $0x38;
	[tilespmem:$0xA410] =	vst v63  }
0x14d: {  	s21 =	smov.u32 s28;
	s28 =	smov.u32 s26;
	s26 =	rddreg [dreg:$0xe]  }
0x14e: {  	[tilespmem:s29], [sflag:$0x1] =	stream.linear.gather [hbm4b:s26+s4], $0x3E8, $0x38;
	[tilespmem:$0xA410] =	vst v63  }
0x14f: {  	_ =	swait.ge [sflag:s9], $0x1F40  }
0x150: {  	[sflag:s9] =	ssyncset.done $0x0  }
0x151: {  	s8 =	simm.s32 $0x3A98;
	s7 =	simm.s32 $0x6590;
	[sflag:s9] =	ssyncadd.s32 $0xFFFFE0C0  }
0x152: {  	[spmem:s2] =	stream.indirect.scatter.add.f32 [tilespmem:s7], [sflag:$0x3], $0x8, s8, s6, $0xb8;
	[tilespmem:$0xA410] =	vst v63  }
0x153: {  	_ =	swait.ge [sflag:s10], $0x3E8  }
0x154: {  	[sflag:s10] =	ssyncset.done $0x0  }
0x155: {  	[sflag:s10] =	ssyncadd.s32 $0xFFFFFC18  }
0x156: {  	_ =	swait.ge [sflag:s10], $0x3E8  }
0x157: {  	[sflag:s10] =	ssyncset.done $0x0  }
0x158: {  	[sflag:s10] =	ssyncadd.s32 $0xFFFFFC18  }
0x159: {  	[tilespmem:s16], [sflag:$0x2] =	stream.indirect.gather [spmem:s3], $0x8, s5, s6, $0xb8;
	[tilespmem:$0xA410] =	vst v63  }
0x15a: {  	_ =	swait.ge [sflag:s13], $0x1F40  }
0x15b: {  	[sflag:s13] =	ssyncset.done $0x0  }
0x15c: {  	s15 =	simm.s32 $0x2710;
	s25 =	rddreg [dreg:$0xf];
	[sflag:s13] =	ssyncadd.s32 $0xFFFFE0C0  }
0x15d: {  	[tilespmem:s15], [sflag:$0x1] =	stream.linear.gather [hbm4b:s25+s4], $0x3E8, $0x38;
	[tilespmem:$0xA410] =	vst v63  }
0x15e: {  	s26 =	rddreg [dreg:$0x10]  }
0x15f: {  	[tilespmem:s14], [sflag:$0x1] =	stream.linear.gather [hbm4b:s26+s4], $0x3E8, $0x38;
	[tilespmem:$0xA410] =	vst v63  }
0x160: {  	_ =	swait.ge [sflag:s9], $0x1F40  }
0x161: {  	[sflag:s9] =	ssyncset.done $0x0  }
0x162: {  	[sflag:s9] =	ssyncadd.s32 $0xFFFFE0C0  }
0x163: {  	[spmem:s2] =	stream.indirect.scatter.add.f32 [tilespmem:s16], [sflag:$0x3], $0x8, s0, s6, $0xb8;
	[tilespmem:$0xA410] =	vst v63  }
0x164: {  	_ =	swait.ge [sflag:s10], $0x3E8  }
0x165: {  	[sflag:s10] =	ssyncset.done $0x0  }
0x166: {  	[sflag:s10] =	ssyncadd.s32 $0xFFFFFC18  }
0x167: {  	_ =	swait.ge [sflag:s10], $0x3E8  }
0x168: {  	[sflag:s10] =	ssyncset.done $0x0  }
0x169: {  	[sflag:s10] =	ssyncadd.s32 $0xFFFFFC18  }
0x16a: {  	[tilespmem:s20], [sflag:$0x2] =	stream.indirect.gather [spmem:s3], $0x8, s23, s6, $0xb8;
	[tilespmem:$0xA410] =	vst v63  }
0x16b: {  	_ =	swait.ge [sflag:s13], $0x1F40  }
0x16c: {  	[sflag:s13] =	ssyncset.done $0x0  }
0x16d: {  	s25 =	rddreg [dreg:$0x11];
	[sflag:s13] =	ssyncadd.s32 $0xFFFFE0C0  }
0x16e: {  	[tilespmem:s12], [sflag:$0x1] =	stream.linear.gather [hbm4b:s25+s4], $0x3E8, $0x38;
	[tilespmem:$0xA410] =	vst v63  }
0x16f: {  	s26 =	rddreg [dreg:$0x12]  }
0x170: {  	[tilespmem:s8], [sflag:$0x1] =	stream.linear.gather [hbm4b:s26+s4], $0x3E8, $0x38;
	[tilespmem:$0xA410] =	vst v63  }
0x171: {  	_ =	swait.ge [sflag:s9], $0x1F40  }
0x172: {  	[sflag:s9] =	ssyncset.done $0x0  }
0x173: {  	[sflag:s9] =	ssyncadd.s32 $0xFFFFE0C0  }
0x174: {  	[spmem:s2] =	stream.indirect.scatter.add.f32 [tilespmem:s20], [sflag:$0x3], $0x8, s29, s6, $0xb8;
	[tilespmem:$0xA410] =	vst v63  }
0x175: {  	_ =	swait.ge [sflag:s10], $0x3E8  }
0x176: {  	[sflag:s10] =	ssyncset.done $0x0  }
0x177: {  	[sflag:s10] =	ssyncadd.s32 $0xFFFFFC18  }
0x178: {  	_ =	swait.ge [sflag:s10], $0x3E8  }
0x179: {  	[sflag:s10] =	ssyncset.done $0x0  }
0x17a: {  	[sflag:s10] =	ssyncadd.s32 $0xFFFFFC18  }
0x17b: {  	[tilespmem:s7], [sflag:$0x2] =	stream.indirect.gather [spmem:s3], $0x8, s15, s6, $0xb8;
	[tilespmem:$0xA410] =	vst v63  }
0x17c: {  	_ =	swait.ge [sflag:s13], $0x1F40  }
0x17d: {  	[sflag:s13] =	ssyncset.done $0x0  }
0x17e: {  	s25 =	rddreg [dreg:$0x13];
	[sflag:s13] =	ssyncadd.s32 $0xFFFFE0C0  }
0x17f: {  	[tilespmem:s5], [sflag:$0x1] =	stream.linear.gather [hbm4b:s25+s4], $0x3E8, $0x38;
	[tilespmem:$0xA410] =	vst v63  }
0x180: {  	s26 =	rddreg [dreg:$0x14]  }
0x181: {  	[tilespmem:s0], [sflag:$0x1] =	stream.linear.gather [hbm4b:s26+s4], $0x3E8, $0x38;
	[tilespmem:$0xA410] =	vst v63  }
0x182: {  	_ =	swait.ge [sflag:s9], $0x1F40  }
0x183: {  	[sflag:s9] =	ssyncset.done $0x0  }
0x184: {  	[sflag:s9] =	ssyncadd.s32 $0xFFFFE0C0  }
0x185: {  	[spmem:s2] =	stream.indirect.scatter.add.f32 [tilespmem:s7], [sflag:$0x3], $0x8, s14, s6, $0xb8;
	[tilespmem:$0xA410] =	vst v63  }
0x186: {  	_ =	swait.ge [sflag:s10], $0x3E8  }
0x187: {  	[sflag:s10] =	ssyncset.done $0x0  }
0x188: {  	[sflag:s10] =	ssyncadd.s32 $0xFFFFFC18  }
0x189: {  	_ =	swait.ge [sflag:s10], $0x3E8  }
0x18a: {  	[sflag:s10] =	ssyncset.done $0x0  }
0x18b: {  	s15 =	simm.s32 $0x84D0;
	[sflag:s10] =	ssyncadd.s32 $0xFFFFFC18  }
0x18c: {  	[tilespmem:s15], [sflag:$0x2] =	stream.indirect.gather [spmem:s3], $0x8, s12, s6, $0xb8;
	[tilespmem:$0xA410] =	vst v63  }
0x18d: {  	_ =	swait.ge [sflag:s13], $0x1F40  }
0x18e: {  	[sflag:s13] =	ssyncset.done $0x0  }
0x18f: {  	s25 =	rddreg [dreg:$0x15];
	[sflag:s13] =	ssyncadd.s32 $0xFFFFE0C0  }
0x190: {  	[tilespmem:s23], [sflag:$0x1] =	stream.linear.gather [hbm4b:s25+s4], $0x3E8, $0x38;
	[tilespmem:$0xA410] =	vst v63  }
0x191: {  	s26 =	rddreg [dreg:$0x16]  }
0x192: {  	[tilespmem:s29], [sflag:$0x1] =	stream.linear.gather [hbm4b:s26+s4], $0x3E8, $0x38;
	[tilespmem:$0xA410] =	vst v63  }
0x193: {  	_ =	swait.ge [sflag:s9], $0x1F40  }
0x194: {  	[sflag:s9] =	ssyncset.done $0x0  }
0x195: {  	[sflag:s9] =	ssyncadd.s32 $0xFFFFE0C0  }
0x196: {  	[spmem:s2] =	stream.indirect.scatter.add.f32 [tilespmem:s15], [sflag:$0x3], $0x8, s8, s6, $0xb8;
	[tilespmem:$0xA410] =	vst v63  }
0x197: {  	_ =	swait.ge [sflag:s10], $0x3E8  }
0x198: {  	[sflag:s10] =	ssyncset.done $0x0  }
0x199: {  	[sflag:s10] =	ssyncadd.s32 $0xFFFFFC18  }
0x19a: {  	_ =	swait.ge [sflag:s10], $0x3E8  }
0x19b: {  	[sflag:s10] =	ssyncset.done $0x0  }
0x19c: {  	[sflag:s10] =	ssyncadd.s32 $0xFFFFFC18  }
0x19d: {  	[tilespmem:s20], [sflag:$0x2] =	stream.indirect.gather [spmem:s3], $0x8, s5, s6, $0xb8;
	[tilespmem:$0xA410] =	vst v63  }
0x19e: {  	_ =	swait.ge [sflag:s13], $0x1F40  }
0x19f: {  	[sflag:s13] =	ssyncset.done $0x0  }
0x1a0: {  	s14 =	simm.s32 $0x2710;
	s25 =	rddreg [dreg:$0x17];
	[sflag:s13] =	ssyncadd.s32 $0xFFFFE0C0  }
0x1a1: {  	[tilespmem:s14], [sflag:$0x1] =	stream.linear.gather [hbm4b:s25+s4], $0x3E8, $0x38;
	[tilespmem:$0xA410] =	vst v63  }
0x1a2: {  	s12 =	simm.s32 $0x36B0;
	s26 =	rddreg [dreg:$0x18]  }
0x1a3: {  	[tilespmem:s12], [sflag:$0x1] =	stream.linear.gather [hbm4b:s26+s4], $0x3E8, $0x38;
	[tilespmem:$0xA410] =	vst v63  }
0x1a4: {  	_ =	swait.ge [sflag:s9], $0x1F40  }
0x1a5: {  	[sflag:s9] =	ssyncset.done $0x0  }
0x1a6: {  	[sflag:s9] =	ssyncadd.s32 $0xFFFFE0C0  }
0x1a7: {  	[spmem:s2] =	stream.indirect.scatter.add.f32 [tilespmem:s20], [sflag:$0x3], $0x8, s0, s6, $0xb8;
	[tilespmem:$0xA410] =	vst v63  }
0x1a8: {  	_ =	swait.ge [sflag:s10], $0x3E8  }
0x1a9: {  	[sflag:s10] =	ssyncset.done $0x0  }
0x1aa: {  	[sflag:s10] =	ssyncadd.s32 $0xFFFFFC18  }
0x1ab: {  	_ =	swait.ge [sflag:s10], $0x3E8  }
0x1ac: {  	[sflag:s10] =	ssyncset.done $0x0  }
0x1ad: {  	[sflag:s10] =	ssyncadd.s32 $0xFFFFFC18  }
0x1ae: {  	[tilespmem:s7], [sflag:$0x2] =	stream.indirect.gather [spmem:s3], $0x8, s23, s6, $0xb8;
	[tilespmem:$0xA410] =	vst v63  }
0x1af: {  	_ =	swait.ge [sflag:s13], $0x1F40  }
0x1b0: {  	[sflag:s13] =	ssyncset.done $0x0  }
0x1b1: {  	s8 =	simm.s32 $0x2AF8;
	s0 =	rddreg [dreg:$0x19];
	[sflag:s13] =	ssyncadd.s32 $0xFFFFE0C0  }
0x1b2: {  	[tilespmem:s8], [sflag:$0x1] =	stream.linear.gather [hbm4b:s0+s4], $0x3E8, $0x38;
	[tilespmem:$0xA410] =	vst v63  }
0x1b3: {  	s5 =	simm.s32 $0x3A98;
	s23 =	rddreg [dreg:$0x1a]  }
0x1b4: {  	[tilespmem:s5], [sflag:$0x1] =	stream.linear.gather [hbm4b:s23+s4], $0x3E8, $0x38;
	[tilespmem:$0xA410] =	vst v63  }
0x1b5: {  	_ =	swait.ge [sflag:s9], $0x1F40  }
0x1b6: {  	[sflag:s9] =	ssyncset.done $0x0  }
0x1b7: {  	[sflag:s9] =	ssyncadd.s32 $0xFFFFE0C0  }
0x1b8: {  	[spmem:s2] =	stream.indirect.scatter.add.f32 [tilespmem:s7], [sflag:$0x3], $0x8, s29, s6, $0xb8;
	[tilespmem:$0xA410] =	vst v63  }
0x1b9: {  	_ =	swait.ge [sflag:s10], $0x3E8  }
0x1ba: {  	[sflag:s10] =	ssyncset.done $0x0  }
0x1bb: {  	[sflag:s10] =	ssyncadd.s32 $0xFFFFFC18  }
0x1bc: {  	_ =	swait.ge [sflag:s10], $0x3E8  }
0x1bd: {  	[sflag:s10] =	ssyncset.done $0x0  }
0x1be: {  	[sflag:s10] =	ssyncadd.s32 $0xFFFFFC18  }
0x1bf: {  	[tilespmem:s15], [sflag:$0x2] =	stream.indirect.gather [spmem:s3], $0x8, s14, s6, $0xb8;
	[tilespmem:$0xA410] =	vst v63  }
0x1c0: {  	_ =	swait.ge [sflag:s13], $0x1F40  }
0x1c1: {  	[sflag:s13] =	ssyncset.done $0x0  }
0x1c2: {  	[sflag:s13] =	ssyncadd.s32 $0xFFFFE0C0  }
0x1c3: {  	_ =	swait.ge [sflag:s9], $0x1F40  }
0x1c4: {  	[sflag:s9] =	ssyncset.done $0x0  }
0x1c5: {  	[sflag:s9] =	ssyncadd.s32 $0xFFFFE0C0  }
0x1c6: {  	[spmem:s2] =	stream.indirect.scatter.add.f32 [tilespmem:s15], [sflag:$0x3], $0x8, s12, s6, $0xb8;
	[tilespmem:$0xA410] =	vst v63  }
0x1c7: {  	_ =	swait.ge [sflag:s10], $0x3E8  }
0x1c8: {  	[sflag:s10] =	ssyncset.done $0x0  }
0x1c9: {  	[sflag:s10] =	ssyncadd.s32 $0xFFFFFC18  }
0x1ca: {  	_ =	swait.ge [sflag:s10], $0x3E8  }
0x1cb: {  	[sflag:s10] =	ssyncset.done $0x0  }
0x1cc: {  	[sflag:s10] =	ssyncadd.s32 $0xFFFFFC18  }
0x1cd: {  	[tilespmem:s20], [sflag:$0x2] =	stream.indirect.gather [spmem:s3], $0x8, s8, s6, $0xb8;
	[tilespmem:$0xA410] =	vst v63  }
0x1ce: {  	_ =	swait.ge [sflag:s13], $0x1F40  }
0x1cf: {  	[sflag:s13] =	ssyncset.done $0x0  }
0x1d0: {  	[sflag:s13] =	ssyncadd.s32 $0xFFFFE0C0  }
0x1d1: {  	_ =	swait.ge [sflag:s9], $0x1F40  }
0x1d2: {  	[sflag:s9] =	ssyncset.done $0x0  }
0x1d3: {  	[sflag:s9] =	ssyncadd.s32 $0xFFFFE0C0  }
0x1d4: {  	[spmem:s2] =	stream.indirect.scatter.add.f32 [tilespmem:s20], [sflag:$0x3], $0x8, s5, s6, $0xb8;
	[tilespmem:$0xA410] =	vst v63  }
0x1d5: {  	_ =	swait.ge [sflag:s13], $0x1F40  }
0x1d6: {  	[sflag:s13] =	ssyncset.done $0x0  }
0x1d7: {  	[sflag:s13] =	ssyncadd.s32 $0xFFFFE0C0  }
0x1d8: {  	_ =	swait.ge [sflag:s13], $0x1F40  }
0x1d9: {  	[sflag:s13] =	ssyncset.done $0x0  }
0x1da: {  	[sflag:s13] =	ssyncadd.s32 $0xFFFFE0C0  }
0x1db: {  	[bflag:$0x0] =	sbarrier.arrive $0xFFFF  }
0x1dc: {  	s1 =	sadd.s32 $0xFFFFFFFF, s1;
	s25 =	rddreg [dreg:$0xa]  }
0x1dd: {  	p6 =	sne.s32 s1, $0x0;
	s0 =	simm.s32 @p0 $0x10;
	s26 =	rddreg [dreg:$0x1e]  }
0x1de: {  	[hbm:s25@s0], [sflag:s18] =	dma.strided @p0 [spmem:s26@s17], $0x280, s17, $0x1   }
.Ltmp2:
0x1df: {  	_ =	swait.ge @p0 [sflag:s30], $0x280;
	(pc) =	sbr.rel @p6 .LBB2_3-.Ltmp2, $4  }
0x1e0: {  	[sflag:s30] =	ssyncset.done @p0 $0x0;
	s25 =	rddreg [dreg:$0x9]  }
0x1e1: {  	s7 =	simm.s32 $0x6590;
	s26 =	rddreg [dreg:$0x1d];
	[sflag:s30] =	ssyncadd.s32 @p0 $0xFFFFFD80  }
0x1e2: {  	[hbm:s25@s31], [sflag:s24] =	dma.strided @!p0 [spmem:s26@s19], $0x270, s19, $0x1   }
0x1e3: {  	s26 =	smov.u32 s28;
	s28 =	smov.u32 s21;
	_ =	swait.ge @!p0 [sflag:s11], $0x270  }
0x1e4: {  	s23 =	rddreg [dreg:$0x3]  }
0x1e5: {  	s21 =	sld [smem:$0x7FC]  }
0x1e6: {  	s30 =	sld [smem:$0x7F9]  }
0x1e7: {  	s25 =	sld [smem:$0x7FB]  }
0x1e8: {  	s17 =	simm.s32 $0x32C8;
	s18 =	simm.s32 $0x4268;
	s19 =	simm.s32 $0x3E80  }
0x1e9: {  	s7 =	simm.s32 $0x2EE0;
	s31 =	sld [smem:$0x7FA];
	s16 =	simm.s32 $0x6590  }
.LBB2_5:
0x1ea: {  	p5 =	por p0, !p5  }
0x1eb: {  	s0 =	rddreg [dreg:$0x1c];
	s1 =	simm.s32 @p0 $0x1FC4;
	[sflag:s11] =	ssyncset.done @!p5 $0x0  }
0x1ec: {  	s24 =	simm.s32 @p0 $0x10;
	[sflag:s11] =	ssyncadd.s32 @!p5 $0xFFFFFD90;
	s11 =	simm.s32 @p0 $0x1  }
0x1ed: {  	[spmem:s0@s11], [sflag:s1] =	dma.strided @p0 [hbm:s31@s24], $0x280, s11, $0x1   }
0x1ee: {  	s0 =	simm.s32 @p0 $0x4  }
0x1ef: {  	_ =	swait.ge @p0 [sflag:s0], $0x280  }
0x1f0: {  	s24 =	rddreg [dreg:$0x5];
	[sflag:s0] =	ssyncset.done @p0 $0x0  }
0x1f1: {  	s11 =	rddreg [dreg:$0x1f];
	[sflag:s0] =	ssyncadd.s32 @p0 $0xFFFFFD80  }
0x1f2: {  	[spmem:s11], [sflag:s1] =	dma.local @!p4 [hbm:s24], $0x280  }
0x1f3: {  	s24 =	simm.s32 @!p4 $0x4  }
0x1f4: {  	_ =	swait.ge @!p4 [sflag:s24], $0x280  }
0x1f5: {  	s11 =	smov.u32 s25;
	[sflag:s24] =	ssyncset.done @!p4 $0x0  }
0x1f6: {  	s25 =	simm.s32 @!p3 $0x1;
	[sflag:s24] =	ssyncadd.s32 @!p4 $0xFFFFFD80;
	s24 =	simm.s32 @!p3 $0x10  }
0x1f7: {  	[spmem:s30@s25], [sflag:s1] =	dma.strided @!p3 [hbm:s31@s24], $0x280, s25, $0x1   }
0x1f8: {  	s31 =	smov.u32 s23;
	s23 =	simm.s32 @!p3 $0x4  }
0x1f9: {  	_ =	swait.ge @!p3 [sflag:s23], $0x280  }
0x1fa: {  	s25 =	simm.s32 @!p0 $0x1;
	[sflag:s23] =	ssyncset.done @!p3 $0x0;
	s24 =	rddreg [dreg:$0x1b]  }
0x1fb: {  	[sflag:s23] =	ssyncadd.s32 @!p3 $0xFFFFFD80;
	s23 =	sor.u32 @!p0 $0x1C04, s11;
	s11 =	simm.s32 @!p0 $0x10  }
0x1fc: {  	[spmem:s24@s25], [sflag:s23] =	dma.strided @!p0 [hbm:s22@s11], $0x270, s25, $0x1   }
0x1fd: {  	s24 =	simm.s32 @!p0 $0x4  }
0x1fe: {  	_ =	swait.ge @!p0 [sflag:s24], $0x270  }
0x1ff: {  	[sflag:s24] =	ssyncset.done @!p0 $0x0  }
0x200: {  	s30 =	smov.u32 s28;
	s28 =	rddreg [dreg:$0x4];
	[sflag:s24] =	ssyncadd.s32 @!p0 $0xFFFFFD90  }
0x201: {  	[spmem:s21], [sflag:s23] =	dma.local @!p2 [hbm:s28], $0x270  }
0x202: {  	s28 =	simm.s32 @!p2 $0x4  }
0x203: {  	_ =	swait.ge @!p2 [sflag:s28], $0x270  }
0x204: {  	[sflag:s28] =	ssyncset.done @!p2 $0x0  }
0x205: {  	s29 =	simm.s32 @!p1 $0x1;
	[sflag:s28] =	ssyncadd.s32 @!p2 $0xFFFFFD90;
	s28 =	simm.s32 @!p1 $0x10  }
0x206: {  	[spmem:s30@s29], [sflag:s23] =	dma.strided @!p1 [hbm:s22@s28], $0x270, s29, $0x1   }
0x207: {  	s22 =	simm.s32 @!p1 $0x4  }
0x208: {  	_ =	swait.ge @!p1 [sflag:s22], $0x270  }
0x209: {  	[sflag:s22] =	ssyncset.done @!p1 $0x0  }
0x20a: {  	[sflag:s22] =	ssyncadd.s32 @!p1 $0xFFFFFD90  }
0x20b: {  	[bflag:$0x0] =	sbarrier.arrive $0xFFFF  }
0x20c: {  	[tilespmem:s14], [sflag:$0x1] =	stream.linear.gather [hbm4b:s26+s4], $0x3E8, $0x38;
	[tilespmem:$0xA410] =	vst v63  }
0x20d: {  	s29 =	rddreg [dreg:$0x6]  }
0x20e: {  	[tilespmem:s12], [sflag:$0x1] =	stream.linear.gather [hbm4b:s29+s4], $0x3E8, $0x38;
	[tilespmem:$0xA410] =	vst v63  }
0x20f: {  	s30 =	rddreg [dreg:$0x7]  }
0x210: {  	[tilespmem:s8], [sflag:$0x1] =	stream.linear.gather [hbm4b:s30+s4], $0x3E8, $0x38;
	[tilespmem:$0xA410] =	vst v63  }
0x211: {  	s21 =	rddreg [dreg:$0x8]  }
0x212: {  	[tilespmem:s5], [sflag:$0x1] =	stream.linear.gather [hbm4b:s21+s4], $0x3E8, $0x38;
	[tilespmem:$0xA410] =	vst v63  }
0x213: {  	_ =	swait.ge [sflag:s10], $0x3E8  }
0x214: {  	[sflag:s10] =	ssyncset.done $0x0  }
0x215: {  	[sflag:s10] =	ssyncadd.s32 $0xFFFFFC18  }
0x216: {  	_ =	swait.ge [sflag:s10], $0x3E8  }
0x217: {  	[sflag:s10] =	ssyncset.done $0x0  }
0x218: {  	[sflag:s10] =	ssyncadd.s32 $0xFFFFFC18  }
0x219: {  	[tilespmem:s20], [sflag:$0x2] =	stream.indirect.gather [spmem:s3], $0x8, s14, s6, $0xb8;
	[tilespmem:$0xA410] =	vst v63  }
0x21a: {  	s26 =	rddreg [dreg:$0xb]  }
0x21b: {  	[tilespmem:s7], [sflag:$0x1] =	stream.linear.gather [hbm4b:s26+s4], $0x3E8, $0x38;
	[tilespmem:$0xA410] =	vst v63  }
0x21c: {  	s29 =	rddreg [dreg:$0xc]  }
0x21d: {  	[tilespmem:s19], [sflag:$0x1] =	stream.linear.gather [hbm4b:s29+s4], $0x3E8, $0x38;
	[tilespmem:$0xA410] =	vst v63  }
0x21e: {  	_ =	swait.ge [sflag:s9], $0x1F40  }
0x21f: {  	[sflag:s9] =	ssyncset.done $0x0  }
0x220: {  	[sflag:s9] =	ssyncadd.s32 $0xFFFFE0C0  }
0x221: {  	[spmem:s2] =	stream.indirect.scatter.add.f32 [tilespmem:s20], [sflag:$0x3], $0x8, s12, s6, $0xb8;
	[tilespmem:$0xA410] =	vst v63  }
0x222: {  	_ =	swait.ge [sflag:s10], $0x3E8  }
0x223: {  	[sflag:s10] =	ssyncset.done $0x0  }
0x224: {  	[sflag:s10] =	ssyncadd.s32 $0xFFFFFC18  }
0x225: {  	_ =	swait.ge [sflag:s10], $0x3E8  }
0x226: {  	[sflag:s10] =	ssyncset.done $0x0  }
0x227: {  	[sflag:s10] =	ssyncadd.s32 $0xFFFFFC18  }
0x228: {  	[tilespmem:s16], [sflag:$0x2] =	stream.indirect.gather [spmem:s3], $0x8, s8, s6, $0xb8;
	[tilespmem:$0xA410] =	vst v63  }
0x229: {  	s30 =	rddreg [dreg:$0xd]  }
0x22a: {  	[tilespmem:s17], [sflag:$0x1] =	stream.linear.gather [hbm4b:s30+s4], $0x3E8, $0x38;
	[tilespmem:$0xA410] =	vst v63  }
0x22b: {  	s21 =	rddreg [dreg:$0xe]  }
0x22c: {  	[tilespmem:s18], [sflag:$0x1] =	stream.linear.gather [hbm4b:s21+s4], $0x3E8, $0x38;
	[tilespmem:$0xA410] =	vst v63  }
0x22d: {  	_ =	swait.ge [sflag:s9], $0x1F40  }
0x22e: {  	[sflag:s9] =	ssyncset.done $0x0  }
0x22f: {  	[sflag:s9] =	ssyncadd.s32 $0xFFFFE0C0  }
0x230: {  	[spmem:s2] =	stream.indirect.scatter.add.f32 [tilespmem:s16], [sflag:$0x3], $0x8, s5, s6, $0xb8;
	[tilespmem:$0xA410] =	vst v63  }
0x231: {  	_ =	swait.ge [sflag:s10], $0x3E8  }
0x232: {  	[sflag:s10] =	ssyncset.done $0x0  }
0x233: {  	[sflag:s10] =	ssyncadd.s32 $0xFFFFFC18  }
0x234: {  	_ =	swait.ge [sflag:s10], $0x3E8  }
0x235: {  	[sflag:s10] =	ssyncset.done $0x0  }
0x236: {  	[sflag:s10] =	ssyncadd.s32 $0xFFFFFC18  }
0x237: {  	[tilespmem:s15], [sflag:$0x2] =	stream.indirect.gather [spmem:s3], $0x8, s7, s6, $0xb8;
	[tilespmem:$0xA410] =	vst v63  }
0x238: {  	_ =	swait.ge [sflag:s13], $0x1F40  }
0x239: {  	[sflag:s13] =	ssyncset.done $0x0  }
0x23a: {  	s26 =	rddreg [dreg:$0xf];
	[sflag:s13] =	ssyncadd.s32 $0xFFFFE0C0  }
0x23b: {  	[tilespmem:s14], [sflag:$0x1] =	stream.linear.gather [hbm4b:s26+s4], $0x3E8, $0x38;
	[tilespmem:$0xA410] =	vst v63  }
0x23c: {  	s29 =	rddreg [dreg:$0x10]  }
0x23d: {  	[tilespmem:s12], [sflag:$0x1] =	stream.linear.gather [hbm4b:s29+s4], $0x3E8, $0x38;
	[tilespmem:$0xA410] =	vst v63  }
0x23e: {  	_ =	swait.ge [sflag:s9], $0x1F40  }
0x23f: {  	[sflag:s9] =	ssyncset.done $0x0  }
0x240: {  	[sflag:s9] =	ssyncadd.s32 $0xFFFFE0C0  }
0x241: {  	[spmem:s2] =	stream.indirect.scatter.add.f32 [tilespmem:s15], [sflag:$0x3], $0x8, s19, s6, $0xb8;
	[tilespmem:$0xA410] =	vst v63  }
0x242: {  	_ =	swait.ge [sflag:s10], $0x3E8  }
0x243: {  	[sflag:s10] =	ssyncset.done $0x0  }
0x244: {  	[sflag:s10] =	ssyncadd.s32 $0xFFFFFC18  }
0x245: {  	_ =	swait.ge [sflag:s10], $0x3E8  }
0x246: {  	[sflag:s10] =	ssyncset.done $0x0  }
0x247: {  	[sflag:s10] =	ssyncadd.s32 $0xFFFFFC18  }
0x248: {  	[tilespmem:s20], [sflag:$0x2] =	stream.indirect.gather [spmem:s3], $0x8, s17, s6, $0xb8;
	[tilespmem:$0xA410] =	vst v63  }
0x249: {  	_ =	swait.ge [sflag:s13], $0x1F40  }
0x24a: {  	[sflag:s13] =	ssyncset.done $0x0  }
0x24b: {  	s30 =	rddreg [dreg:$0x11];
	[sflag:s13] =	ssyncadd.s32 $0xFFFFE0C0  }
0x24c: {  	[tilespmem:s8], [sflag:$0x1] =	stream.linear.gather [hbm4b:s30+s4], $0x3E8, $0x38;
	[tilespmem:$0xA410] =	vst v63  }
0x24d: {  	s21 =	rddreg [dreg:$0x12]  }
0x24e: {  	[tilespmem:s5], [sflag:$0x1] =	stream.linear.gather [hbm4b:s21+s4], $0x3E8, $0x38;
	[tilespmem:$0xA410] =	vst v63  }
0x24f: {  	_ =	swait.ge [sflag:s9], $0x1F40  }
0x250: {  	[sflag:s9] =	ssyncset.done $0x0  }
0x251: {  	[sflag:s9] =	ssyncadd.s32 $0xFFFFE0C0  }
0x252: {  	[spmem:s2] =	stream.indirect.scatter.add.f32 [tilespmem:s20], [sflag:$0x3], $0x8, s18, s6, $0xb8;
	[tilespmem:$0xA410] =	vst v63  }
0x253: {  	_ =	swait.ge [sflag:s10], $0x3E8  }
0x254: {  	[sflag:s10] =	ssyncset.done $0x0  }
0x255: {  	[sflag:s10] =	ssyncadd.s32 $0xFFFFFC18  }
0x256: {  	_ =	swait.ge [sflag:s10], $0x3E8  }
0x257: {  	[sflag:s10] =	ssyncset.done $0x0  }
0x258: {  	[sflag:s10] =	ssyncadd.s32 $0xFFFFFC18  }
0x259: {  	[tilespmem:s16], [sflag:$0x2] =	stream.indirect.gather [spmem:s3], $0x8, s14, s6, $0xb8;
	[tilespmem:$0xA410] =	vst v63  }
0x25a: {  	_ =	swait.ge [sflag:s13], $0x1F40  }
0x25b: {  	[sflag:s13] =	ssyncset.done $0x0  }
0x25c: {  	s26 =	rddreg [dreg:$0x13];
	[sflag:s13] =	ssyncadd.s32 $0xFFFFE0C0  }
0x25d: {  	[tilespmem:s7], [sflag:$0x1] =	stream.linear.gather [hbm4b:s26+s4], $0x3E8, $0x38;
	[tilespmem:$0xA410] =	vst v63  }
0x25e: {  	s29 =	rddreg [dreg:$0x14]  }
0x25f: {  	[tilespmem:s19], [sflag:$0x1] =	stream.linear.gather [hbm4b:s29+s4], $0x3E8, $0x38;
	[tilespmem:$0xA410] =	vst v63  }
0x260: {  	_ =	swait.ge [sflag:s9], $0x1F40  }
0x261: {  	[sflag:s9] =	ssyncset.done $0x0  }
0x262: {  	[sflag:s9] =	ssyncadd.s32 $0xFFFFE0C0  }
0x263: {  	[spmem:s2] =	stream.indirect.scatter.add.f32 [tilespmem:s16], [sflag:$0x3], $0x8, s12, s6, $0xb8;
	[tilespmem:$0xA410] =	vst v63  }
0x264: {  	_ =	swait.ge [sflag:s10], $0x3E8  }
0x265: {  	[sflag:s10] =	ssyncset.done $0x0  }
0x266: {  	[sflag:s10] =	ssyncadd.s32 $0xFFFFFC18  }
0x267: {  	_ =	swait.ge [sflag:s10], $0x3E8  }
0x268: {  	[sflag:s10] =	ssyncset.done $0x0  }
0x269: {  	[sflag:s10] =	ssyncadd.s32 $0xFFFFFC18  }
0x26a: {  	[tilespmem:s15], [sflag:$0x2] =	stream.indirect.gather [spmem:s3], $0x8, s8, s6, $0xb8;
	[tilespmem:$0xA410] =	vst v63  }
0x26b: {  	_ =	swait.ge [sflag:s13], $0x1F40  }
0x26c: {  	[sflag:s13] =	ssyncset.done $0x0  }
0x26d: {  	s30 =	rddreg [dreg:$0x15];
	[sflag:s13] =	ssyncadd.s32 $0xFFFFE0C0  }
0x26e: {  	[tilespmem:s17], [sflag:$0x1] =	stream.linear.gather [hbm4b:s30+s4], $0x3E8, $0x38;
	[tilespmem:$0xA410] =	vst v63  }
0x26f: {  	s21 =	rddreg [dreg:$0x16]  }
0x270: {  	[tilespmem:s18], [sflag:$0x1] =	stream.linear.gather [hbm4b:s21+s4], $0x3E8, $0x38;
	[tilespmem:$0xA410] =	vst v63  }
0x271: {  	_ =	swait.ge [sflag:s9], $0x1F40  }
0x272: {  	[sflag:s9] =	ssyncset.done $0x0  }
0x273: {  	[sflag:s9] =	ssyncadd.s32 $0xFFFFE0C0  }
0x274: {  	[spmem:s2] =	stream.indirect.scatter.add.f32 [tilespmem:s15], [sflag:$0x3], $0x8, s5, s6, $0xb8;
	[tilespmem:$0xA410] =	vst v63  }
0x275: {  	_ =	swait.ge [sflag:s10], $0x3E8  }
0x276: {  	[sflag:s10] =	ssyncset.done $0x0  }
0x277: {  	[sflag:s10] =	ssyncadd.s32 $0xFFFFFC18  }
0x278: {  	_ =	swait.ge [sflag:s10], $0x3E8  }
0x279: {  	[sflag:s10] =	ssyncset.done $0x0  }
0x27a: {  	[sflag:s10] =	ssyncadd.s32 $0xFFFFFC18  }
0x27b: {  	[tilespmem:s20], [sflag:$0x2] =	stream.indirect.gather [spmem:s3], $0x8, s7, s6, $0xb8;
	[tilespmem:$0xA410] =	vst v63  }
0x27c: {  	_ =	swait.ge [sflag:s13], $0x1F40  }
0x27d: {  	[sflag:s13] =	ssyncset.done $0x0  }
0x27e: {  	s22 =	rddreg [dreg:$0x17];
	[sflag:s13] =	ssyncadd.s32 $0xFFFFE0C0  }
0x27f: {  	[tilespmem:s14], [sflag:$0x1] =	stream.linear.gather [hbm4b:s22+s4], $0x3E8, $0x38;
	[tilespmem:$0xA410] =	vst v63  }
0x280: {  	s26 =	rddreg [dreg:$0x18]  }
0x281: {  	[tilespmem:s12], [sflag:$0x1] =	stream.linear.gather [hbm4b:s26+s4], $0x3E8, $0x38;
	[tilespmem:$0xA410] =	vst v63  }
0x282: {  	_ =	swait.ge [sflag:s9], $0x1F40  }
0x283: {  	[sflag:s9] =	ssyncset.done $0x0  }
0x284: {  	[sflag:s9] =	ssyncadd.s32 $0xFFFFE0C0  }
0x285: {  	[spmem:s2] =	stream.indirect.scatter.add.f32 [tilespmem:s20], [sflag:$0x3], $0x8, s19, s6, $0xb8;
	[tilespmem:$0xA410] =	vst v63  }
0x286: {  	_ =	swait.ge [sflag:s10], $0x3E8  }
0x287: {  	[sflag:s10] =	ssyncset.done $0x0  }
0x288: {  	[sflag:s10] =	ssyncadd.s32 $0xFFFFFC18  }
0x289: {  	_ =	swait.ge [sflag:s10], $0x3E8  }
0x28a: {  	[sflag:s10] =	ssyncset.done $0x0  }
0x28b: {  	[sflag:s10] =	ssyncadd.s32 $0xFFFFFC18  }
0x28c: {  	[tilespmem:s16], [sflag:$0x2] =	stream.indirect.gather [spmem:s3], $0x8, s17, s6, $0xb8;
	[tilespmem:$0xA410] =	vst v63  }
0x28d: {  	_ =	swait.ge [sflag:s13], $0x1F40  }
0x28e: {  	[sflag:s13] =	ssyncset.done $0x0  }
0x28f: {  	s28 =	rddreg [dreg:$0x19];
	[sflag:s13] =	ssyncadd.s32 $0xFFFFE0C0  }
0x290: {  	[tilespmem:s8], [sflag:$0x1] =	stream.linear.gather [hbm4b:s28+s4], $0x3E8, $0x38;
	[tilespmem:$0xA410] =	vst v63  }
0x291: {  	s29 =	rddreg [dreg:$0x1a]  }
0x292: {  	[tilespmem:s5], [sflag:$0x1] =	stream.linear.gather [hbm4b:s29+s4], $0x3E8, $0x38;
	[tilespmem:$0xA410] =	vst v63  }
0x293: {  	_ =	swait.ge [sflag:s9], $0x1F40  }
0x294: {  	[sflag:s9] =	ssyncset.done $0x0  }
0x295: {  	[sflag:s9] =	ssyncadd.s32 $0xFFFFE0C0  }
0x296: {  	[spmem:s2] =	stream.indirect.scatter.add.f32 [tilespmem:s16], [sflag:$0x3], $0x8, s18, s6, $0xb8;
	[tilespmem:$0xA410] =	vst v63  }
0x297: {  	_ =	swait.ge [sflag:s10], $0x3E8  }
0x298: {  	[sflag:s10] =	ssyncset.done $0x0  }
0x299: {  	[sflag:s10] =	ssyncadd.s32 $0xFFFFFC18  }
0x29a: {  	_ =	swait.ge [sflag:s10], $0x3E8  }
0x29b: {  	[sflag:s10] =	ssyncset.done $0x0  }
0x29c: {  	[sflag:s10] =	ssyncadd.s32 $0xFFFFFC18  }
0x29d: {  	[tilespmem:s15], [sflag:$0x2] =	stream.indirect.gather [spmem:s3], $0x8, s14, s6, $0xb8;
	[tilespmem:$0xA410] =	vst v63  }
0x29e: {  	_ =	swait.ge [sflag:s13], $0x1F40  }
0x29f: {  	[sflag:s13] =	ssyncset.done $0x0  }
0x2a0: {  	[sflag:s13] =	ssyncadd.s32 $0xFFFFE0C0  }
0x2a1: {  	_ =	swait.ge [sflag:s9], $0x1F40  }
0x2a2: {  	[sflag:s9] =	ssyncset.done $0x0  }
0x2a3: {  	[sflag:s9] =	ssyncadd.s32 $0xFFFFE0C0  }
0x2a4: {  	[spmem:s2] =	stream.indirect.scatter.add.f32 [tilespmem:s15], [sflag:$0x3], $0x8, s12, s6, $0xb8;
	[tilespmem:$0xA410] =	vst v63  }
0x2a5: {  	_ =	swait.ge [sflag:s10], $0x3E8  }
0x2a6: {  	[sflag:s10] =	ssyncset.done $0x0  }
0x2a7: {  	[sflag:s10] =	ssyncadd.s32 $0xFFFFFC18  }
0x2a8: {  	_ =	swait.ge [sflag:s10], $0x3E8  }
0x2a9: {  	[sflag:s10] =	ssyncset.done $0x0  }
0x2aa: {  	[sflag:s10] =	ssyncadd.s32 $0xFFFFFC18  }
0x2ab: {  	[tilespmem:s20], [sflag:$0x2] =	stream.indirect.gather [spmem:s3], $0x8, s8, s6, $0xb8;
	[tilespmem:$0xA410] =	vst v63  }
0x2ac: {  	_ =	swait.ge [sflag:s13], $0x1F40  }
0x2ad: {  	[sflag:s13] =	ssyncset.done $0x0  }
0x2ae: {  	[sflag:s13] =	ssyncadd.s32 $0xFFFFE0C0  }
0x2af: {  	_ =	swait.ge [sflag:s9], $0x1F40  }
0x2b0: {  	[sflag:s9] =	ssyncset.done $0x0  }
0x2b1: {  	[sflag:s9] =	ssyncadd.s32 $0xFFFFE0C0  }
0x2b2: {  	[spmem:s2] =	stream.indirect.scatter.add.f32 [tilespmem:s20], [sflag:$0x3], $0x8, s5, s6, $0xb8;
	[tilespmem:$0xA410] =	vst v63  }
0x2b3: {  	_ =	swait.ge [sflag:s13], $0x1F40  }
0x2b4: {  	[sflag:s13] =	ssyncset.done $0x0  }
0x2b5: {  	[sflag:s13] =	ssyncadd.s32 $0xFFFFE0C0  }
0x2b6: {  	_ =	swait.ge [sflag:s13], $0x1F40  }
0x2b7: {  	[sflag:s13] =	ssyncset.done $0x0  }
0x2b8: {  	[sflag:s13] =	ssyncadd.s32 $0xFFFFE0C0  }
0x2b9: {  	[bflag:$0x0] =	sbarrier.arrive $0xFFFF  }
0x2ba: {  	s2 =	rddreg [dreg:$0xa]  }
0x2bb: {  	s4 =	simm.s32 @p0 $0x10;
	s5 =	simm.s32 @p0 $0x1;
	s3 =	rddreg [dreg:$0x1e]  }
0x2bc: {  	[hbm:s2@s4], [sflag:s1] =	dma.strided @p0 [spmem:s3@s5], $0x280, s5, $0x1   }
0x2bd: {  	_ =	swait.ge @p0 [sflag:s0], $0x280  }
0x2be: {  	s1 =	rddreg [dreg:$0x9];
	[sflag:s0] =	ssyncset.done @p0 $0x0  }
0x2bf: {  	s2 =	rddreg [dreg:$0x1d];
	[sflag:s0] =	ssyncadd.s32 @p0 $0xFFFFFD80  }
0x2c0: {  	[hbm:s1@s11], [sflag:s23] =	dma.strided @!p0 [spmem:s2@s25], $0x270, s25, $0x1   }
0x2c1: {  	_ =	swait.ge @!p0 [sflag:s24], $0x270  }
0x2c2: {  	[sflag:s24] =	ssyncset.done @!p0 $0x0  }
0x2c3: {  	[sflag:s24] =	ssyncadd.s32 @!p0 $0xFFFFFD90  }
0x2c4: {  	_ =	sfence.sel $0x180000  }
0x2c5: {  	s30 =	stileid.u32;
	[bflag:$0x0] =	sbarrier.arrive $0xFFFF  }
0x2c6: {  	p0 =	sne.s32 s30, $0x0;
	_ =	strace $0x9000004D  }
0x2c7: {  	s0 =	sadd.s32 @!p0 $0x100000, s31;
	[bflag:$0x2] =	sbarrier.arrive $0xFFFF  }
0x2c8: {  	[sflag:s0] =	ssyncadd.tile.s32 @!p0 $0x1;
	_ =	shalt  }
.LBB2_6:
0x2c9: {  	s23 =	rddreg [dreg:$0x3]  }
.Ltmp3:
0x2ca: {  	s21 =	sld [smem:$0x7FC];
	(pc) =	sbr.rel .LBB2_5-.Ltmp3, $4  }
0x2cb: {  	s30 =	sld [smem:$0x7F9]  }
0x2cc: {  	s25 =	sld [smem:$0x7FB]  }
0x2cd: {  	s17 =	simm.s32 $0x32C8;
	s18 =	simm.s32 $0x4268;
	s19 =	simm.s32 $0x3E80  }
0x2ce: {  	s7 =	simm.s32 $0x2EE0;
	s31 =	sld [smem:$0x7FA];
	s16 =	simm.s32 $0x6590  }
.Lfunc_end2:
_tile_overlayer_lowered:
.L_overlay_start_2:
0x2cf: {  	(tag) =	ssettag $0x2  }
0x2d0: {  	s0 =	rddreg [dreg:$0x0];
	s2 =	stileid.u32  }
0x2d1: {  	s1 =	rddreg [dreg:$0x1];
	p0 =	sne.s32 s2, $0x0  }
0x2d2: {  	s3 =	rddreg [dreg:$0x2];
	[bflag:$0x3] =	sbarrier.arrive $0xFFFF;
	s2 =	simm.s32 @!p0 $0x1C04  }
0x2d3: {  	[timem:s3], [sflag:s2] =	dma.local @!p0 [hbm:s0], s1  }
0x2d4: {  	s0 =	simm.s32 @!p0 $0x4  }
0x2d5: {  	_ =	swait.ge @!p0 [sflag:s0], s1  }
0x2d6: {  	s1 =	ssub.s32 @!p0 $0x0, s1;
	[sflag:s0] =	ssyncset.done @!p0 $0x0  }
0x2d7: {  	[sflag:s0] =	ssyncadd.s32 @!p0 s1  }
0x2d8: {  	[bflag:$0x3] =	sbarrier.arrive $0xFFFF  }
0x2d9: {  	_ =	shalt  }

// kernel: kernel.8.cloned.1.call-start
scs
__scs_entry_jumppad:
0x0: {  	(pc) =	sbr.rel $0x88, $3  }
0x1: {  	(tag) =	ssettag $0x0;
	lr =	simm.s32 $0x1  }
0x2: {  	[smem:$0x3F9A] =	sst lr;
	_ =	strace $0xD0000000  }
0x3: {  	_ = 	snop  }
0x4: {  	_ = 	snop  }
0x5: {  	_ = 	snop  }
0x6: {  	_ = 	snop  }
0x7: {  	_ = 	snop  }
__scs_overlays_trampoline_lowered:
0x8: {  	[smem:$0x3FA9] =	sst s0  }
0x9: {  	[smem:$0x3FAA] =	sst s1  }
0xa: {  	[smem:$0x3FAB] =	sst s2  }
0xb: {  	[smem:$0x3FAC] =	sst s3  }
0xc: {  	[smem:$0x3FAD] =	sst s4  }
0xd: {  	[smem:$0x3FAE] =	sst s5  }
0xe: {  	[smem:$0x3FAF] =	sst s6  }
0xf: {  	[smem:$0x3FB0] =	sst s7  }
0x10: {  	[smem:$0x3FB1] =	sst s8  }
0x11: {  	[smem:$0x3FB2] =	sst s9;
	s0 =	simm.s32 @!p0 $0x0  }
0x12: {  	s1 =	sld [smem:$0x3F98];
	s0 =	simm.s32 @p0 $0x1  }
0x13: {  	[smem:$0x3FB3] =	sst s0;
	s0 =	simm.s32 @!p1 $0x0  }
0x14: {  	s2 =	sld [smem:$0x3F97];
	s0 =	simm.s32 @p1 $0x1  }
0x15: {  	[smem:$0x3FB4] =	sst s0;
	s0 =	simm.s32 @!p2 $0x0  }
0x16: {  	s3 =	sld [smem:$0x3FDB];
	s0 =	simm.s32 @p2 $0x1  }
0x17: {  	s4 =	simm.s32 $0x1BF5;
	[smem:$0x3FB6] =	sst s0  }
0x18: {  	s0 =	sld [smem:$0x3F99];
	_ =	swait.ge [sflag:s4], $0x0  }
0x19: {  	s7 =	sld [smem:$0x3F9A]  }
0x1a: {  	s8 =	sadd.s32 $0xFFFFE003, lr  }
0x1b: {  	s9 =	sadd.s32 $0xFFFFFEF7, lr;
	s5 =	simm.s32 $0xFFFFFFFF;
	p2 =	slt.u32 s8, $0xFFFFF086  }
0x1c: {  	p1 =	slt.u32 s9, $0xF7A;
	s5 =	simm.s32 @!p2 $0x0  }
0x1d: {  	s5 =	simm.s32 @p1 $0x1;
	p0 =	seq.s32 s7, s2  }
0x1e: {  	s7 =	smul.u32 @!p0 $0xF7A, s2;
	p2 =	seq.s32 @!p0 s5, $0x0  }
0x1f: {  	s9 =	smul.u32 $0xF7A, s1;
	s8 =	simm.s32 @!p0 $0x1BF5;
	p2 =	por !p2, p0  }
0x20: {  	[sflag:s8] =	ssyncset.s32 @!p0 $0xFFFFF086;
	s6 =	sadd.s32 @!p0 s3, s7;
	s7 =	simm.s32 @!p0 $0x108  }
0x21: {  	s3 =	sadd.s32 s3, s9;
	s6 =	sadd.s32 @!p0 $0x88, s6;
	s7 =	simm.s32 @p2 $0x1082  }
0x22: {  	[simem:s7], [sflag:s8] =	dma.local @!p0 [hbm:s6], $0xF7A  }
0x23: {  	s9 =	sor.u32 $0xD0000000, s2;
	s6 =	simm.s32 $0x108;
	_ =	swait.ge @!p0 [sflag:s8], $0x0  }
0x24: {  	s3 =	sadd.s32 $0x88, s3;
	s6 =	simm.s32 @!p1 $0x1082;
	[sflag:s4] =	ssyncset.s32 $0xFFFFF086  }
0x25: {  	[simem:s6], [sflag:s4] =	dma.local [hbm:s3], $0xF7A  }
0x26: {  	[smem:$0x3F9A] =	sst s1;
	(tag) =	ssettag s2;
	_ =	strace s9  }
0x27: {  	s1 =	sld [smem:$0x3FAA]  }
0x28: {  	s2 =	sld [smem:$0x3FAB]  }
0x29: {  	s4 =	sld [smem:$0x3FAD]  }
0x2a: {  	p0 =	seq.s32 s5, $0x0;
	s5 =	sld [smem:$0x3FAE]  }
0x2b: {  	s6 =	sld [smem:$0x3FAF]  }
0x2c: {  	s7 =	sld [smem:$0x3FB0]  }
0x2d: {  	s3 =	simm.s32 $0x108;
	s8 =	sld [smem:$0x3FB1]  }
0x2e: {  	s3 =	simm.s32 @!p0 $0x1082;
	s9 =	sld [smem:$0x3FB2]  }
0x2f: {  	lr =	sadd.s32 s0, s3;
	s0 =	sld [smem:$0x3FA9]  }
0x30: {  	s3 =	sld [smem:$0x3FAC]  }
0x31: {  	[smem:$0x3FB5] =	sst s10  }
0x32: {  	s10 =	sld [smem:$0x3FB3];
	_ =	sdelay $0x3  }
0x33: {  	p0 =	seq.s32 s10, $0x1;
	s10 =	sld [smem:$0x3FB5];
	_ =	sdelay $0x3  }
0x34: {  	[smem:$0x3FB5] =	sst s10  }
0x35: {  	s10 =	sld [smem:$0x3FB4];
	_ =	sdelay $0x3  }
0x36: {  	p1 =	seq.s32 s10, $0x1;
	s10 =	sld [smem:$0x3FB5];
	_ =	sdelay $0x3  }
0x37: {  	[smem:$0x3FB5] =	sst s10  }
0x38: {  	s10 =	sld [smem:$0x3FB6]  }
0x39: {  	_ = 	snop;
	(pc) =	sbr.ind lr, $3  }
0x3a: {  	_ = 	snop  }
0x3b: {  	_ = 	snop  }
0x3c: {  	p2 =	seq.s32 s10, $0x1;
	s10 =	sld [smem:$0x3FB5]  }
0x3d: {  	_ =	shalt  }
0x3e: {  	_ =	shalt  }
0x3f: {  	_ =	shalt  }
0x40: {  	_ =	shalt  }
0x41: {  	_ =	shalt  }
0x42: {  	_ =	shalt  }
0x43: {  	_ =	shalt  }
0x44: {  	_ =	shalt  }
0x45: {  	_ =	shalt  }
0x46: {  	_ =	shalt  }
0x47: {  	_ =	shalt  }
0x48: {  	_ =	shalt  }
0x49: {  	_ =	shalt  }
0x4a: {  	_ =	shalt  }
0x4b: {  	_ =	shalt  }
0x4c: {  	_ =	shalt  }
0x4d: {  	_ =	shalt  }
0x4e: {  	_ =	shalt  }
0x4f: {  	_ =	shalt  }
0x50: {  	_ =	shalt  }
0x51: {  	_ =	shalt  }
0x52: {  	_ =	shalt  }
0x53: {  	_ =	shalt  }
0x54: {  	_ =	shalt  }
0x55: {  	_ =	shalt  }
0x56: {  	_ =	shalt  }
0x57: {  	_ =	shalt  }
0x58: {  	_ =	shalt  }
0x59: {  	_ =	shalt  }
0x5a: {  	_ =	shalt  }
0x5b: {  	_ =	shalt  }
0x5c: {  	_ =	shalt  }
0x5d: {  	_ =	shalt  }
0x5e: {  	_ =	shalt  }
0x5f: {  	_ =	shalt  }
0x60: {  	_ =	shalt  }
0x61: {  	_ =	shalt  }
0x62: {  	_ =	shalt  }
0x63: {  	_ =	shalt  }
0x64: {  	_ =	shalt  }
0x65: {  	_ =	shalt  }
0x66: {  	_ =	shalt  }
0x67: {  	_ =	shalt  }
0x68: {  	_ =	shalt  }
0x69: {  	_ =	shalt  }
0x6a: {  	_ =	shalt  }
0x6b: {  	_ =	shalt  }
0x6c: {  	_ =	shalt  }
0x6d: {  	_ =	shalt  }
0x6e: {  	_ =	shalt  }
0x6f: {  	_ =	shalt  }
0x70: {  	_ =	shalt  }
0x71: {  	_ =	shalt  }
0x72: {  	_ =	shalt  }
0x73: {  	_ =	shalt  }
0x74: {  	_ =	shalt  }
0x75: {  	_ =	shalt  }
0x76: {  	_ =	shalt  }
0x77: {  	_ =	shalt  }
0x78: {  	_ =	shalt  }
0x79: {  	_ =	shalt  }
0x7a: {  	_ =	shalt  }
0x7b: {  	_ =	shalt  }
0x7c: {  	_ =	shalt  }
0x7d: {  	_ =	shalt  }
0x7e: {  	_ =	shalt  }
0x7f: {  	_ =	shalt  }
0x80: {  	_ =	shalt  }
0x81: {  	_ =	shalt  }
0x82: {  	_ =	shalt  }
0x83: {  	_ =	shalt  }
0x84: {  	_ =	shalt  }
0x85: {  	_ =	shalt  }
0x86: {  	_ =	shalt  }
0x87: {  	_ =	shalt  }
.Lfunc_end0:
.L_simem_size_0:
called_computation_lowered:
.L_overlay_start_0:
0x88: {  	s2 =	sld [smem:$0x3FD9]  }
0x89: {  	s3 =	sld [smem:$0x3FFE];
	_ =	sdelay $0x1  }
0x8a: {  	s1 =	srdreg.scid  }
0x8b: {  	s0 =	sand.u32 $0x1, s1  }
0x8c: {  	s16 =	sshll.u32 s0, $0xA;
	s2 =	sadd.s32 s3, s2  }
0x8d: {  	s2 =	sadd.s32 s2, s16  }
0x8e: {  	[smem:$0x3FC1] =	sst s2  }
0x8f: {  	_ = 	snop  }
0x90: {  	(tm) =	ssettm $0x1  }
0x91: {  	s17 =	sld [smem:$0x3FFB];
	_ =	sdelay $0x3  }
0x92: {  	_ =	strace s17  }
0x93: {  	s2 =	sld [smem:$0x3FFC];
	_ =	sdelay $0x3  }
0x94: {  	_ =	strace s2  }
0x95: {  	s2 =	sld [smem:$0x3FFD];
	_ =	sdelay $0x3  }
0x96: {  	_ =	strace s2  }
0x97: {  	_ =	strace $0x8FFFFFFF  }
0x98: {  	s18 =	sld [smem:$0x3FDB];
	_ =	sdelay $0x1  }
0x99: {  	s19 =	simm.s32 $_scs_section_size  }
0x9a: {  	s4 =	simm.s32 $_size__tile_overlayer_lowered;
	s5 =	simm.s32 $_tile_overlayer_lowered  }
0x9b: {  	s22 =	simm.s32 $0x1BFF;
	s21 =	sshll.u32 s5, $0x1;
	s2 =	sadd.s32 s19, s18  }
0x9c: {  	s6 =	simm.s32 $0x0;
	s20 =	sshll.u32 s4, $0x1;
	s4 =	sadd.s32 s21, s2  }
0x9d: {  	[timem:s6], [sflag:s22] =	dma.local [hbm:s4], s20  }
0x9e: {  	_ =	swait.ge [sflag:s22], s20  }
0x9f: {  	s3 =	ssub.s32 $0x0, s20;
	[sflag:s22] =	ssyncset.done $0x0  }
0xa0: {  	[sflag:s22] =	ssyncadd.s32 s3;
	_ =	sdelay $0x1  }
0xa1: {  	s23 =	simm.s32 $0x1B8B  }
0xa2: {  	_ =	swait.ge [sflag:s23], $0x1  }
0xa3: {  	[sflag:s23] =	ssyncset.done $0x0  }
0xa4: {  	s25 =	simm.s32 $0x1B8E;
	s24 =	sld [smem:$0x3FFE];
	[sflag:s23] =	ssyncadd.s32 $0xFFFFFFFF  }
0xa5: {  	s26 =	simm.s32 $execute0_lowered;
	[smem:$0x3FD2] =	sst s25  }
0xa6: {  	s4 =	sshll.u32 s26, $0x1;
	_ =	strace $0x80000046;
	[dreg:$0x1] =	wrdreg $0xFFFFFFFF  }
0xa7: {  	s28 =	simm.s32 $_size_execute0_lowered;
	s2 =	sadd.s32 s2, s4;
	[dreg:$0x0] =	wrdreg $0x0  }
0xa8: {  	s4 =	sshll.u32 s28, $0x1;
	[dreg:$0x2] =	wrdreg s2  }
0xa9: {  	[dreg:$0x3] =	wrdreg s4  }
0xaa: {  	[dreg:$0x4] =	wrdreg $0xC0  }
0xab: {  	_ =	task [dreg:s6], $0x5FFFF  }
0xac: {  	[dreg:$0x1] =	wrdreg $0xFFFFFFFF  }
0xad: {  	[dreg:$0x0] =	wrdreg $0x60  }
0xae: {  	[dreg:$0x2] =	wrdreg s24  }
0xaf: {  	[dreg:$0x3] =	wrdreg $0x0  }
0xb0: {  	[dreg:$0x4] =	wrdreg $0x9  }
0xb1: {  	_ =	task.clear_ibuf [dreg:s6], $0x5FFFF;
	_ =	strace $0x90000046  }
0xb2: {  	s29 =	simm.s32 $0x9;
	_ =	strace $0x80000048  }
0xb3: {  	_ =	swait.ge [sflag:s29], $0x1  }
0xb4: {  	[sflag:s29] =	ssyncadd.s32 $0xFFFFFFFF  }
0xb5: {  	_ =	strace $0x90000048  }
0xb6: {  	_ =	sfence  }
0xb7: {  	s30 =	sld [smem:$0x0];
	_ =	sdelay $0x2  }
0xb8: {  	s31 =	sshll.u32 s1, $0xD;
	s1 =	sshrl.u32 s1, $0x2  }
0xb9: {  	s3 =	sand.u32 $0x4000, s31;
	s1 =	sadd.s32 s1, s30  }
0xba: {  	s0 =	sor.u32 s3, s0;
	s1 =	sshll.u32 s1, $0x11  }
0xbb: {  	s0 =	sor.u32 s1, s0  }
0xbc: {  	s0 =	sadd.s32 $0x8F2B, s0  }
0xbd: {  	[sflag:s0] =	ssyncadd.remote.s32 $0x1  }
0xbe: {  	_ =	sfence.sel $0xFFFF  }
0xbf: {  	[dreg:$0x0] =	wrdreg $0xFFFFFFFF;
	(pc) =	sbr.abs _section_cstart, $3  }
0xc0: {  	[dreg:$0x1] =	wrdreg $0xFFFFFFFF  }
0xc1: {  	_ =	task.clear_ibuf [dreg:s6], $0x2FFFF;
	_ =	strace $0x9FFFFFFF  }
0xc2: {  	(tm) =	ssettm $0x7FFFFFFF  }
0xc3: {  	_ =	shalt  }
tec
execute0_lowered:
.L_overlay_start_1:
0x0: {  	(tag) =	ssettag $0x1  }
0x1: {  	s6 =	rddreg [dreg:$0x0]  }
0x2: {  	s2 =	rddreg [dreg:$0x1]  }
0x3: {  	s0 =	rddreg [dreg:$0x2];
	s3 =	simm.s32 $0x0;
	s1 =	stileid.u32  }
0x4: {  	s5 =	srdreg.scid;
	s13 =	simm.s32 $0x7D0;
	s4 =	smul.u32 $0x1380, s1  }
0x5: {  	p1 =	por $0x0, $0x0;
	[smem:$0x7FF] =	sst s3;
	s10 =	smul.u32 $0x2710, s1  }
0x6: {  	s5 =	sand.u32 $0x1, s5;
	s15 =	sadd.s32 $0x18A00, s6;
	s12 =	smul.u32 $0x2700, s1  }
0x7: {  	s29 =	smul.u32 $0x4E00, s1;
	s20 =	sadd.s32 $0x18690, s6;
	p0 =	seq.s32 s1, $0xF  }
0x8: {  	_ =	strace $0x80000047;
	s8 =	smul.u32 $0x27100, s5;
	s9 =	ssub.s32 $0x2, s5  }
0x9: {  	s5 =	sadd.s32 s5, s6;
	s7 =	sshrl.u32 s4, $0x3;
	s11 =	sshrl.u32 s9, $0x1  }
0xa: {  	s30 =	sadd.s32 s12, s5;
	s31 =	sshrl.u32 s29, $0x2;
	s5 =	sadd.s32 $0x3DB00, s5  }
0xb: {  	s12 =	simm.s32 $0x1388;
	s7 =	sadd.s32 s7, s6;
	s9 =	ssub.s32 s9, s11  }
0xc: {  	s11 =	sadd.s32 s4, s2;
	s8 =	sadd.s32 s8, s10;
	s9 =	smax.u32 s9, $0x1  }
0xd: {  	s4 =	sadd.s32 $0x19200, s30;
	s22 =	sadd.s32 s31, s2;
	s26 =	sadd.s32 $0xFFFFFFFF, s9  }
0xe: {  	s18 =	sadd.s32 $0x16200, s7;
	s7 =	sadd.s32 $0x12480, s2;
	p2 =	sne.s32 s26, $0x0  }
.Ltmp0:
0xf: {  	s8 =	sshrl.u32 s8, $0x3;
	s21 =	sshrl.u32 @!p0 s11, $0x3;
	(pc) =	sbr.rel @!p2 .LBB2_3-.Ltmp0, $4  }
0x10: {  	s11 =	simm.s32 $0x1B58;
	s6 =	sadd.s32 s6, s8;
	s8 =	sshll.u32 @!p0 s1, $0x6  }
0x11: {  	s7 =	sshrl.u32 @p0 s7, $0x3;
	s9 =	simm.s32 $0x1;
	s19 =	sadd.s32 $0xC440, s6  }
0x12: {  	s17 =	sadd.s32 $0xC53A, s6;
	s16 =	sadd.s32 $0xC634, s6;
	s14 =	sadd.s32 $0xC72E, s6  }
0x13: {  	s10 =	sadd.s32 $0xC828, s6;
	s6 =	sor.u32 @!p0 $0x1C01, s8;
	s8 =	sshrl.u32 @!p0 s22, $0x3  }
0x14: {  	s23 =	simm.s32 @p0 $0x1FC1;
	s24 =	simm.s32 @p0 $0x1  }
0x15: {  	[spmem:s7], [sflag:s23] =	dma.local @p0 [hbm:s20], $0x280  }
0x16: {  	_ =	swait.ge @p0 [sflag:s24], $0x280  }
0x17: {  	[sflag:s24] =	ssyncset.done @p0 $0x0  }
0x18: {  	s22 =	simm.s32 @!p0 $0x1;
	[sflag:s24] =	ssyncadd.s32 @p0 $0xFFFFFD80  }
0x19: {  	[spmem:s21], [sflag:s6] =	dma.local @!p0 [hbm:s18], $0x270  }
0x1a: {  	_ =	swait.ge @!p0 [sflag:s22], $0x270  }
0x1b: {  	[sflag:s22] =	ssyncset.done @!p0 $0x0  }
0x1c: {  	[sflag:s22] =	ssyncadd.s32 @!p0 $0xFFFFFD90  }
0x1d: {  	[tilespmem:s11], [sflag:$0x1] =	stream.linear.gather [hbm4b:s15+s3], $0x3E80, $0x38;
	[tilespmem:$0x59D8] =	vst v63  }
0x1e: {  	_ =	swait.ge [sflag:s9], $0x3E80  }
0x1f: {  	[sflag:s9] =	ssyncset.done $0x0  }
0x20: {  	[sflag:s9] =	ssyncadd.s32 $0xFFFFC180  }
0x21: {  	[bflag:$0x0] =	sbarrier.arrive $0xFFFF  }
0x22: {  	[tilespmem:s12], [sflag:$0x1] =	stream.linear.gather [hbm4b:s19+s3], $0x7D0, $0x38;
	[tilespmem:$0x59D8] =	vst v63  }
0x23: {  	_ =	swait.ge [sflag:s9], $0x7D0  }
0x24: {  	[sflag:s9] =	ssyncset.done $0x0  }
0x25: {  	[sflag:s9] =	ssyncadd.s32 $0xFFFFF830  }
0x26: {  	[spmem:s2] =	stream.indirect.scatter.add.f32 [tilespmem:s11], [sflag:$0x1], $0x8, s12, s13, $0xb8;
	[tilespmem:$0x59D8] =	vst v63  }
0x27: {  	_ =	swait.ge [sflag:s9], $0x3E80  }
0x28: {  	[sflag:s9] =	ssyncset.done $0x0  }
0x29: {  	[sflag:s9] =	ssyncadd.s32 $0xFFFFC180  }
0x2a: {  	[tilespmem:s12], [sflag:$0x1] =	stream.linear.gather [hbm4b:s17+s3], $0x7D0, $0x38;
	[tilespmem:$0x59D8] =	vst v63  }
0x2b: {  	_ =	swait.ge [sflag:s9], $0x7D0  }
0x2c: {  	[sflag:s9] =	ssyncset.done $0x0  }
0x2d: {  	[sflag:s9] =	ssyncadd.s32 $0xFFFFF830  }
0x2e: {  	[spmem:s2] =	stream.indirect.scatter.add.f32 [tilespmem:s11], [sflag:$0x1], $0x8, s12, s13, $0xb8;
	[tilespmem:$0x59D8] =	vst v63  }
0x2f: {  	_ =	swait.ge [sflag:s9], $0x3E80  }
0x30: {  	[sflag:s9] =	ssyncset.done $0x0  }
0x31: {  	[sflag:s9] =	ssyncadd.s32 $0xFFFFC180  }
0x32: {  	[tilespmem:s12], [sflag:$0x1] =	stream.linear.gather [hbm4b:s16+s3], $0x7D0, $0x38;
	[tilespmem:$0x59D8] =	vst v63  }
0x33: {  	_ =	swait.ge [sflag:s9], $0x7D0  }
0x34: {  	[sflag:s9] =	ssyncset.done $0x0  }
0x35: {  	[sflag:s9] =	ssyncadd.s32 $0xFFFFF830  }
0x36: {  	[spmem:s2] =	stream.indirect.scatter.add.f32 [tilespmem:s11], [sflag:$0x1], $0x8, s12, s13, $0xb8;
	[tilespmem:$0x59D8] =	vst v63  }
0x37: {  	_ =	swait.ge [sflag:s9], $0x3E80  }
0x38: {  	[sflag:s9] =	ssyncset.done $0x0  }
0x39: {  	[sflag:s9] =	ssyncadd.s32 $0xFFFFC180  }
0x3a: {  	[tilespmem:s12], [sflag:$0x1] =	stream.linear.gather [hbm4b:s14+s3], $0x7D0, $0x38;
	[tilespmem:$0x59D8] =	vst v63  }
0x3b: {  	_ =	swait.ge [sflag:s9], $0x7D0  }
0x3c: {  	[sflag:s9] =	ssyncset.done $0x0  }
0x3d: {  	[sflag:s9] =	ssyncadd.s32 $0xFFFFF830  }
0x3e: {  	[spmem:s2] =	stream.indirect.scatter.add.f32 [tilespmem:s11], [sflag:$0x1], $0x8, s12, s13, $0xb8;
	[tilespmem:$0x59D8] =	vst v63  }
0x3f: {  	_ =	swait.ge [sflag:s9], $0x3E80  }
0x40: {  	[sflag:s9] =	ssyncset.done $0x0  }
0x41: {  	[sflag:s9] =	ssyncadd.s32 $0xFFFFC180  }
0x42: {  	[tilespmem:s12], [sflag:$0x1] =	stream.linear.gather [hbm4b:s10+s3], $0x7D0, $0x38;
	[tilespmem:$0x59D8] =	vst v63  }
0x43: {  	_ =	swait.ge [sflag:s9], $0x7D0  }
0x44: {  	[sflag:s9] =	ssyncset.done $0x0  }
0x45: {  	[sflag:s9] =	ssyncadd.s32 $0xFFFFF830  }
0x46: {  	[spmem:s2] =	stream.indirect.scatter.add.f32 [tilespmem:s11], [sflag:$0x1], $0x8, s12, s13, $0xb8;
	[tilespmem:$0x59D8] =	vst v63  }
0x47: {  	_ =	swait.ge [sflag:s9], $0x3E80  }
0x48: {  	[sflag:s9] =	ssyncset.done $0x0  }
0x49: {  	[sflag:s9] =	ssyncadd.s32 $0xFFFFC180  }
0x4a: {  	s25 =	simm.s32 @p0 $0x10;
	s26 =	sadd.s32 $0xFFFFFFFF, s26;
	[bflag:$0x0] =	sbarrier.arrive $0xFFFF  }
0x4b: {  	[hbm:s5@s25], [sflag:s23] =	dma.strided @p0 [spmem:s7@s24], $0x280, s24, $0x1   }
0x4c: {  	p2 =	sne.s32 s26, $0x0;
	_ =	swait.ge @p0 [sflag:s24], $0x280  }
.Ltmp1:
0x4d: {  	[sflag:s24] =	ssyncset.done @p0 $0x0;
	(pc) =	sbr.rel @!p2 .LBB2_3-.Ltmp1, $4  }
0x4e: {  	s28 =	simm.s32 @!p0 $0x10;
	[sflag:s24] =	ssyncadd.s32 @p0 $0xFFFFFD80  }
0x4f: {  	[hbm:s4@s28], [sflag:s6] =	dma.strided @!p0 [spmem:s8@s22], $0x270, s22, $0x1   }
0x50: {  	_ =	swait.ge @!p0 [sflag:s22], $0x270  }
0x51: {  	p1 =	por $0x1, $0x1;
	[sflag:s22] =	ssyncset.done @!p0 $0x0  }
.LBB2_2:
0x52: {  	[sflag:s22] =	ssyncadd.s32 @!p0 $0xFFFFFD90  }
0x53: {  	[spmem:s7], [sflag:s23] =	dma.local @p0 [hbm:s20], $0x280  }
0x54: {  	s26 =	sadd.s32 $0xFFFFFFFF, s26;
	_ =	swait.ge @p0 [sflag:s24], $0x280  }
0x55: {  	p2 =	sne.s32 s26, $0x0;
	[sflag:s24] =	ssyncset.done @p0 $0x0  }
0x56: {  	[sflag:s24] =	ssyncadd.s32 @p0 $0xFFFFFD80  }
0x57: {  	[spmem:s21], [sflag:s6] =	dma.local @!p0 [hbm:s18], $0x270  }
0x58: {  	_ =	swait.ge @!p0 [sflag:s22], $0x270  }
0x59: {  	[sflag:s22] =	ssyncset.done @!p0 $0x0  }
0x5a: {  	[sflag:s22] =	ssyncadd.s32 @!p0 $0xFFFFFD90  }
0x5b: {  	[tilespmem:s11], [sflag:$0x1] =	stream.linear.gather [hbm4b:s15+s3], $0x3E80, $0x38;
	[tilespmem:$0x59D8] =	vst v63  }
0x5c: {  	_ =	swait.ge [sflag:s9], $0x3E80  }
0x5d: {  	[sflag:s9] =	ssyncset.done $0x0  }
0x5e: {  	[sflag:s9] =	ssyncadd.s32 $0xFFFFC180  }
0x5f: {  	[bflag:$0x0] =	sbarrier.arrive $0xFFFF  }
0x60: {  	[tilespmem:s12], [sflag:$0x1] =	stream.linear.gather [hbm4b:s19+s3], $0x7D0, $0x38;
	[tilespmem:$0x59D8] =	vst v63  }
0x61: {  	_ =	swait.ge [sflag:s9], $0x7D0  }
0x62: {  	[sflag:s9] =	ssyncset.done $0x0  }
0x63: {  	[sflag:s9] =	ssyncadd.s32 $0xFFFFF830  }
0x64: {  	[spmem:s2] =	stream.indirect.scatter.add.f32 [tilespmem:s11], [sflag:$0x1], $0x8, s12, s13, $0xb8;
	[tilespmem:$0x59D8] =	vst v63  }
0x65: {  	_ =	swait.ge [sflag:s9], $0x3E80  }
0x66: {  	[sflag:s9] =	ssyncset.done $0x0  }
0x67: {  	[sflag:s9] =	ssyncadd.s32 $0xFFFFC180  }
0x68: {  	[tilespmem:s12], [sflag:$0x1] =	stream.linear.gather [hbm4b:s17+s3], $0x7D0, $0x38;
	[tilespmem:$0x59D8] =	vst v63  }
0x69: {  	_ =	swait.ge [sflag:s9], $0x7D0  }
0x6a: {  	[sflag:s9] =	ssyncset.done $0x0  }
0x6b: {  	[sflag:s9] =	ssyncadd.s32 $0xFFFFF830  }
0x6c: {  	[spmem:s2] =	stream.indirect.scatter.add.f32 [tilespmem:s11], [sflag:$0x1], $0x8, s12, s13, $0xb8;
	[tilespmem:$0x59D8] =	vst v63  }
0x6d: {  	_ =	swait.ge [sflag:s9], $0x3E80  }
0x6e: {  	[sflag:s9] =	ssyncset.done $0x0  }
0x6f: {  	[sflag:s9] =	ssyncadd.s32 $0xFFFFC180  }
0x70: {  	[tilespmem:s12], [sflag:$0x1] =	stream.linear.gather [hbm4b:s16+s3], $0x7D0, $0x38;
	[tilespmem:$0x59D8] =	vst v63  }
0x71: {  	_ =	swait.ge [sflag:s9], $0x7D0  }
0x72: {  	[sflag:s9] =	ssyncset.done $0x0  }
0x73: {  	[sflag:s9] =	ssyncadd.s32 $0xFFFFF830  }
0x74: {  	[spmem:s2] =	stream.indirect.scatter.add.f32 [tilespmem:s11], [sflag:$0x1], $0x8, s12, s13, $0xb8;
	[tilespmem:$0x59D8] =	vst v63  }
0x75: {  	_ =	swait.ge [sflag:s9], $0x3E80  }
0x76: {  	[sflag:s9] =	ssyncset.done $0x0  }
0x77: {  	[sflag:s9] =	ssyncadd.s32 $0xFFFFC180  }
0x78: {  	[tilespmem:s12], [sflag:$0x1] =	stream.linear.gather [hbm4b:s14+s3], $0x7D0, $0x38;
	[tilespmem:$0x59D8] =	vst v63  }
0x79: {  	_ =	swait.ge [sflag:s9], $0x7D0  }
0x7a: {  	[sflag:s9] =	ssyncset.done $0x0  }
0x7b: {  	[sflag:s9] =	ssyncadd.s32 $0xFFFFF830  }
0x7c: {  	[spmem:s2] =	stream.indirect.scatter.add.f32 [tilespmem:s11], [sflag:$0x1], $0x8, s12, s13, $0xb8;
	[tilespmem:$0x59D8] =	vst v63  }
0x7d: {  	_ =	swait.ge [sflag:s9], $0x3E80  }
0x7e: {  	[sflag:s9] =	ssyncset.done $0x0  }
0x7f: {  	[sflag:s9] =	ssyncadd.s32 $0xFFFFC180  }
0x80: {  	[tilespmem:s12], [sflag:$0x1] =	stream.linear.gather [hbm4b:s10+s3], $0x7D0, $0x38;
	[tilespmem:$0x59D8] =	vst v63  }
0x81: {  	_ =	swait.ge [sflag:s9], $0x7D0  }
0x82: {  	[sflag:s9] =	ssyncset.done $0x0  }
0x83: {  	[sflag:s9] =	ssyncadd.s32 $0xFFFFF830  }
0x84: {  	[spmem:s2] =	stream.indirect.scatter.add.f32 [tilespmem:s11], [sflag:$0x1], $0x8, s12, s13, $0xb8;
	[tilespmem:$0x59D8] =	vst v63  }
0x85: {  	_ =	swait.ge [sflag:s9], $0x3E80  }
0x86: {  	[sflag:s9] =	ssyncset.done $0x0  }
0x87: {  	[sflag:s9] =	ssyncadd.s32 $0xFFFFC180  }
0x88: {  	[bflag:$0x0] =	sbarrier.arrive $0xFFFF  }
0x89: {  	[hbm:s5@s25], [sflag:s23] =	dma.strided @p0 [spmem:s7@s24], $0x280, s24, $0x1   }
0x8a: {  	_ =	swait.ge @p0 [sflag:s24], $0x280  }
.Ltmp2:
0x8b: {  	[sflag:s24] =	ssyncset.done @p0 $0x0;
	(pc) =	sbr.rel @p2 .LBB2_2-.Ltmp2, $4  }
0x8c: {  	[sflag:s24] =	ssyncadd.s32 @p0 $0xFFFFFD80  }
0x8d: {  	[hbm:s4@s28], [sflag:s6] =	dma.strided @!p0 [spmem:s8@s22], $0x270, s22, $0x1   }
0x8e: {  	_ =	swait.ge @!p0 [sflag:s22], $0x270  }
0x8f: {  	[sflag:s22] =	ssyncset.done @!p0 $0x0  }
.LBB2_3:
0x90: {  	p1 =	por p0, !p1  }
0x91: {  	s23 =	simm.s32 @p0 $0x1FC1;
	s24 =	simm.s32 @p0 $0x1;
	[sflag:s22] =	ssyncadd.s32 @!p1 $0xFFFFFD90  }
0x92: {  	[spmem:s7], [sflag:s23] =	dma.local @p0 [hbm:s20], $0x280  }
0x93: {  	_ =	swait.ge @p0 [sflag:s24], $0x280  }
0x94: {  	[sflag:s24] =	ssyncset.done @p0 $0x0  }
0x95: {  	s20 =	simm.s32 @!p0 $0x1;
	[sflag:s24] =	ssyncadd.s32 @p0 $0xFFFFFD80  }
0x96: {  	[spmem:s21], [sflag:s6] =	dma.local @!p0 [hbm:s18], $0x270  }
0x97: {  	_ =	swait.ge @!p0 [sflag:s20], $0x270  }
0x98: {  	[sflag:s20] =	ssyncset.done @!p0 $0x0  }
0x99: {  	[sflag:s20] =	ssyncadd.s32 @!p0 $0xFFFFFD90  }
0x9a: {  	[tilespmem:s11], [sflag:$0x1] =	stream.linear.gather [hbm4b:s15+s3], $0x3E80, $0x38;
	[tilespmem:$0x59D8] =	vst v63  }
0x9b: {  	_ =	swait.ge [sflag:s9], $0x3E80  }
0x9c: {  	[sflag:s9] =	ssyncset.done $0x0  }
0x9d: {  	[sflag:s9] =	ssyncadd.s32 $0xFFFFC180  }
0x9e: {  	[bflag:$0x0] =	sbarrier.arrive $0xFFFF  }
0x9f: {  	[tilespmem:s12], [sflag:$0x1] =	stream.linear.gather [hbm4b:s19+s3], $0x7D0, $0x38;
	[tilespmem:$0x59D8] =	vst v63  }
0xa0: {  	_ =	swait.ge [sflag:s9], $0x7D0  }
0xa1: {  	[sflag:s9] =	ssyncset.done $0x0  }
0xa2: {  	[sflag:s9] =	ssyncadd.s32 $0xFFFFF830  }
0xa3: {  	[spmem:s2] =	stream.indirect.scatter.add.f32 [tilespmem:s11], [sflag:$0x1], $0x8, s12, s13, $0xb8;
	[tilespmem:$0x59D8] =	vst v63  }
0xa4: {  	_ =	swait.ge [sflag:s9], $0x3E80  }
0xa5: {  	[sflag:s9] =	ssyncset.done $0x0  }
0xa6: {  	[sflag:s9] =	ssyncadd.s32 $0xFFFFC180  }
0xa7: {  	[tilespmem:s12], [sflag:$0x1] =	stream.linear.gather [hbm4b:s17+s3], $0x7D0, $0x38;
	[tilespmem:$0x59D8] =	vst v63  }
0xa8: {  	_ =	swait.ge [sflag:s9], $0x7D0  }
0xa9: {  	[sflag:s9] =	ssyncset.done $0x0  }
0xaa: {  	[sflag:s9] =	ssyncadd.s32 $0xFFFFF830  }
0xab: {  	[spmem:s2] =	stream.indirect.scatter.add.f32 [tilespmem:s11], [sflag:$0x1], $0x8, s12, s13, $0xb8;
	[tilespmem:$0x59D8] =	vst v63  }
0xac: {  	_ =	swait.ge [sflag:s9], $0x3E80  }
0xad: {  	[sflag:s9] =	ssyncset.done $0x0  }
0xae: {  	[sflag:s9] =	ssyncadd.s32 $0xFFFFC180  }
0xaf: {  	[tilespmem:s12], [sflag:$0x1] =	stream.linear.gather [hbm4b:s16+s3], $0x7D0, $0x38;
	[tilespmem:$0x59D8] =	vst v63  }
0xb0: {  	_ =	swait.ge [sflag:s9], $0x7D0  }
0xb1: {  	[sflag:s9] =	ssyncset.done $0x0  }
0xb2: {  	[sflag:s9] =	ssyncadd.s32 $0xFFFFF830  }
0xb3: {  	[spmem:s2] =	stream.indirect.scatter.add.f32 [tilespmem:s11], [sflag:$0x1], $0x8, s12, s13, $0xb8;
	[tilespmem:$0x59D8] =	vst v63  }
0xb4: {  	_ =	swait.ge [sflag:s9], $0x3E80  }
0xb5: {  	[sflag:s9] =	ssyncset.done $0x0  }
0xb6: {  	[sflag:s9] =	ssyncadd.s32 $0xFFFFC180  }
0xb7: {  	[tilespmem:s12], [sflag:$0x1] =	stream.linear.gather [hbm4b:s14+s3], $0x7D0, $0x38;
	[tilespmem:$0x59D8] =	vst v63  }
0xb8: {  	_ =	swait.ge [sflag:s9], $0x7D0  }
0xb9: {  	[sflag:s9] =	ssyncset.done $0x0  }
0xba: {  	[sflag:s9] =	ssyncadd.s32 $0xFFFFF830  }
0xbb: {  	[spmem:s2] =	stream.indirect.scatter.add.f32 [tilespmem:s11], [sflag:$0x1], $0x8, s12, s13, $0xb8;
	[tilespmem:$0x59D8] =	vst v63  }
0xbc: {  	_ =	swait.ge [sflag:s9], $0x3E80  }
0xbd: {  	[sflag:s9] =	ssyncset.done $0x0  }
0xbe: {  	[sflag:s9] =	ssyncadd.s32 $0xFFFFC180  }
0xbf: {  	[tilespmem:s12], [sflag:$0x1] =	stream.linear.gather [hbm4b:s10+s3], $0x7D0, $0x38;
	[tilespmem:$0x59D8] =	vst v63  }
0xc0: {  	_ =	swait.ge [sflag:s9], $0x7D0  }
0xc1: {  	[sflag:s9] =	ssyncset.done $0x0  }
0xc2: {  	[sflag:s9] =	ssyncadd.s32 $0xFFFFF830  }
0xc3: {  	[spmem:s2] =	stream.indirect.scatter.add.f32 [tilespmem:s11], [sflag:$0x1], $0x8, s12, s13, $0xb8;
	[tilespmem:$0x59D8] =	vst v63  }
0xc4: {  	_ =	swait.ge [sflag:s9], $0x3E80  }
0xc5: {  	[sflag:s9] =	ssyncset.done $0x0  }
0xc6: {  	[sflag:s9] =	ssyncadd.s32 $0xFFFFC180  }
0xc7: {  	s2 =	simm.s32 @p0 $0x10;
	[bflag:$0x0] =	sbarrier.arrive $0xFFFF  }
0xc8: {  	[hbm:s5@s2], [sflag:s23] =	dma.strided @p0 [spmem:s7@s24], $0x280, s24, $0x1   }
0xc9: {  	_ =	swait.ge @p0 [sflag:s24], $0x280  }
0xca: {  	[sflag:s24] =	ssyncset.done @p0 $0x0  }
0xcb: {  	s2 =	simm.s32 @!p0 $0x10;
	[sflag:s24] =	ssyncadd.s32 @p0 $0xFFFFFD80  }
0xcc: {  	[hbm:s4@s2], [sflag:s6] =	dma.strided @!p0 [spmem:s8@s20], $0x270, s20, $0x1   }
0xcd: {  	_ =	swait.ge @!p0 [sflag:s20], $0x270  }
0xce: {  	[sflag:s20] =	ssyncset.done @!p0 $0x0  }
0xcf: {  	[sflag:s20] =	ssyncadd.s32 @!p0 $0xFFFFFD90  }
0xd0: {  	_ =	sfence.sel $0x180000  }
0xd1: {  	[bflag:$0x0] =	sbarrier.arrive $0xFFFF  }
0xd2: {  	p0 =	sne.s32 s1, $0x0;
	_ =	strace $0x90000047  }
0xd3: {  	s0 =	sadd.s32 @!p0 $0x100000, s0;
	[bflag:$0x2] =	sbarrier.arrive $0xFFFF  }
0xd4: {  	[sflag:s0] =	ssyncadd.tile.s32 @!p0 $0x1;
	_ =	shalt  }
.Lfunc_end2:
_tile_overlayer_lowered:
.L_overlay_start_2:
0xd5: {  	(tag) =	ssettag $0x2  }
0xd6: {  	s0 =	rddreg [dreg:$0x0];
	s2 =	stileid.u32  }
0xd7: {  	s1 =	rddreg [dreg:$0x1];
	p0 =	sne.s32 s2, $0x0  }
0xd8: {  	s3 =	rddreg [dreg:$0x2];
	[bflag:$0x3] =	sbarrier.arrive $0xFFFF;
	s2 =	simm.s32 @!p0 $0x1C01  }
0xd9: {  	[timem:s3], [sflag:s2] =	dma.local @!p0 [hbm:s0], s1  }
0xda: {  	s0 =	simm.s32 @!p0 $0x1  }
0xdb: {  	_ =	swait.ge @!p0 [sflag:s0], s1  }
0xdc: {  	s1 =	ssub.s32 @!p0 $0x0, s1;
	[sflag:s0] =	ssyncset.done @!p0 $0x0  }
0xdd: {  	[sflag:s0] =	ssyncadd.s32 @!p0 s1  }
0xde: {  	[bflag:$0x3] =	sbarrier.arrive $0xFFFF  }
0xdf: {  	_ =	shalt  }

</sc_bundles>
